<compile_context>
chip_gen: v7x
topology: tpu7x:2x2x1
jax: 0.10.2.dev20260603
libtpu: 0.0.44.dev20260713+nightly
codegen_flags: <defaults>
</compile_context>

<pallas_src>
import functools

import numpy as np
import jax
import jax.numpy as jnp
from jax import lax
from jax.experimental import pallas as pl
from jax.experimental.pallas import tpu as pltpu
from jax.experimental.pallas import tpu_sc as plsc

_N = 10000
_E = 160000
_F_IN = 32
_F_EDGE = 16
_C_OUT = 16
_EDGE_H = 64
_D1 = 64
_D2 = 8
_G = 64

_NW = 32
_CH = 128
_CPW = 40
_EP = _NW * _CPW * _CH
_NH = 4
_CPWH = _CPW // _NH
_EPH = _EP // _NH
_EB = 4096
_GRIDH = _EPH // _EB

_DP = lax.Precision.DEFAULT


def _sc_gather(cpw, node_attr, batching, sd2d):
    mesh = plsc.VectorSubcoreMesh(core_axis_name="c", subcore_axis_name="s")
    ep = _NW * cpw * _CH

    @functools.partial(
        pl.kernel,
        mesh=mesh,
        compiler_params=pltpu.CompilerParams(use_tc_tiling_on_sc=False),
        out_type=[
            jax.ShapeDtypeStruct((ep, _F_IN), jnp.bfloat16),
            jax.ShapeDtypeStruct((ep, 8), jnp.int32),
        ],
        scratch_types=[
            pltpu.VMEM((2, 2 * _CH), jnp.int32),
            pltpu.VMEM((2, _CH, _F_IN), jnp.bfloat16),
            pltpu.VMEM((2, _CH, 8), jnp.int32),
            pltpu.SemaphoreType.DMA,
            pltpu.SemaphoreType.DMA,
        ],
    )
    def k(na_hbm, bat_hbm, sd_hbm, xj_hbm, gb_hbm,
          idx_v, rows_v, gbrows_v, semx, semg):
        wid = lax.axis_index("s") * 2 + lax.axis_index("c")

        def body(c, carry):
            cx = []
            cg = []
            for b in range(2):
                row = wid * cpw + 2 * c + b
                pltpu.sync_copy(sd_hbm.at[row], idx_v.at[b])
                cx.append(pltpu.async_copy(
                    na_hbm.at[idx_v.at[b, pl.ds(0, _CH)]], rows_v.at[b], semx))
                cg.append(pltpu.async_copy(
                    bat_hbm.at[idx_v.at[b, pl.ds(_CH, _CH)]], gbrows_v.at[b],
                    semg))
            for b in range(2):
                row = wid * cpw + 2 * c + b
                cx[b].wait()
                pltpu.sync_copy(rows_v.at[b], xj_hbm.at[pl.ds(row * _CH, _CH)])
                cg[b].wait()
                pltpu.sync_copy(gbrows_v.at[b], gb_hbm.at[pl.ds(row * _CH, _CH)])
            return carry

        lax.fori_loop(0, cpw // 2, body, 0)

    return k(node_attr, batching, sd2d)


def _make_tc_edge(valid_limit):
    def body(ea_ref, xj_ref, gb_ref, W1_ref, b1_ref, W2_ref, b2_ref,
             R_ref, S_ref, out_ref):
        i = pl.program_id(0)

        @pl.when(i == 0)
        def _init():
            out_ref[...] = jnp.zeros((_G, _C_OUT), jnp.float32)

        mm = lambda a, b: lax.dot_general(
            a, b, (((1,), (0,)), ((), ())),
            preferred_element_type=jnp.float32)
        h = jnp.maximum(mm(ea_ref[...], W1_ref[...]) + b1_ref[...], 0.0)
        We = mm(h.astype(jnp.bfloat16), W2_ref[...]) + b2_ref[...]
        xr = mm(xj_ref[...], R_ref[...])
        msg = mm((xr * We).astype(jnp.bfloat16), S_ref[...])

        ohb = gb_ref[:, 0:1] == lax.broadcasted_iota(jnp.int32, (1, _G), 1)
        if valid_limit < _EPH:
            eid = i * _EB + lax.broadcasted_iota(jnp.int32, (_EB, 1), 0)
            ohb = ohb & (eid < valid_limit)
        oh = ohb.astype(jnp.bfloat16)
        out_ref[...] += lax.dot_general(
            oh, msg.astype(jnp.bfloat16), (((0,), (0,)), ((), ())),
            preferred_element_type=jnp.float32)
    return body


def _tc_edge(valid_limit, ea_h, xj_h, gb_h, W1, b1, W2, b2, R, S):
    full = lambda shape: pl.BlockSpec(shape, lambda i: (0,) * len(shape))
    return pl.pallas_call(
        _make_tc_edge(valid_limit),
        grid=(_GRIDH,),
        in_specs=[
            pl.BlockSpec((_EB, _F_EDGE), lambda i: (i, 0)),
            pl.BlockSpec((_EB, _F_IN), lambda i: (i, 0)),
            pl.BlockSpec((_EB, 8), lambda i: (i, 0)),
            full((_F_EDGE, _EDGE_H)),
            full((1, _EDGE_H)),
            full((_EDGE_H, _F_IN * _C_OUT)),
            full((1, _F_IN * _C_OUT)),
            full((_F_IN, _F_IN * _C_OUT)),
            full((_F_IN * _C_OUT, _C_OUT)),
        ],
        out_specs=full((_G, _C_OUT)),
        out_shape=jax.ShapeDtypeStruct((_G, _C_OUT), jnp.float32),
    )(ea_h, xj_h, gb_h, W1, b1, W2, b2, R, S)


def _tc_final_body(*refs):
    p_refs = refs[:_NH]
    (na_ref, bat_ref, Wr_ref, bc_ref,
     Wd1_ref, bd1_ref, Wd2_ref, bd2_ref, out_ref) = refs[_NH:]
    ohB = (bat_ref[...] == lax.broadcasted_iota(
        jnp.int32, (1, _G), 1)).astype(jnp.float32)
    t = lax.dot_general(ohB, na_ref[...],
                        (((0,), (0,)), ((), ())), precision=_DP)
    gnode = jnp.dot(t, Wr_ref[...], precision=_DP)
    cnt = lax.dot_general(ohB, jnp.ones((_N, 1), jnp.float32),
                          (((0,), (0,)), ((), ())), precision=_DP)
    g = gnode + cnt * bc_ref[...]
    for p_ref in p_refs:
        g = g + p_ref[...]
    gr = jnp.maximum(
        jnp.dot(g, Wd1_ref[...], precision=_DP) + bd1_ref[...], 0.0)
    out_ref[...] = jnp.dot(gr, Wd2_ref[...], precision=_DP) + bd2_ref[...]


def _tc_final(parts, node_attr, bat2, W_root, b_conv, Wd1, bd1, Wd2, bd2):
    return pl.pallas_call(
        _tc_final_body,
        out_shape=jax.ShapeDtypeStruct((_G, _D2), jnp.float32),
    )(*parts, node_attr, bat2, W_root, b_conv, Wd1, bd1, Wd2, bd2)


def kernel(node_attr, edge_index, edge_attr, batching, W1, b1, W2, b2,
           W_root, b_conv, Wd1, bd1, Wd2, bd2):
    pad = _EP - _E
    src2d = jnp.concatenate(
        [edge_index[0], jnp.zeros((pad,), jnp.int32)]).reshape(_NW * _CPW, _CH)
    dst2d = jnp.concatenate(
        [edge_index[1], jnp.zeros((pad,), jnp.int32)]).reshape(_NW * _CPW, _CH)
    sd2d = jnp.concatenate([src2d, dst2d], axis=1)
    ea_p = jnp.concatenate(
        [edge_attr, jnp.zeros((pad, _F_EDGE), jnp.float32)]).astype(
            jnp.bfloat16)
    bat8 = jnp.broadcast_to(batching[:, None], (_N, 8))
    nab = node_attr.astype(jnp.bfloat16)

    R_np = np.zeros((_F_IN, _F_IN * _C_OUT), np.float32)
    for i in range(_F_IN):
        R_np[i, i * _C_OUT:(i + 1) * _C_OUT] = 1.0
    S_np = np.kron(np.ones((_F_IN, 1), np.float32),
                   np.eye(_C_OUT, dtype=np.float32))
    R = jnp.asarray(R_np).astype(jnp.bfloat16)
    S = jnp.asarray(S_np).astype(jnp.bfloat16)
    W1b = W1.astype(jnp.bfloat16)
    W2b = W2.astype(jnp.bfloat16)

    b1r = b1.reshape(1, -1)
    b2r = b2.reshape(1, -1)
    rows_h = _NW * _CPWH
    parts = []
    for hh in range(_NH):
        sd_h = lax.slice_in_dim(sd2d, hh * rows_h, (hh + 1) * rows_h, axis=0)
        xj_h, gb_h = _sc_gather(_CPWH, nab, bat8, sd_h)
        ea_h = lax.slice_in_dim(ea_p, hh * _EPH, (hh + 1) * _EPH, axis=0)
        limit = min(_EPH, max(0, _E - hh * _EPH))
        parts.append(_tc_edge(limit, ea_h, xj_h, gb_h, W1b, b1r, W2b, b2r,
                              R, S))

    return _tc_final(parts, node_attr, batching.reshape(_N, 1),
                     W_root, b_conv.reshape(1, -1), Wd1, bd1.reshape(1, -1),
                     Wd2, bd2.reshape(1, -1))

# --- scband reference (transcript-rebuilt; emitter-appended) ---
"""Pipeline reference for scband-nnconv-net-49177375539511 (READ-ONLY COPY).

The authoritative reference and input builder live on the scoring server;
editing this copy changes nothing except your own understanding.
"""

import jax, jax.numpy as jnp
import numpy as np

N, E = 10000, 160000
F_IN, F_EDGE, C_OUT = 32, 16, 16
EDGE_H = 64
D1, D2 = 64, 8
NUM_GRAPHS = 64


def setup_inputs(seed: int = 0) -> dict:
    key = jax.random.key(seed)
    ks = jax.random.split(key, 16)
    node_attr = jax.random.normal(ks[0], (N, F_IN), dtype=jnp.float32)
    edge_index = jax.random.randint(ks[1], (2, E), 0, N, dtype=jnp.int32)
    edge_attr = jax.random.normal(ks[2], (E, F_EDGE), dtype=jnp.float32)
    batching = jnp.sort(jax.random.randint(ks[3], (N,), 0, NUM_GRAPHS, dtype=jnp.int32))
    # edge_nn (EdgeNet): Linear(16->64), ReLU, Linear(64->512=32*16)
    W1 = jax.random.normal(ks[4], (F_EDGE, EDGE_H), dtype=jnp.float32) * 0.1
    b1 = jnp.zeros((EDGE_H,), dtype=jnp.float32)
    W2 = jax.random.normal(ks[5], (EDGE_H, F_IN * C_OUT), dtype=jnp.float32) * 0.05
    b2 = jnp.zeros((F_IN * C_OUT,), dtype=jnp.float32)
    # NNConv root weight + bias
    W_root = jax.random.normal(ks[6], (F_IN, C_OUT), dtype=jnp.float32) * 0.1
    b_conv = jnp.zeros((C_OUT,), dtype=jnp.float32)
    # dense head: Linear(16->64), Linear(64->8)
    Wd1 = jax.random.normal(ks[7], (C_OUT, D1), dtype=jnp.float32) * 0.1
    bd1 = jnp.zeros((D1,), dtype=jnp.float32)
    Wd2 = jax.random.normal(ks[8], (D1, D2), dtype=jnp.float32) * 0.1
    bd2 = jnp.zeros((D2,), dtype=jnp.float32)
    return {"node_attr": node_attr, "edge_index": edge_index, "edge_attr": edge_attr,
            "batching": batching, "W1": W1, "b1": b1, "W2": W2, "b2": b2,
            "W_root": W_root, "b_conv": b_conv, "Wd1": Wd1, "bd1": bd1,
            "Wd2": Wd2, "bd2": bd2}


def reference(node_attr, edge_index, edge_attr, batching, W1, b1, W2, b2,
              W_root, b_conv, Wd1, bd1, Wd2, bd2):
    # EdgeNet: MLP over edge features -> per-edge weight matrix [E, F_IN, C_OUT]
    h = jnp.maximum(edge_attr @ W1 + b1, 0.0)
    We = (h @ W2 + b2).reshape(-1, F_IN, C_OUT)
    src = edge_index[0]
    dst = edge_index[1]
    # NNConv message: x_j (gathered by src) times edge-conditioned weight
    x_j = node_attr[src]
    msg = jnp.einsum('ei,eio->eo', x_j, We)
    # aggregate (sum) by destination node
    agg = jax.ops.segment_sum(msg, dst, num_segments=node_attr.shape[0])
    # root transform + bias (single conv layer => no clamp applied, matches torch loop)
    x = node_attr @ W_root + agg + b_conv
    # global_sum_pool over graph batching vector
    g = jax.ops.segment_sum(x, batching, num_segments=NUM_GRAPHS)
    # dense head: clamp(0) on all but last
    g = jnp.maximum(g @ Wd1 + bd1, 0.0)
    out = g @ Wd2 + bd2
    return out

if __name__ == "__main__":
    import jax
    _d = setup_inputs()
    print(jax.jit(kernel)(*tuple(_d.values())))

</pallas_src>

<mosaic_0001>
#map = affine_map<(d0, d1) -> (0, 0)>
module attributes {stable_mosaic.version = 14 : i64} {
  func.func @k(%arg0: i32, %arg1: i32, %arg2: memref<10000x32xbf16, #tpu.memory_space<hbm>>, %arg3: memref<10000x8xi32, #tpu.memory_space<hbm>>, %arg4: memref<320x256xi32, #tpu.memory_space<hbm>>, %arg5: memref<40960x32xbf16, #tpu.memory_space<hbm>>, %arg6: memref<40960x8xi32, #tpu.memory_space<hbm>>, %arg7: memref<2x256xi32, #tpu.memory_space<vmem>>, %arg8: memref<2x128x32xbf16, #tpu.memory_space<vmem>>, %arg9: memref<2x128x8xi32, #tpu.memory_space<vmem>>, %arg10: memref<!tpu.dma_semaphore, #tpu.memory_space<semaphore_mem>>, %arg11: memref<!tpu.dma_semaphore, #tpu.memory_space<semaphore_mem>>) attributes {dimension_semantics = [#tpu.dimension_semantics<core_parallel>, #tpu.dimension_semantics<subcore_parallel>], iteration_bounds = array<i64: 2, 16>, scalar_prefetch = 0 : i64, scratch_operands = 5 : i64, tpu.core_type = #tpu.core_type<sc_vector_subcore>, window_params = [{transform_indices = #map}, {transform_indices = #map}, {transform_indices = #map}, {transform_indices = #map}, {transform_indices = #map}]} {
    %mul3A = arith.constant 2 : i32
    %mul3A_0 = arith.muli %arg1, %mul3A : i32
    %add3A = arith.addi %mul3A_0, %arg0 : i32
    %scan3A = arith.constant 0 : i32
    %scan3A_1 = arith.constant 0 : i32
    %scan3A_2 = arith.constant 5 : i32
    %scan3A_3 = arith.addi %scan3A_1, %scan3A_2 : i32
    %scan3A_4 = arith.constant 1 : i32
    scf.for %scan3A_6 = %scan3A_1 to %scan3A_3 step %scan3A_4  : i32 {
      %mul3A_7 = arith.constant 10 : i32
      %mul3A_8 = arith.muli %add3A, %mul3A_7 : i32
      %mul3A_9 = arith.constant 2 : i32
      %mul3A_10 = arith.muli %mul3A_9, %scan3A_6 : i32
      %add3A_11 = arith.addi %mul3A_8, %mul3A_10 : i32
      %add3A_12 = arith.constant 0 : i32
      %add3A_13 = arith.addi %add3A_11, %add3A_12 : i32
      %run_scoped3A = arith.constant 0 : i32
      "tpu.region"() ({
        %run_scoped3A_142 = tpu.sem_alloc : memref<!tpu.dma_semaphore, #tpu.memory_space<semaphore_mem>>
        %dma_start3A_143 = arith.constant 0 : i32
        %dma_start3A_144 = tpu.memref_slice %arg7[%run_scoped3A, %dma_start3A_143] : memref<2x256xi32, #tpu.memory_space<vmem>> -> memref<1x256xi32, #tpu.memory_space<vmem>>
        %dma_start3A_145 = tpu.memref_squeeze %dma_start3A_144 : memref<1x256xi32, #tpu.memory_space<vmem>> -> memref<256xi32, #tpu.memory_space<vmem>>
        %dma_start3A_146 = arith.constant 0 : i32
        %dma_start3A_147 = tpu.memref_slice %arg4[%add3A_13, %dma_start3A_146] : memref<320x256xi32, #tpu.memory_space<hbm>> -> memref<1x256xi32, #tpu.memory_space<hbm>>
        %dma_start3A_148 = tpu.memref_squeeze %dma_start3A_147 : memref<1x256xi32, #tpu.memory_space<hbm>> -> memref<256xi32, #tpu.memory_space<hbm>>
        %dma_start3A_149 = arith.constant 0 : i32
        %dma_start3A_150 = tpu.memref_slice %arg7[%run_scoped3A, %dma_start3A_149] : memref<2x256xi32, #tpu.memory_space<vmem>> -> memref<1x256xi32, #tpu.memory_space<vmem>>
        %dma_start3A_151 = tpu.memref_squeeze %dma_start3A_150 : memref<1x256xi32, #tpu.memory_space<vmem>> -> memref<256xi32, #tpu.memory_space<vmem>>
        %dma_start3A_152 = arith.constant 0 : i32
        %dma_start3A_153 = tpu.memref_slice %arg4[%add3A_13, %dma_start3A_152] : memref<320x256xi32, #tpu.memory_space<hbm>> -> memref<1x256xi32, #tpu.memory_space<hbm>>
        %dma_start3A_154 = tpu.memref_squeeze %dma_start3A_153 : memref<1x256xi32, #tpu.memory_space<hbm>> -> memref<256xi32, #tpu.memory_space<hbm>>
        tpu.enqueue_dma source(%dma_start3A_154 : memref<256xi32, #tpu.memory_space<hbm>>) target(%dma_start3A_151 : memref<256xi32, #tpu.memory_space<vmem>>) target_semaphore(%run_scoped3A_142 : memref<!tpu.dma_semaphore, #tpu.memory_space<semaphore_mem>>)
        %dma_wait3A_155 = arith.constant 0 : i32
        %dma_wait3A_156 = tpu.memref_slice %arg7[%run_scoped3A, %dma_wait3A_155] : memref<2x256xi32, #tpu.memory_space<vmem>> -> memref<1x256xi32, #tpu.memory_space<vmem>>
        %dma_wait3A_157 = tpu.memref_squeeze %dma_wait3A_156 : memref<1x256xi32, #tpu.memory_space<vmem>> -> memref<256xi32, #tpu.memory_space<vmem>>
        %dma_wait3A_158 = arith.constant 0 : i32
        %dma_wait3A_159 = tpu.memref_slice %arg4[%add3A_13, %dma_wait3A_158] : memref<320x256xi32, #tpu.memory_space<hbm>> -> memref<1x256xi32, #tpu.memory_space<hbm>>
        %dma_wait3A_160 = tpu.memref_squeeze %dma_wait3A_159 : memref<1x256xi32, #tpu.memory_space<hbm>> -> memref<256xi32, #tpu.memory_space<hbm>>
        %dma_wait3A_161 = arith.constant 0 : i32
        %dma_wait3A_162 = tpu.memref_slice %arg7[%run_scoped3A, %dma_wait3A_161] : memref<2x256xi32, #tpu.memory_space<vmem>> -> memref<1x256xi32, #tpu.memory_space<vmem>>
        %dma_wait3A_163 = tpu.memref_squeeze %dma_wait3A_162 : memref<1x256xi32, #tpu.memory_space<vmem>> -> memref<256xi32, #tpu.memory_space<vmem>>
        %dma_wait3A_164 = arith.constant 0 : i32
        %dma_wait3A_165 = tpu.memref_slice %arg4[%add3A_13, %dma_wait3A_164] : memref<320x256xi32, #tpu.memory_space<hbm>> -> memref<1x256xi32, #tpu.memory_space<hbm>>
        %dma_wait3A_166 = tpu.memref_squeeze %dma_wait3A_165 : memref<1x256xi32, #tpu.memory_space<hbm>> -> memref<256xi32, #tpu.memory_space<hbm>>
        tpu.wait_dma2 semaphore(%run_scoped3A_142 : memref<!tpu.dma_semaphore, #tpu.memory_space<semaphore_mem>>) src(%dma_wait3A_166 : memref<256xi32, #tpu.memory_space<hbm>>) dst(%dma_wait3A_163 : memref<256xi32, #tpu.memory_space<vmem>>)
        tpu.yield
      }) : () -> ()
      %dma_start3A = arith.constant 0 : i32
      %dma_start3A_14 = arith.constant 0 : i32
      %dma_start3A_15 = arith.constant 0 : i32
      %dma_start3A_16 = arith.constant 0 : i32
      %dma_start3A_17 = tpu.memref_slice %arg8[%dma_start3A_14, %dma_start3A_15, %dma_start3A_16] : memref<2x128x32xbf16, #tpu.memory_space<vmem>> -> memref<1x128x32xbf16, #tpu.memory_space<vmem>>
      %dma_start3A_18 = tpu.memref_squeeze %dma_start3A_17 : memref<1x128x32xbf16, #tpu.memory_space<vmem>> -> memref<128x32xbf16, #tpu.memory_space<vmem>>
      %dma_start3A_19 = arith.constant 0 : i32
      %dma_start3A_20 = tpu.memref_slice %arg7[%dma_start3A, %dma_start3A_19] : memref<2x256xi32, #tpu.memory_space<vmem>> -> memref<1x128xi32, #tpu.memory_space<vmem>>
      %dma_start3A_21 = tpu.memref_squeeze %dma_start3A_20 : memref<1x128xi32, #tpu.memory_space<vmem>> -> memref<128xi32, #tpu.memory_space<vmem>>
      %dma_start3A_22 = arith.constant 0 : i32
      %dma_start3A_23 = arith.constant 0 : i32
      %dma_start3A_24 = tpu.memref_slice %arg2[%dma_start3A_22, %dma_start3A_23] : memref<10000x32xbf16, #tpu.memory_space<hbm>> -> memref<10000x32xbf16, #tpu.memory_space<hbm>>
      tpu.enqueue_indirect_dma source(%dma_start3A_24 : memref<10000x32xbf16, #tpu.memory_space<hbm>>) target(%dma_start3A_18 : memref<128x32xbf16, #tpu.memory_space<vmem>>) offsets(%dma_start3A_21 : memref<128xi32, #tpu.memory_space<vmem>>) semaphore(%arg10 : memref<!tpu.dma_semaphore, #tpu.memory_space<semaphore_mem>>)
      %dma_start3A_25 = arith.constant 0 : i32
      %dma_start3A_26 = arith.constant 0 : i32
      %dma_start3A_27 = arith.constant 0 : i32
      %dma_start3A_28 = arith.constant 0 : i32
      %dma_start3A_29 = tpu.memref_slice %arg9[%dma_start3A_26, %dma_start3A_27, %dma_start3A_28] : memref<2x128x8xi32, #tpu.memory_space<vmem>> -> memref<1x128x8xi32, #tpu.memory_space<vmem>>
      %dma_start3A_30 = tpu.memref_squeeze %dma_start3A_29 : memref<1x128x8xi32, #tpu.memory_space<vmem>> -> memref<128x8xi32, #tpu.memory_space<vmem>>
      %dma_start3A_31 = arith.constant 128 : i32
      %dma_start3A_32 = tpu.memref_slice %arg7[%dma_start3A_25, %dma_start3A_31] : memref<2x256xi32, #tpu.memory_space<vmem>> -> memref<1x128xi32, #tpu.memory_space<vmem>>
      %dma_start3A_33 = tpu.memref_squeeze %dma_start3A_32 : memref<1x128xi32, #tpu.memory_space<vmem>> -> memref<128xi32, #tpu.memory_space<vmem>>
      %dma_start3A_34 = arith.constant 0 : i32
      %dma_start3A_35 = arith.constant 0 : i32
      %dma_start3A_36 = tpu.memref_slice %arg3[%dma_start3A_34, %dma_start3A_35] : memref<10000x8xi32, #tpu.memory_space<hbm>> -> memref<10000x8xi32, #tpu.memory_space<hbm>>
      tpu.enqueue_indirect_dma source(%dma_start3A_36 : memref<10000x8xi32, #tpu.memory_space<hbm>>) target(%dma_start3A_30 : memref<128x8xi32, #tpu.memory_space<vmem>>) offsets(%dma_start3A_33 : memref<128xi32, #tpu.memory_space<vmem>>) semaphore(%arg11 : memref<!tpu.dma_semaphore, #tpu.memory_space<semaphore_mem>>)
      %mul3A_37 = arith.constant 10 : i32
      %mul3A_38 = arith.muli %add3A, %mul3A_37 : i32
      %mul3A_39 = arith.constant 2 : i32
      %mul3A_40 = arith.muli %mul3A_39, %scan3A_6 : i32
      %add3A_41 = arith.addi %mul3A_38, %mul3A_40 : i32
      %add3A_42 = arith.constant 1 : i32
      %add3A_43 = arith.addi %add3A_41, %add3A_42 : i32
      %run_scoped3A_44 = arith.constant 1 : i32
      "tpu.region"() ({
        %run_scoped3A_142 = tpu.sem_alloc : memref<!tpu.dma_semaphore, #tpu.memory_space<semaphore_mem>>
        %dma_start3A_143 = arith.constant 0 : i32
        %dma_start3A_144 = tpu.memref_slice %arg7[%run_scoped3A_44, %dma_start3A_143] : memref<2x256xi32, #tpu.memory_space<vmem>> -> memref<1x256xi32, #tpu.memory_space<vmem>>
        %dma_start3A_145 = tpu.memref_squeeze %dma_start3A_144 : memref<1x256xi32, #tpu.memory_space<vmem>> -> memref<256xi32, #tpu.memory_space<vmem>>
        %dma_start3A_146 = arith.constant 0 : i32
        %dma_start3A_147 = tpu.memref_slice %arg4[%add3A_43, %dma_start3A_146] : memref<320x256xi32, #tpu.memory_space<hbm>> -> memref<1x256xi32, #tpu.memory_space<hbm>>
        %dma_start3A_148 = tpu.memref_squeeze %dma_start3A_147 : memref<1x256xi32, #tpu.memory_space<hbm>> -> memref<256xi32, #tpu.memory_space<hbm>>
        %dma_start3A_149 = arith.constant 0 : i32
        %dma_start3A_150 = tpu.memref_slice %arg7[%run_scoped3A_44, %dma_start3A_149] : memref<2x256xi32, #tpu.memory_space<vmem>> -> memref<1x256xi32, #tpu.memory_space<vmem>>
        %dma_start3A_151 = tpu.memref_squeeze %dma_start3A_150 : memref<1x256xi32, #tpu.memory_space<vmem>> -> memref<256xi32, #tpu.memory_space<vmem>>
        %dma_start3A_152 = arith.constant 0 : i32
        %dma_start3A_153 = tpu.memref_slice %arg4[%add3A_43, %dma_start3A_152] : memref<320x256xi32, #tpu.memory_space<hbm>> -> memref<1x256xi32, #tpu.memory_space<hbm>>
        %dma_start3A_154 = tpu.memref_squeeze %dma_start3A_153 : memref<1x256xi32, #tpu.memory_space<hbm>> -> memref<256xi32, #tpu.memory_space<hbm>>
        tpu.enqueue_dma source(%dma_start3A_154 : memref<256xi32, #tpu.memory_space<hbm>>) target(%dma_start3A_151 : memref<256xi32, #tpu.memory_space<vmem>>) target_semaphore(%run_scoped3A_142 : memref<!tpu.dma_semaphore, #tpu.memory_space<semaphore_mem>>)
        %dma_wait3A_155 = arith.constant 0 : i32
        %dma_wait3A_156 = tpu.memref_slice %arg7[%run_scoped3A_44, %dma_wait3A_155] : memref<2x256xi32, #tpu.memory_space<vmem>> -> memref<1x256xi32, #tpu.memory_space<vmem>>
        %dma_wait3A_157 = tpu.memref_squeeze %dma_wait3A_156 : memref<1x256xi32, #tpu.memory_space<vmem>> -> memref<256xi32, #tpu.memory_space<vmem>>
        %dma_wait3A_158 = arith.constant 0 : i32
        %dma_wait3A_159 = tpu.memref_slice %arg4[%add3A_43, %dma_wait3A_158] : memref<320x256xi32, #tpu.memory_space<hbm>> -> memref<1x256xi32, #tpu.memory_space<hbm>>
        %dma_wait3A_160 = tpu.memref_squeeze %dma_wait3A_159 : memref<1x256xi32, #tpu.memory_space<hbm>> -> memref<256xi32, #tpu.memory_space<hbm>>
        %dma_wait3A_161 = arith.constant 0 : i32
        %dma_wait3A_162 = tpu.memref_slice %arg7[%run_scoped3A_44, %dma_wait3A_161] : memref<2x256xi32, #tpu.memory_space<vmem>> -> memref<1x256xi32, #tpu.memory_space<vmem>>
        %dma_wait3A_163 = tpu.memref_squeeze %dma_wait3A_162 : memref<1x256xi32, #tpu.memory_space<vmem>> -> memref<256xi32, #tpu.memory_space<vmem>>
        %dma_wait3A_164 = arith.constant 0 : i32
        %dma_wait3A_165 = tpu.memref_slice %arg4[%add3A_43, %dma_wait3A_164] : memref<320x256xi32, #tpu.memory_space<hbm>> -> memref<1x256xi32, #tpu.memory_space<hbm>>
        %dma_wait3A_166 = tpu.memref_squeeze %dma_wait3A_165 : memref<1x256xi32, #tpu.memory_space<hbm>> -> memref<256xi32, #tpu.memory_space<hbm>>
        tpu.wait_dma2 semaphore(%run_scoped3A_142 : memref<!tpu.dma_semaphore, #tpu.memory_space<semaphore_mem>>) src(%dma_wait3A_166 : memref<256xi32, #tpu.memory_space<hbm>>) dst(%dma_wait3A_163 : memref<256xi32, #tpu.memory_space<vmem>>)
        tpu.yield
      }) : () -> ()
      %dma_start3A_45 = arith.constant 1 : i32
      %dma_start3A_46 = arith.constant 1 : i32
      %dma_start3A_47 = arith.constant 0 : i32
      %dma_start3A_48 = arith.constant 0 : i32
      %dma_start3A_49 = tpu.memref_slice %arg8[%dma_start3A_46, %dma_start3A_47, %dma_start3A_48] : memref<2x128x32xbf16, #tpu.memory_space<vmem>> -> memref<1x128x32xbf16, #tpu.memory_space<vmem>>
      %dma_start3A_50 = tpu.memref_squeeze %dma_start3A_49 : memref<1x128x32xbf16, #tpu.memory_space<vmem>> -> memref<128x32xbf16, #tpu.memory_space<vmem>>
      %dma_start3A_51 = arith.constant 0 : i32
      %dma_start3A_52 = tpu.memref_slice %arg7[%dma_start3A_45, %dma_start3A_51] : memref<2x256xi32, #tpu.memory_space<vmem>> -> memref<1x128xi32, #tpu.memory_space<vmem>>
      %dma_start3A_53 = tpu.memref_squeeze %dma_start3A_52 : memref<1x128xi32, #tpu.memory_space<vmem>> -> memref<128xi32, #tpu.memory_space<vmem>>
      %dma_start3A_54 = arith.constant 0 : i32
      %dma_start3A_55 = arith.constant 0 : i32
      %dma_start3A_56 = tpu.memref_slice %arg2[%dma_start3A_54, %dma_start3A_55] : memref<10000x32xbf16, #tpu.memory_space<hbm>> -> memref<10000x32xbf16, #tpu.memory_space<hbm>>
      tpu.enqueue_indirect_dma source(%dma_start3A_56 : memref<10000x32xbf16, #tpu.memory_space<hbm>>) target(%dma_start3A_50 : memref<128x32xbf16, #tpu.memory_space<vmem>>) offsets(%dma_start3A_53 : memref<128xi32, #tpu.memory_space<vmem>>) semaphore(%arg10 : memref<!tpu.dma_semaphore, #tpu.memory_space<semaphore_mem>>)
      %dma_start3A_57 = arith.constant 1 : i32
      %dma_start3A_58 = arith.constant 1 : i32
      %dma_start3A_59 = arith.constant 0 : i32
      %dma_start3A_60 = arith.constant 0 : i32
      %dma_start3A_61 = tpu.memref_slice %arg9[%dma_start3A_58, %dma_start3A_59, %dma_start3A_60] : memref<2x128x8xi32, #tpu.memory_space<vmem>> -> memref<1x128x8xi32, #tpu.memory_space<vmem>>
      %dma_start3A_62 = tpu.memref_squeeze %dma_start3A_61 : memref<1x128x8xi32, #tpu.memory_space<vmem>> -> memref<128x8xi32, #tpu.memory_space<vmem>>
      %dma_start3A_63 = arith.constant 128 : i32
      %dma_start3A_64 = tpu.memref_slice %arg7[%dma_start3A_57, %dma_start3A_63] : memref<2x256xi32, #tpu.memory_space<vmem>> -> memref<1x128xi32, #tpu.memory_space<vmem>>
      %dma_start3A_65 = tpu.memref_squeeze %dma_start3A_64 : memref<1x128xi32, #tpu.memory_space<vmem>> -> memref<128xi32, #tpu.memory_space<vmem>>
      %dma_start3A_66 = arith.constant 0 : i32
      %dma_start3A_67 = arith.constant 0 : i32
      %dma_start3A_68 = tpu.memref_slice %arg3[%dma_start3A_66, %dma_start3A_67] : memref<10000x8xi32, #tpu.memory_space<hbm>> -> memref<10000x8xi32, #tpu.memory_space<hbm>>
      tpu.enqueue_indirect_dma source(%dma_start3A_68 : memref<10000x8xi32, #tpu.memory_space<hbm>>) target(%dma_start3A_62 : memref<128x8xi32, #tpu.memory_space<vmem>>) offsets(%dma_start3A_65 : memref<128xi32, #tpu.memory_space<vmem>>) semaphore(%arg11 : memref<!tpu.dma_semaphore, #tpu.memory_space<semaphore_mem>>)
      %mul3A_69 = arith.constant 10 : i32
      %mul3A_70 = arith.muli %add3A, %mul3A_69 : i32
      %mul3A_71 = arith.constant 2 : i32
      %mul3A_72 = arith.muli %mul3A_71, %scan3A_6 : i32
      %add3A_73 = arith.addi %mul3A_70, %mul3A_72 : i32
      %add3A_74 = arith.constant 0 : i32
      %add3A_75 = arith.addi %add3A_73, %add3A_74 : i32
      %dma_wait3A = arith.constant 0 : i32
      %dma_wait3A_76 = arith.constant 0 : i32
      %dma_wait3A_77 = arith.constant 0 : i32
      %dma_wait3A_78 = arith.constant 0 : i32
      %dma_wait3A_79 = tpu.memref_slice %arg8[%dma_wait3A_76, %dma_wait3A_77, %dma_wait3A_78] : memref<2x128x32xbf16, #tpu.memory_space<vmem>> -> memref<1x128x32xbf16, #tpu.memory_space<vmem>>
      %dma_wait3A_80 = tpu.memref_squeeze %dma_wait3A_79 : memref<1x128x32xbf16, #tpu.memory_space<vmem>> -> memref<128x32xbf16, #tpu.memory_space<vmem>>
      %dma_wait3A_81 = arith.constant 0 : i32
      %dma_wait3A_82 = tpu.memref_slice %arg7[%dma_wait3A, %dma_wait3A_81] : memref<2x256xi32, #tpu.memory_space<vmem>> -> memref<1x128xi32, #tpu.memory_space<vmem>>
      %dma_wait3A_83 = tpu.memref_squeeze %dma_wait3A_82 : memref<1x128xi32, #tpu.memory_space<vmem>> -> memref<128xi32, #tpu.memory_space<vmem>>
      %dma_wait3A_84 = arith.constant 0 : i32
      %dma_wait3A_85 = arith.constant 0 : i32
      %dma_wait3A_86 = tpu.memref_slice %arg2[%dma_wait3A_84, %dma_wait3A_85] : memref<10000x32xbf16, #tpu.memory_space<hbm>> -> memref<10000x32xbf16, #tpu.memory_space<hbm>>
      tpu.wait_indirect_dma semaphore(%arg10 : memref<!tpu.dma_semaphore, #tpu.memory_space<semaphore_mem>>) src(%dma_wait3A_86 : memref<10000x32xbf16, #tpu.memory_space<hbm>>) dst(%dma_wait3A_80 : memref<128x32xbf16, #tpu.memory_space<vmem>>)
      %mul3A_87 = arith.constant 128 : i32
      %mul3A_88 = arith.muli %add3A_75, %mul3A_87 : i32
      %run_scoped3A_89 = arith.constant 0 : i32
      "tpu.region"() ({
        %run_scoped3A_142 = tpu.sem_alloc : memref<!tpu.dma_semaphore, #tpu.memory_space<semaphore_mem>>
        %dma_start3A_143 = arith.constant 0 : i32
        %dma_start3A_144 = arith.constant 0 : i32
        %dma_start3A_145 = tpu.memref_slice %arg8[%run_scoped3A_89, %dma_start3A_143, %dma_start3A_144] : memref<2x128x32xbf16, #tpu.memory_space<vmem>> -> memref<1x128x32xbf16, #tpu.memory_space<vmem>>
        %dma_start3A_146 = tpu.memref_squeeze %dma_start3A_145 : memref<1x128x32xbf16, #tpu.memory_space<vmem>> -> memref<128x32xbf16, #tpu.memory_space<vmem>>
        %dma_start3A_147 = arith.constant 0 : i32
        %dma_start3A_148 = tpu.memref_slice %arg5[%mul3A_88, %dma_start3A_147] : memref<40960x32xbf16, #tpu.memory_space<hbm>> -> memref<128x32xbf16, #tpu.memory_space<hbm>>
        %dma_start3A_149 = arith.constant 0 : i32
        %dma_start3A_150 = tpu.memref_slice %arg5[%mul3A_88, %dma_start3A_149] : memref<40960x32xbf16, #tpu.memory_space<hbm>> -> memref<128x32xbf16, #tpu.memory_space<hbm>>
        %dma_start3A_151 = arith.constant 0 : i32
        %dma_start3A_152 = arith.constant 0 : i32
        %dma_start3A_153 = tpu.memref_slice %arg8[%run_scoped3A_89, %dma_start3A_151, %dma_start3A_152] : memref<2x128x32xbf16, #tpu.memory_space<vmem>> -> memref<1x128x32xbf16, #tpu.memory_space<vmem>>
        %dma_start3A_154 = tpu.memref_squeeze %dma_start3A_153 : memref<1x128x32xbf16, #tpu.memory_space<vmem>> -> memref<128x32xbf16, #tpu.memory_space<vmem>>
        tpu.enqueue_dma source(%dma_start3A_154 : memref<128x32xbf16, #tpu.memory_space<vmem>>) target(%dma_start3A_150 : memref<128x32xbf16, #tpu.memory_space<hbm>>) target_semaphore(%run_scoped3A_142 : memref<!tpu.dma_semaphore, #tpu.memory_space<semaphore_mem>>)
        %dma_wait3A_155 = arith.constant 0 : i32
        %dma_wait3A_156 = arith.constant 0 : i32
        %dma_wait3A_157 = tpu.memref_slice %arg8[%run_scoped3A_89, %dma_wait3A_155, %dma_wait3A_156] : memref<2x128x32xbf16, #tpu.memory_space<vmem>> -> memref<1x128x32xbf16, #tpu.memory_space<vmem>>
        %dma_wait3A_158 = tpu.memref_squeeze %dma_wait3A_157 : memref<1x128x32xbf16, #tpu.memory_space<vmem>> -> memref<128x32xbf16, #tpu.memory_space<vmem>>
        %dma_wait3A_159 = arith.constant 0 : i32
        %dma_wait3A_160 = tpu.memref_slice %arg5[%mul3A_88, %dma_wait3A_159] : memref<40960x32xbf16, #tpu.memory_space<hbm>> -> memref<128x32xbf16, #tpu.memory_space<hbm>>
        %dma_wait3A_161 = arith.constant 0 : i32
        %dma_wait3A_162 = tpu.memref_slice %arg5[%mul3A_88, %dma_wait3A_161] : memref<40960x32xbf16, #tpu.memory_space<hbm>> -> memref<128x32xbf16, #tpu.memory_space<hbm>>
        %dma_wait3A_163 = arith.constant 0 : i32
        %dma_wait3A_164 = arith.constant 0 : i32
        %dma_wait3A_165 = tpu.memref_slice %arg8[%run_scoped3A_89, %dma_wait3A_163, %dma_wait3A_164] : memref<2x128x32xbf16, #tpu.memory_space<vmem>> -> memref<1x128x32xbf16, #tpu.memory_space<vmem>>
        %dma_wait3A_166 = tpu.memref_squeeze %dma_wait3A_165 : memref<1x128x32xbf16, #tpu.memory_space<vmem>> -> memref<128x32xbf16, #tpu.memory_space<vmem>>
        tpu.wait_dma2 semaphore(%run_scoped3A_142 : memref<!tpu.dma_semaphore, #tpu.memory_space<semaphore_mem>>) src(%dma_wait3A_166 : memref<128x32xbf16, #tpu.memory_space<vmem>>) dst(%dma_wait3A_162 : memref<128x32xbf16, #tpu.memory_space<hbm>>)
        tpu.yield
      }) : () -> ()
      %dma_wait3A_90 = arith.constant 0 : i32
      %dma_wait3A_91 = arith.constant 0 : i32
      %dma_wait3A_92 = arith.constant 0 : i32
      %dma_wait3A_93 = arith.constant 0 : i32
      %dma_wait3A_94 = tpu.memref_slice %arg9[%dma_wait3A_91, %dma_wait3A_92, %dma_wait3A_93] : memref<2x128x8xi32, #tpu.memory_space<vmem>> -> memref<1x128x8xi32, #tpu.memory_space<vmem>>
      %dma_wait3A_95 = tpu.memref_squeeze %dma_wait3A_94 : memref<1x128x8xi32, #tpu.memory_space<vmem>> -> memref<128x8xi32, #tpu.memory_space<vmem>>
      %dma_wait3A_96 = arith.constant 128 : i32
      %dma_wait3A_97 = tpu.memref_slice %arg7[%dma_wait3A_90, %dma_wait3A_96] : memref<2x256xi32, #tpu.memory_space<vmem>> -> memref<1x128xi32, #tpu.memory_space<vmem>>
      %dma_wait3A_98 = tpu.memref_squeeze %dma_wait3A_97 : memref<1x128xi32, #tpu.memory_space<vmem>> -> memref<128xi32, #tpu.memory_space<vmem>>
      %dma_wait3A_99 = arith.constant 0 : i32
      %dma_wait3A_100 = arith.constant 0 : i32
      %dma_wait3A_101 = tpu.memref_slice %arg3[%dma_wait3A_99, %dma_wait3A_100] : memref<10000x8xi32, #tpu.memory_space<hbm>> -> memref<10000x8xi32, #tpu.memory_space<hbm>>
      tpu.wait_indirect_dma semaphore(%arg11 : memref<!tpu.dma_semaphore, #tpu.memory_space<semaphore_mem>>) src(%dma_wait3A_101 : memref<10000x8xi32, #tpu.memory_space<hbm>>) dst(%dma_wait3A_95 : memref<128x8xi32, #tpu.memory_space<vmem>>)
      %mul3A_102 = arith.constant 128 : i32
      %mul3A_103 = arith.muli %add3A_75, %mul3A_102 : i32
      %run_scoped3A_104 = arith.constant 0 : i32
      "tpu.region"() ({
        %run_scoped3A_142 = tpu.sem_alloc : memref<!tpu.dma_semaphore, #tpu.memory_space<semaphore_mem>>
        %dma_start3A_143 = arith.constant 0 : i32
        %dma_start3A_144 = arith.constant 0 : i32
        %dma_start3A_145 = tpu.memref_slice %arg9[%run_scoped3A_104, %dma_start3A_143, %dma_start3A_144] : memref<2x128x8xi32, #tpu.memory_space<vmem>> -> memref<1x128x8xi32, #tpu.memory_space<vmem>>
        %dma_start3A_146 = tpu.memref_squeeze %dma_start3A_145 : memref<1x128x8xi32, #tpu.memory_space<vmem>> -> memref<128x8xi32, #tpu.memory_space<vmem>>
        %dma_start3A_147 = arith.constant 0 : i32
        %dma_start3A_148 = tpu.memref_slice %arg6[%mul3A_103, %dma_start3A_147] : memref<40960x8xi32, #tpu.memory_space<hbm>> -> memref<128x8xi32, #tpu.memory_space<hbm>>
        %dma_start3A_149 = arith.constant 0 : i32
        %dma_start3A_150 = tpu.memref_slice %arg6[%mul3A_103, %dma_start3A_149] : memref<40960x8xi32, #tpu.memory_space<hbm>> -> memref<128x8xi32, #tpu.memory_space<hbm>>
        %dma_start3A_151 = arith.constant 0 : i32
        %dma_start3A_152 = arith.constant 0 : i32
        %dma_start3A_153 = tpu.memref_slice %arg9[%run_scoped3A_104, %dma_start3A_151, %dma_start3A_152] : memref<2x128x8xi32, #tpu.memory_space<vmem>> -> memref<1x128x8xi32, #tpu.memory_space<vmem>>
        %dma_start3A_154 = tpu.memref_squeeze %dma_start3A_153 : memref<1x128x8xi32, #tpu.memory_space<vmem>> -> memref<128x8xi32, #tpu.memory_space<vmem>>
        tpu.enqueue_dma source(%dma_start3A_154 : memref<128x8xi32, #tpu.memory_space<vmem>>) target(%dma_start3A_150 : memref<128x8xi32, #tpu.memory_space<hbm>>) target_semaphore(%run_scoped3A_142 : memref<!tpu.dma_semaphore, #tpu.memory_space<semaphore_mem>>)
        %dma_wait3A_155 = arith.constant 0 : i32
        %dma_wait3A_156 = arith.constant 0 : i32
        %dma_wait3A_157 = tpu.memref_slice %arg9[%run_scoped3A_104, %dma_wait3A_155, %dma_wait3A_156] : memref<2x128x8xi32, #tpu.memory_space<vmem>> -> memref<1x128x8xi32, #tpu.memory_space<vmem>>
        %dma_wait3A_158 = tpu.memref_squeeze %dma_wait3A_157 : memref<1x128x8xi32, #tpu.memory_space<vmem>> -> memref<128x8xi32, #tpu.memory_space<vmem>>
        %dma_wait3A_159 = arith.constant 0 : i32
        %dma_wait3A_160 = tpu.memref_slice %arg6[%mul3A_103, %dma_wait3A_159] : memref<40960x8xi32, #tpu.memory_space<hbm>> -> memref<128x8xi32, #tpu.memory_space<hbm>>
        %dma_wait3A_161 = arith.constant 0 : i32
        %dma_wait3A_162 = tpu.memref_slice %arg6[%mul3A_103, %dma_wait3A_161] : memref<40960x8xi32, #tpu.memory_space<hbm>> -> memref<128x8xi32, #tpu.memory_space<hbm>>
        %dma_wait3A_163 = arith.constant 0 : i32
        %dma_wait3A_164 = arith.constant 0 : i32
        %dma_wait3A_165 = tpu.memref_slice %arg9[%run_scoped3A_104, %dma_wait3A_163, %dma_wait3A_164] : memref<2x128x8xi32, #tpu.memory_space<vmem>> -> memref<1x128x8xi32, #tpu.memory_space<vmem>>
        %dma_wait3A_166 = tpu.memref_squeeze %dma_wait3A_165 : memref<1x128x8xi32, #tpu.memory_space<vmem>> -> memref<128x8xi32, #tpu.memory_space<vmem>>
        tpu.wait_dma2 semaphore(%run_scoped3A_142 : memref<!tpu.dma_semaphore, #tpu.memory_space<semaphore_mem>>) src(%dma_wait3A_166 : memref<128x8xi32, #tpu.memory_space<vmem>>) dst(%dma_wait3A_162 : memref<128x8xi32, #tpu.memory_space<hbm>>)
        tpu.yield
      }) : () -> ()
      %mul3A_105 = arith.constant 10 : i32
      %mul3A_106 = arith.muli %add3A, %mul3A_105 : i32
      %mul3A_107 = arith.constant 2 : i32
      %mul3A_108 = arith.muli %mul3A_107, %scan3A_6 : i32
      %add3A_109 = arith.addi %mul3A_106, %mul3A_108 : i32
      %add3A_110 = arith.constant 1 : i32
      %add3A_111 = arith.addi %add3A_109, %add3A_110 : i32
      %dma_wait3A_112 = arith.constant 1 : i32
      %dma_wait3A_113 = arith.constant 1 : i32
      %dma_wait3A_114 = arith.constant 0 : i32
      %dma_wait3A_115 = arith.constant 0 : i32
      %dma_wait3A_116 = tpu.memref_slice %arg8[%dma_wait3A_113, %dma_wait3A_114, %dma_wait3A_115] : memref<2x128x32xbf16, #tpu.memory_space<vmem>> -> memref<1x128x32xbf16, #tpu.memory_space<vmem>>
      %dma_wait3A_117 = tpu.memref_squeeze %dma_wait3A_116 : memref<1x128x32xbf16, #tpu.memory_space<vmem>> -> memref<128x32xbf16, #tpu.memory_space<vmem>>
      %dma_wait3A_118 = arith.constant 0 : i32
      %dma_wait3A_119 = tpu.memref_slice %arg7[%dma_wait3A_112, %dma_wait3A_118] : memref<2x256xi32, #tpu.memory_space<vmem>> -> memref<1x128xi32, #tpu.memory_space<vmem>>
      %dma_wait3A_120 = tpu.memref_squeeze %dma_wait3A_119 : memref<1x128xi32, #tpu.memory_space<vmem>> -> memref<128xi32, #tpu.memory_space<vmem>>
      %dma_wait3A_121 = arith.constant 0 : i32
      %dma_wait3A_122 = arith.constant 0 : i32
      %dma_wait3A_123 = tpu.memref_slice %arg2[%dma_wait3A_121, %dma_wait3A_122] : memref<10000x32xbf16, #tpu.memory_space<hbm>> -> memref<10000x32xbf16, #tpu.memory_space<hbm>>
      tpu.wait_indirect_dma semaphore(%arg10 : memref<!tpu.dma_semaphore, #tpu.memory_space<semaphore_mem>>) src(%dma_wait3A_123 : memref<10000x32xbf16, #tpu.memory_space<hbm>>) dst(%dma_wait3A_117 : memref<128x32xbf16, #tpu.memory_space<vmem>>)
      %mul3A_124 = arith.constant 128 : i32
      %mul3A_125 = arith.muli %add3A_111, %mul3A_124 : i32
      %run_scoped3A_126 = arith.constant 1 : i32
      "tpu.region"() ({
        %run_scoped3A_142 = tpu.sem_alloc : memref<!tpu.dma_semaphore, #tpu.memory_space<semaphore_mem>>
        %dma_start3A_143 = arith.constant 0 : i32
        %dma_start3A_144 = arith.constant 0 : i32
        %dma_start3A_145 = tpu.memref_slice %arg8[%run_scoped3A_126, %dma_start3A_143, %dma_start3A_144] : memref<2x128x32xbf16, #tpu.memory_space<vmem>> -> memref<1x128x32xbf16, #tpu.memory_space<vmem>>
        %dma_start3A_146 = tpu.memref_squeeze %dma_start3A_145 : memref<1x128x32xbf16, #tpu.memory_space<vmem>> -> memref<128x32xbf16, #tpu.memory_space<vmem>>
        %dma_start3A_147 = arith.constant 0 : i32
        %dma_start3A_148 = tpu.memref_slice %arg5[%mul3A_125, %dma_start3A_147] : memref<40960x32xbf16, #tpu.memory_space<hbm>> -> memref<128x32xbf16, #tpu.memory_space<hbm>>
        %dma_start3A_149 = arith.constant 0 : i32
        %dma_start3A_150 = tpu.memref_slice %arg5[%mul3A_125, %dma_start3A_149] : memref<40960x32xbf16, #tpu.memory_space<hbm>> -> memref<128x32xbf16, #tpu.memory_space<hbm>>
        %dma_start3A_151 = arith.constant 0 : i32
        %dma_start3A_152 = arith.constant 0 : i32
        %dma_start3A_153 = tpu.memref_slice %arg8[%run_scoped3A_126, %dma_start3A_151, %dma_start3A_152] : memref<2x128x32xbf16, #tpu.memory_space<vmem>> -> memref<1x128x32xbf16, #tpu.memory_space<vmem>>
        %dma_start3A_154 = tpu.memref_squeeze %dma_start3A_153 : memref<1x128x32xbf16, #tpu.memory_space<vmem>> -> memref<128x32xbf16, #tpu.memory_space<vmem>>
        tpu.enqueue_dma source(%dma_start3A_154 : memref<128x32xbf16, #tpu.memory_space<vmem>>) target(%dma_start3A_150 : memref<128x32xbf16, #tpu.memory_space<hbm>>) target_semaphore(%run_scoped3A_142 : memref<!tpu.dma_semaphore, #tpu.memory_space<semaphore_mem>>)
        %dma_wait3A_155 = arith.constant 0 : i32
        %dma_wait3A_156 = arith.constant 0 : i32
        %dma_wait3A_157 = tpu.memref_slice %arg8[%run_scoped3A_126, %dma_wait3A_155, %dma_wait3A_156] : memref<2x128x32xbf16, #tpu.memory_space<vmem>> -> memref<1x128x32xbf16, #tpu.memory_space<vmem>>
        %dma_wait3A_158 = tpu.memref_squeeze %dma_wait3A_157 : memref<1x128x32xbf16, #tpu.memory_space<vmem>> -> memref<128x32xbf16, #tpu.memory_space<vmem>>
        %dma_wait3A_159 = arith.constant 0 : i32
        %dma_wait3A_160 = tpu.memref_slice %arg5[%mul3A_125, %dma_wait3A_159] : memref<40960x32xbf16, #tpu.memory_space<hbm>> -> memref<128x32xbf16, #tpu.memory_space<hbm>>
        %dma_wait3A_161 = arith.constant 0 : i32
        %dma_wait3A_162 = tpu.memref_slice %arg5[%mul3A_125, %dma_wait3A_161] : memref<40960x32xbf16, #tpu.memory_space<hbm>> -> memref<128x32xbf16, #tpu.memory_space<hbm>>
        %dma_wait3A_163 = arith.constant 0 : i32
        %dma_wait3A_164 = arith.constant 0 : i32
        %dma_wait3A_165 = tpu.memref_slice %arg8[%run_scoped3A_126, %dma_wait3A_163, %dma_wait3A_164] : memref<2x128x32xbf16, #tpu.memory_space<vmem>> -> memref<1x128x32xbf16, #tpu.memory_space<vmem>>
        %dma_wait3A_166 = tpu.memref_squeeze %dma_wait3A_165 : memref<1x128x32xbf16, #tpu.memory_space<vmem>> -> memref<128x32xbf16, #tpu.memory_space<vmem>>
        tpu.wait_dma2 semaphore(%run_scoped3A_142 : memref<!tpu.dma_semaphore, #tpu.memory_space<semaphore_mem>>) src(%dma_wait3A_166 : memref<128x32xbf16, #tpu.memory_space<vmem>>) dst(%dma_wait3A_162 : memref<128x32xbf16, #tpu.memory_space<hbm>>)
        tpu.yield
      }) : () -> ()
      %dma_wait3A_127 = arith.constant 1 : i32
      %dma_wait3A_128 = arith.constant 1 : i32
      %dma_wait3A_129 = arith.constant 0 : i32
      %dma_wait3A_130 = arith.constant 0 : i32
      %dma_wait3A_131 = tpu.memref_slice %arg9[%dma_wait3A_128, %dma_wait3A_129, %dma_wait3A_130] : memref<2x128x8xi32, #tpu.memory_space<vmem>> -> memref<1x128x8xi32, #tpu.memory_space<vmem>>
      %dma_wait3A_132 = tpu.memref_squeeze %dma_wait3A_131 : memref<1x128x8xi32, #tpu.memory_space<vmem>> -> memref<128x8xi32, #tpu.memory_space<vmem>>
      %dma_wait3A_133 = arith.constant 128 : i32
      %dma_wait3A_134 = tpu.memref_slice %arg7[%dma_wait3A_127, %dma_wait3A_133] : memref<2x256xi32, #tpu.memory_space<vmem>> -> memref<1x128xi32, #tpu.memory_space<vmem>>
      %dma_wait3A_135 = tpu.memref_squeeze %dma_wait3A_134 : memref<1x128xi32, #tpu.memory_space<vmem>> -> memref<128xi32, #tpu.memory_space<vmem>>
      %dma_wait3A_136 = arith.constant 0 : i32
      %dma_wait3A_137 = arith.constant 0 : i32
      %dma_wait3A_138 = tpu.memref_slice %arg3[%dma_wait3A_136, %dma_wait3A_137] : memref<10000x8xi32, #tpu.memory_space<hbm>> -> memref<10000x8xi32, #tpu.memory_space<hbm>>
      tpu.wait_indirect_dma semaphore(%arg11 : memref<!tpu.dma_semaphore, #tpu.memory_space<semaphore_mem>>) src(%dma_wait3A_138 : memref<10000x8xi32, #tpu.memory_space<hbm>>) dst(%dma_wait3A_132 : memref<128x8xi32, #tpu.memory_space<vmem>>)
      %mul3A_139 = arith.constant 128 : i32
      %mul3A_140 = arith.muli %add3A_111, %mul3A_139 : i32
      %run_scoped3A_141 = arith.constant 1 : i32
      "tpu.region"() ({
        %run_scoped3A_142 = tpu.sem_alloc : memref<!tpu.dma_semaphore, #tpu.memory_space<semaphore_mem>>
        %dma_start3A_143 = arith.constant 0 : i32
        %dma_start3A_144 = arith.constant 0 : i32
        %dma_start3A_145 = tpu.memref_slice %arg9[%run_scoped3A_141, %dma_start3A_143, %dma_start3A_144] : memref<2x128x8xi32, #tpu.memory_space<vmem>> -> memref<1x128x8xi32, #tpu.memory_space<vmem>>
        %dma_start3A_146 = tpu.memref_squeeze %dma_start3A_145 : memref<1x128x8xi32, #tpu.memory_space<vmem>> -> memref<128x8xi32, #tpu.memory_space<vmem>>
        %dma_start3A_147 = arith.constant 0 : i32
        %dma_start3A_148 = tpu.memref_slice %arg6[%mul3A_140, %dma_start3A_147] : memref<40960x8xi32, #tpu.memory_space<hbm>> -> memref<128x8xi32, #tpu.memory_space<hbm>>
        %dma_start3A_149 = arith.constant 0 : i32
        %dma_start3A_150 = tpu.memref_slice %arg6[%mul3A_140, %dma_start3A_149] : memref<40960x8xi32, #tpu.memory_space<hbm>> -> memref<128x8xi32, #tpu.memory_space<hbm>>
        %dma_start3A_151 = arith.constant 0 : i32
        %dma_start3A_152 = arith.constant 0 : i32
        %dma_start3A_153 = tpu.memref_slice %arg9[%run_scoped3A_141, %dma_start3A_151, %dma_start3A_152] : memref<2x128x8xi32, #tpu.memory_space<vmem>> -> memref<1x128x8xi32, #tpu.memory_space<vmem>>
        %dma_start3A_154 = tpu.memref_squeeze %dma_start3A_153 : memref<1x128x8xi32, #tpu.memory_space<vmem>> -> memref<128x8xi32, #tpu.memory_space<vmem>>
        tpu.enqueue_dma source(%dma_start3A_154 : memref<128x8xi32, #tpu.memory_space<vmem>>) target(%dma_start3A_150 : memref<128x8xi32, #tpu.memory_space<hbm>>) target_semaphore(%run_scoped3A_142 : memref<!tpu.dma_semaphore, #tpu.memory_space<semaphore_mem>>)
        %dma_wait3A_155 = arith.constant 0 : i32
        %dma_wait3A_156 = arith.constant 0 : i32
        %dma_wait3A_157 = tpu.memref_slice %arg9[%run_scoped3A_141, %dma_wait3A_155, %dma_wait3A_156] : memref<2x128x8xi32, #tpu.memory_space<vmem>> -> memref<1x128x8xi32, #tpu.memory_space<vmem>>
        %dma_wait3A_158 = tpu.memref_squeeze %dma_wait3A_157 : memref<1x128x8xi32, #tpu.memory_space<vmem>> -> memref<128x8xi32, #tpu.memory_space<vmem>>
        %dma_wait3A_159 = arith.constant 0 : i32
        %dma_wait3A_160 = tpu.memref_slice %arg6[%mul3A_140, %dma_wait3A_159] : memref<40960x8xi32, #tpu.memory_space<hbm>> -> memref<128x8xi32, #tpu.memory_space<hbm>>
        %dma_wait3A_161 = arith.constant 0 : i32
        %dma_wait3A_162 = tpu.memref_slice %arg6[%mul3A_140, %dma_wait3A_161] : memref<40960x8xi32, #tpu.memory_space<hbm>> -> memref<128x8xi32, #tpu.memory_space<hbm>>
        %dma_wait3A_163 = arith.constant 0 : i32
        %dma_wait3A_164 = arith.constant 0 : i32
        %dma_wait3A_165 = tpu.memref_slice %arg9[%run_scoped3A_141, %dma_wait3A_163, %dma_wait3A_164] : memref<2x128x8xi32, #tpu.memory_space<vmem>> -> memref<1x128x8xi32, #tpu.memory_space<vmem>>
        %dma_wait3A_166 = tpu.memref_squeeze %dma_wait3A_165 : memref<1x128x8xi32, #tpu.memory_space<vmem>> -> memref<128x8xi32, #tpu.memory_space<vmem>>
        tpu.wait_dma2 semaphore(%run_scoped3A_142 : memref<!tpu.dma_semaphore, #tpu.memory_space<semaphore_mem>>) src(%dma_wait3A_166 : memref<128x8xi32, #tpu.memory_space<vmem>>) dst(%dma_wait3A_162 : memref<128x8xi32, #tpu.memory_space<hbm>>)
        tpu.yield
      }) : () -> ()
    }
    %scan3A_5 = arith.constant 5 : i32
    return
  }
}

#map = affine_map<(d0, d1) -> (0, 0)>
module attributes {stable_mosaic.version = 14 : i64} {
  func.func @k(%arg0: i32, %arg1: i32, %arg2: memref<10000x32xbf16, #tpu.memory_space<hbm>>, %arg3: memref<10000x8xi32, #tpu.memory_space<hbm>>, %arg4: memref<320x256xi32, #tpu.memory_space<hbm>>, %arg5: memref<40960x32xbf16, #tpu.memory_space<hbm>>, %arg6: memref<40960x8xi32, #tpu.memory_space<hbm>>, %arg7: memref<2x256xi32, #tpu.memory_space<vmem>>, %arg8: memref<2x128x32xbf16, #tpu.memory_space<vmem>>, %arg9: memref<2x128x8xi32, #tpu.memory_space<vmem>>, %arg10: memref<!tpu.dma_semaphore, #tpu.memory_space<semaphore_mem>>, %arg11: memref<!tpu.dma_semaphore, #tpu.memory_space<semaphore_mem>>) attributes {dimension_semantics = [#tpu.dimension_semantics<core_parallel>, #tpu.dimension_semantics<subcore_parallel>], iteration_bounds = array<i64: 2, 16>, scalar_prefetch = 0 : i64, scratch_operands = 5 : i64, tpu.core_type = #tpu.core_type<sc_vector_subcore>, window_params = [{transform_indices = #map}, {transform_indices = #map}, {transform_indices = #map}, {transform_indices = #map}, {transform_indices = #map}]} {
    %mul3A = arith.constant 2 : i32
    %mul3A_0 = arith.muli %arg1, %mul3A : i32
    %add3A = arith.addi %mul3A_0, %arg0 : i32
    %scan3A = arith.constant 0 : i32
    %scan3A_1 = arith.constant 0 : i32
    %scan3A_2 = arith.constant 5 : i32
    %scan3A_3 = arith.addi %scan3A_1, %scan3A_2 : i32
    %scan3A_4 = arith.constant 1 : i32
    scf.for %scan3A_6 = %scan3A_1 to %scan3A_3 step %scan3A_4  : i32 {
      %mul3A_7 = arith.constant 10 : i32
      %mul3A_8 = arith.muli %add3A, %mul3A_7 : i32
      %mul3A_9 = arith.constant 2 : i32
      %mul3A_10 = arith.muli %mul3A_9, %scan3A_6 : i32
      %add3A_11 = arith.addi %mul3A_8, %mul3A_10 : i32
      %add3A_12 = arith.constant 0 : i32
      %add3A_13 = arith.addi %add3A_11, %add3A_12 : i32
      %run_scoped3A = arith.constant 0 : i32
      "tpu.region"() ({
        %run_scoped3A_142 = tpu.sem_alloc : memref<!tpu.dma_semaphore, #tpu.memory_space<semaphore_mem>>
        %dma_start3A_143 = arith.constant 0 : i32
        %dma_start3A_144 = tpu.memref_slice %arg7[%run_scoped3A, %dma_start3A_143] : memref<2x256xi32, #tpu.memory_space<vmem>> -> memref<1x256xi32, #tpu.memory_space<vmem>>
        %dma_start3A_145 = tpu.memref_squeeze %dma_start3A_144 : memref<1x256xi32, #tpu.memory_space<vmem>> -> memref<256xi32, #tpu.memory_space<vmem>>
        %dma_start3A_146 = arith.constant 0 : i32
        %dma_start3A_147 = tpu.memref_slice %arg4[%add3A_13, %dma_start3A_146] : memref<320x256xi32, #tpu.memory_space<hbm>> -> memref<1x256xi32, #tpu.memory_space<hbm>>
        %dma_start3A_148 = tpu.memref_squeeze %dma_start3A_147 : memref<1x256xi32, #tpu.memory_space<hbm>> -> memref<256xi32, #tpu.memory_space<hbm>>
        %dma_start3A_149 = arith.constant 0 : i32
        %dma_start3A_150 = tpu.memref_slice %arg7[%run_scoped3A, %dma_start3A_149] : memref<2x256xi32, #tpu.memory_space<vmem>> -> memref<1x256xi32, #tpu.memory_space<vmem>>
        %dma_start3A_151 = tpu.memref_squeeze %dma_start3A_150 : memref<1x256xi32, #tpu.memory_space<vmem>> -> memref<256xi32, #tpu.memory_space<vmem>>
        %dma_start3A_152 = arith.constant 0 : i32
        %dma_start3A_153 = tpu.memref_slice %arg4[%add3A_13, %dma_start3A_152] : memref<320x256xi32, #tpu.memory_space<hbm>> -> memref<1x256xi32, #tpu.memory_space<hbm>>
        %dma_start3A_154 = tpu.memref_squeeze %dma_start3A_153 : memref<1x256xi32, #tpu.memory_space<hbm>> -> memref<256xi32, #tpu.memory_space<hbm>>
        tpu.enqueue_dma source(%dma_start3A_154 : memref<256xi32, #tpu.memory_space<hbm>>) target(%dma_start3A_151 : memref<256xi32, #tpu.memory_space<vmem>>) target_semaphore(%run_scoped3A_142 : memref<!tpu.dma_semaphore, #tpu.memory_space<semaphore_mem>>)
        %dma_wait3A_155 = arith.constant 0 : i32
        %dma_wait3A_156 = tpu.memref_slice %arg7[%run_scoped3A, %dma_wait3A_155] : memref<2x256xi32, #tpu.memory_space<vmem>> -> memref<1x256xi32, #tpu.memory_space<vmem>>
        %dma_wait3A_157 = tpu.memref_squeeze %dma_wait3A_156 : memref<1x256xi32, #tpu.memory_space<vmem>> -> memref<256xi32, #tpu.memory_space<vmem>>
        %dma_wait3A_158 = arith.constant 0 : i32
        %dma_wait3A_159 = tpu.memref_slice %arg4[%add3A_13, %dma_wait3A_158] : memref<320x256xi32, #tpu.memory_space<hbm>> -> memref<1x256xi32, #tpu.memory_space<hbm>>
        %dma_wait3A_160 = tpu.memref_squeeze %dma_wait3A_159 : memref<1x256xi32, #tpu.memory_space<hbm>> -> memref<256xi32, #tpu.memory_space<hbm>>
        %dma_wait3A_161 = arith.constant 0 : i32
        %dma_wait3A_162 = tpu.memref_slice %arg7[%run_scoped3A, %dma_wait3A_161] : memref<2x256xi32, #tpu.memory_space<vmem>> -> memref<1x256xi32, #tpu.memory_space<vmem>>
        %dma_wait3A_163 = tpu.memref_squeeze %dma_wait3A_162 : memref<1x256xi32, #tpu.memory_space<vmem>> -> memref<256xi32, #tpu.memory_space<vmem>>
        %dma_wait3A_164 = arith.constant 0 : i32
        %dma_wait3A_165 = tpu.memref_slice %arg4[%add3A_13, %dma_wait3A_164] : memref<320x256xi32, #tpu.memory_space<hbm>> -> memref<1x256xi32, #tpu.memory_space<hbm>>
        %dma_wait3A_166 = tpu.memref_squeeze %dma_wait3A_165 : memref<1x256xi32, #tpu.memory_space<hbm>> -> memref<256xi32, #tpu.memory_space<hbm>>
        tpu.wait_dma2 semaphore(%run_scoped3A_142 : memref<!tpu.dma_semaphore, #tpu.memory_space<semaphore_mem>>) src(%dma_wait3A_166 : memref<256xi32, #tpu.memory_space<hbm>>) dst(%dma_wait3A_163 : memref<256xi32, #tpu.memory_space<vmem>>)
        tpu.yield
      }) : () -> ()
      %dma_start3A = arith.constant 0 : i32
      %dma_start3A_14 = arith.constant 0 : i32
      %dma_start3A_15 = arith.constant 0 : i32
      %dma_start3A_16 = arith.constant 0 : i32
      %dma_start3A_17 = tpu.memref_slice %arg8[%dma_start3A_14, %dma_start3A_15, %dma_start3A_16] : memref<2x128x32xbf16, #tpu.memory_space<vmem>> -> memref<1x128x32xbf16, #tpu.memory_space<vmem>>
      %dma_start3A_18 = tpu.memref_squeeze %dma_start3A_17 : memref<1x128x32xbf16, #tpu.memory_space<vmem>> -> memref<128x32xbf16, #tpu.memory_space<vmem>>
      %dma_start3A_19 = arith.constant 0 : i32
      %dma_start3A_20 = tpu.memref_slice %arg7[%dma_start3A, %dma_start3A_19] : memref<2x256xi32, #tpu.memory_space<vmem>> -> memref<1x128xi32, #tpu.memory_space<vmem>>
      %dma_start3A_21 = tpu.memref_squeeze %dma_start3A_20 : memref<1x128xi32, #tpu.memory_space<vmem>> -> memref<128xi32, #tpu.memory_space<vmem>>
      %dma_start3A_22 = arith.constant 0 : i32
      %dma_start3A_23 = arith.constant 0 : i32
      %dma_start3A_24 = tpu.memref_slice %arg2[%dma_start3A_22, %dma_start3A_23] : memref<10000x32xbf16, #tpu.memory_space<hbm>> -> memref<10000x32xbf16, #tpu.memory_space<hbm>>
      tpu.enqueue_indirect_dma source(%dma_start3A_24 : memref<10000x32xbf16, #tpu.memory_space<hbm>>) target(%dma_start3A_18 : memref<128x32xbf16, #tpu.memory_space<vmem>>) offsets(%dma_start3A_21 : memref<128xi32, #tpu.memory_space<vmem>>) semaphore(%arg10 : memref<!tpu.dma_semaphore, #tpu.memory_space<semaphore_mem>>)
      %dma_start3A_25 = arith.constant 0 : i32
      %dma_start3A_26 = arith.constant 0 : i32
      %dma_start3A_27 = arith.constant 0 : i32
      %dma_start3A_28 = arith.constant 0 : i32
      %dma_start3A_29 = tpu.memref_slice %arg9[%dma_start3A_26, %dma_start3A_27, %dma_start3A_28] : memref<2x128x8xi32, #tpu.memory_space<vmem>> -> memref<1x128x8xi32, #tpu.memory_space<vmem>>
      %dma_start3A_30 = tpu.memref_squeeze %dma_start3A_29 : memref<1x128x8xi32, #tpu.memory_space<vmem>> -> memref<128x8xi32, #tpu.memory_space<vmem>>
      %dma_start3A_31 = arith.constant 128 : i32
      %dma_start3A_32 = tpu.memref_slice %arg7[%dma_start3A_25, %dma_start3A_31] : memref<2x256xi32, #tpu.memory_space<vmem>> -> memref<1x128xi32, #tpu.memory_space<vmem>>
      %dma_start3A_33 = tpu.memref_squeeze %dma_start3A_32 : memref<1x128xi32, #tpu.memory_space<vmem>> -> memref<128xi32, #tpu.memory_space<vmem>>
      %dma_start3A_34 = arith.constant 0 : i32
      %dma_start3A_35 = arith.constant 0 : i32
      %dma_start3A_36 = tpu.memref_slice %arg3[%dma_start3A_34, %dma_start3A_35] : memref<10000x8xi32, #tpu.memory_space<hbm>> -> memref<10000x8xi32, #tpu.memory_space<hbm>>
      tpu.enqueue_indirect_dma source(%dma_start3A_36 : memref<10000x8xi32, #tpu.memory_space<hbm>>) target(%dma_start3A_30 : memref<128x8xi32, #tpu.memory_space<vmem>>) offsets(%dma_start3A_33 : memref<128xi32, #tpu.memory_space<vmem>>) semaphore(%arg11 : memref<!tpu.dma_semaphore, #tpu.memory_space<semaphore_mem>>)
      %mul3A_37 = arith.constant 10 : i32
      %mul3A_38 = arith.muli %add3A, %mul3A_37 : i32
      %mul3A_39 = arith.constant 2 : i32
      %mul3A_40 = arith.muli %mul3A_39, %scan3A_6 : i32
      %add3A_41 = arith.addi %mul3A_38, %mul3A_40 : i32
      %add3A_42 = arith.constant 1 : i32
      %add3A_43 = arith.addi %add3A_41, %add3A_42 : i32
      %run_scoped3A_44 = arith.constant 1 : i32
      "tpu.region"() ({
        %run_scoped3A_142 = tpu.sem_alloc : memref<!tpu.dma_semaphore, #tpu.memory_space<semaphore_mem>>
        %dma_start3A_143 = arith.constant 0 : i32
        %dma_start3A_144 = tpu.memref_slice %arg7[%run_scoped3A_44, %dma_start3A_143] : memref<2x256xi32, #tpu.memory_space<vmem>> -> memref<1x256xi32, #tpu.memory_space<vmem>>
        %dma_start3A_145 = tpu.memref_squeeze %dma_start3A_144 : memref<1x256xi32, #tpu.memory_space<vmem>> -> memref<256xi32, #tpu.memory_space<vmem>>
        %dma_start3A_146 = arith.constant 0 : i32
        %dma_start3A_147 = tpu.memref_slice %arg4[%add3A_43, %dma_start3A_146] : memref<320x256xi32, #tpu.memory_space<hbm>> -> memref<1x256xi32, #tpu.memory_space<hbm>>
        %dma_start3A_148 = tpu.memref_squeeze %dma_start3A_147 : memref<1x256xi32, #tpu.memory_space<hbm>> -> memref<256xi32, #tpu.memory_space<hbm>>
        %dma_start3A_149 = arith.constant 0 : i32
        %dma_start3A_150 = tpu.memref_slice %arg7[%run_scoped3A_44, %dma_start3A_149] : memref<2x256xi32, #tpu.memory_space<vmem>> -> memref<1x256xi32, #tpu.memory_space<vmem>>
        %dma_start3A_151 = tpu.memref_squeeze %dma_start3A_150 : memref<1x256xi32, #tpu.memory_space<vmem>> -> memref<256xi32, #tpu.memory_space<vmem>>
        %dma_start3A_152 = arith.constant 0 : i32
        %dma_start3A_153 = tpu.memref_slice %arg4[%add3A_43, %dma_start3A_152] : memref<320x256xi32, #tpu.memory_space<hbm>> -> memref<1x256xi32, #tpu.memory_space<hbm>>
        %dma_start3A_154 = tpu.memref_squeeze %dma_start3A_153 : memref<1x256xi32, #tpu.memory_space<hbm>> -> memref<256xi32, #tpu.memory_space<hbm>>
        tpu.enqueue_dma source(%dma_start3A_154 : memref<256xi32, #tpu.memory_space<hbm>>) target(%dma_start3A_151 : memref<256xi32, #tpu.memory_space<vmem>>) target_semaphore(%run_scoped3A_142 : memref<!tpu.dma_semaphore, #tpu.memory_space<semaphore_mem>>)
        %dma_wait3A_155 = arith.constant 0 : i32
        %dma_wait3A_156 = tpu.memref_slice %arg7[%run_scoped3A_44, %dma_wait3A_155] : memref<2x256xi32, #tpu.memory_space<vmem>> -> memref<1x256xi32, #tpu.memory_space<vmem>>
        %dma_wait3A_157 = tpu.memref_squeeze %dma_wait3A_156 : memref<1x256xi32, #tpu.memory_space<vmem>> -> memref<256xi32, #tpu.memory_space<vmem>>
        %dma_wait3A_158 = arith.constant 0 : i32
        %dma_wait3A_159 = tpu.memref_slice %arg4[%add3A_43, %dma_wait3A_158] : memref<320x256xi32, #tpu.memory_space<hbm>> -> memref<1x256xi32, #tpu.memory_space<hbm>>
        %dma_wait3A_160 = tpu.memref_squeeze %dma_wait3A_159 : memref<1x256xi32, #tpu.memory_space<hbm>> -> memref<256xi32, #tpu.memory_space<hbm>>
        %dma_wait3A_161 = arith.constant 0 : i32
        %dma_wait3A_162 = tpu.memref_slice %arg7[%run_scoped3A_44, %dma_wait3A_161] : memref<2x256xi32, #tpu.memory_space<vmem>> -> memref<1x256xi32, #tpu.memory_space<vmem>>
        %dma_wait3A_163 = tpu.memref_squeeze %dma_wait3A_162 : memref<1x256xi32, #tpu.memory_space<vmem>> -> memref<256xi32, #tpu.memory_space<vmem>>
        %dma_wait3A_164 = arith.constant 0 : i32
        %dma_wait3A_165 = tpu.memref_slice %arg4[%add3A_43, %dma_wait3A_164] : memref<320x256xi32, #tpu.memory_space<hbm>> -> memref<1x256xi32, #tpu.memory_space<hbm>>
        %dma_wait3A_166 = tpu.memref_squeeze %dma_wait3A_165 : memref<1x256xi32, #tpu.memory_space<hbm>> -> memref<256xi32, #tpu.memory_space<hbm>>
        tpu.wait_dma2 semaphore(%run_scoped3A_142 : memref<!tpu.dma_semaphore, #tpu.memory_space<semaphore_mem>>) src(%dma_wait3A_166 : memref<256xi32, #tpu.memory_space<hbm>>) dst(%dma_wait3A_163 : memref<256xi32, #tpu.memory_space<vmem>>)
        tpu.yield
      }) : () -> ()
      %dma_start3A_45 = arith.constant 1 : i32
      %dma_start3A_46 = arith.constant 1 : i32
      %dma_start3A_47 = arith.constant 0 : i32
      %dma_start3A_48 = arith.constant 0 : i32
      %dma_start3A_49 = tpu.memref_slice %arg8[%dma_start3A_46, %dma_start3A_47, %dma_start3A_48] : memref<2x128x32xbf16, #tpu.memory_space<vmem>> -> memref<1x128x32xbf16, #tpu.memory_space<vmem>>
      %dma_start3A_50 = tpu.memref_squeeze %dma_start3A_49 : memref<1x128x32xbf16, #tpu.memory_space<vmem>> -> memref<128x32xbf16, #tpu.memory_space<vmem>>
      %dma_start3A_51 = arith.constant 0 : i32
      %dma_start3A_52 = tpu.memref_slice %arg7[%dma_start3A_45, %dma_start3A_51] : memref<2x256xi32, #tpu.memory_space<vmem>> -> memref<1x128xi32, #tpu.memory_space<vmem>>
      %dma_start3A_53 = tpu.memref_squeeze %dma_start3A_52 : memref<1x128xi32, #tpu.memory_space<vmem>> -> memref<128xi32, #tpu.memory_space<vmem>>
      %dma_start3A_54 = arith.constant 0 : i32
      %dma_start3A_55 = arith.constant 0 : i32
      %dma_start3A_56 = tpu.memref_slice %arg2[%dma_start3A_54, %dma_start3A_55] : memref<10000x32xbf16, #tpu.memory_space<hbm>> -> memref<10000x32xbf16, #tpu.memory_space<hbm>>
      tpu.enqueue_indirect_dma source(%dma_start3A_56 : memref<10000x32xbf16, #tpu.memory_space<hbm>>) target(%dma_start3A_50 : memref<128x32xbf16, #tpu.memory_space<vmem>>) offsets(%dma_start3A_53 : memref<128xi32, #tpu.memory_space<vmem>>) semaphore(%arg10 : memref<!tpu.dma_semaphore, #tpu.memory_space<semaphore_mem>>)
      %dma_start3A_57 = arith.constant 1 : i32
      %dma_start3A_58 = arith.constant 1 : i32
      %dma_start3A_59 = arith.constant 0 : i32
      %dma_start3A_60 = arith.constant 0 : i32
      %dma_start3A_61 = tpu.memref_slice %arg9[%dma_start3A_58, %dma_start3A_59, %dma_start3A_60] : memref<2x128x8xi32, #tpu.memory_space<vmem>> -> memref<1x128x8xi32, #tpu.memory_space<vmem>>
      %dma_start3A_62 = tpu.memref_squeeze %dma_start3A_61 : memref<1x128x8xi32, #tpu.memory_space<vmem>> -> memref<128x8xi32, #tpu.memory_space<vmem>>
      %dma_start3A_63 = arith.constant 128 : i32
      %dma_start3A_64 = tpu.memref_slice %arg7[%dma_start3A_57, %dma_start3A_63] : memref<2x256xi32, #tpu.memory_space<vmem>> -> memref<1x128xi32, #tpu.memory_space<vmem>>
      %dma_start3A_65 = tpu.memref_squeeze %dma_start3A_64 : memref<1x128xi32, #tpu.memory_space<vmem>> -> memref<128xi32, #tpu.memory_space<vmem>>
      %dma_start3A_66 = arith.constant 0 : i32
      %dma_start3A_67 = arith.constant 0 : i32
      %dma_start3A_68 = tpu.memref_slice %arg3[%dma_start3A_66, %dma_start3A_67] : memref<10000x8xi32, #tpu.memory_space<hbm>> -> memref<10000x8xi32, #tpu.memory_space<hbm>>
      tpu.enqueue_indirect_dma source(%dma_start3A_68 : memref<10000x8xi32, #tpu.memory_space<hbm>>) target(%dma_start3A_62 : memref<128x8xi32, #tpu.memory_space<vmem>>) offsets(%dma_start3A_65 : memref<128xi32, #tpu.memory_space<vmem>>) semaphore(%arg11 : memref<!tpu.dma_semaphore, #tpu.memory_space<semaphore_mem>>)
      %mul3A_69 = arith.constant 10 : i32
      %mul3A_70 = arith.muli %add3A, %mul3A_69 : i32
      %mul3A_71 = arith.constant 2 : i32
      %mul3A_72 = arith.muli %mul3A_71, %scan3A_6 : i32
      %add3A_73 = arith.addi %mul3A_70, %mul3A_72 : i32
      %add3A_74 = arith.constant 0 : i32
      %add3A_75 = arith.addi %add3A_73, %add3A_74 : i32
      %dma_wait3A = arith.constant 0 : i32
      %dma_wait3A_76 = arith.constant 0 : i32
      %dma_wait3A_77 = arith.constant 0 : i32
      %dma_wait3A_78 = arith.constant 0 : i32
      %dma_wait3A_79 = tpu.memref_slice %arg8[%dma_wait3A_76, %dma_wait3A_77, %dma_wait3A_78] : memref<2x128x32xbf16, #tpu.memory_space<vmem>> -> memref<1x128x32xbf16, #tpu.memory_space<vmem>>
      %dma_wait3A_80 = tpu.memref_squeeze %dma_wait3A_79 : memref<1x128x32xbf16, #tpu.memory_space<vmem>> -> memref<128x32xbf16, #tpu.memory_space<vmem>>
      %dma_wait3A_81 = arith.constant 0 : i32
      %dma_wait3A_82 = tpu.memref_slice %arg7[%dma_wait3A, %dma_wait3A_81] : memref<2x256xi32, #tpu.memory_space<vmem>> -> memref<1x128xi32, #tpu.memory_space<vmem>>
      %dma_wait3A_83 = tpu.memref_squeeze %dma_wait3A_82 : memref<1x128xi32, #tpu.memory_space<vmem>> -> memref<128xi32, #tpu.memory_space<vmem>>
      %dma_wait3A_84 = arith.constant 0 : i32
      %dma_wait3A_85 = arith.constant 0 : i32
      %dma_wait3A_86 = tpu.memref_slice %arg2[%dma_wait3A_84, %dma_wait3A_85] : memref<10000x32xbf16, #tpu.memory_space<hbm>> -> memref<10000x32xbf16, #tpu.memory_space<hbm>>
      tpu.wait_indirect_dma semaphore(%arg10 : memref<!tpu.dma_semaphore, #tpu.memory_space<semaphore_mem>>) src(%dma_wait3A_86 : memref<10000x32xbf16, #tpu.memory_space<hbm>>) dst(%dma_wait3A_80 : memref<128x32xbf16, #tpu.memory_space<vmem>>)
      %mul3A_87 = arith.constant 128 : i32
      %mul3A_88 = arith.muli %add3A_75, %mul3A_87 : i32
      %run_scoped3A_89 = arith.constant 0 : i32
      "tpu.region"() ({
        %run_scoped3A_142 = tpu.sem_alloc : memref<!tpu.dma_semaphore, #tpu.memory_space<semaphore_mem>>
        %dma_start3A_143 = arith.constant 0 : i32
        %dma_start3A_144 = arith.constant 0 : i32
        %dma_start3A_145 = tpu.memref_slice %arg8[%run_scoped3A_89, %dma_start3A_143, %dma_start3A_144] : memref<2x128x32xbf16, #tpu.memory_space<vmem>> -> memref<1x128x32xbf16, #tpu.memory_space<vmem>>
        %dma_start3A_146 = tpu.memref_squeeze %dma_start3A_145 : memref<1x128x32xbf16, #tpu.memory_space<vmem>> -> memref<128x32xbf16, #tpu.memory_space<vmem>>
        %dma_start3A_147 = arith.constant 0 : i32
        %dma_start3A_148 = tpu.memref_slice %arg5[%mul3A_88, %dma_start3A_147] : memref<40960x32xbf16, #tpu.memory_space<hbm>> -> memref<128x32xbf16, #tpu.memory_space<hbm>>
        %dma_start3A_149 = arith.constant 0 : i32
        %dma_start3A_150 = tpu.memref_slice %arg5[%mul3A_88, %dma_start3A_149] : memref<40960x32xbf16, #tpu.memory_space<hbm>> -> memref<128x32xbf16, #tpu.memory_space<hbm>>
        %dma_start3A_151 = arith.constant 0 : i32
        %dma_start3A_152 = arith.constant 0 : i32
        %dma_start3A_153 = tpu.memref_slice %arg8[%run_scoped3A_89, %dma_start3A_151, %dma_start3A_152] : memref<2x128x32xbf16, #tpu.memory_space<vmem>> -> memref<1x128x32xbf16, #tpu.memory_space<vmem>>
        %dma_start3A_154 = tpu.memref_squeeze %dma_start3A_153 : memref<1x128x32xbf16, #tpu.memory_space<vmem>> -> memref<128x32xbf16, #tpu.memory_space<vmem>>
        tpu.enqueue_dma source(%dma_start3A_154 : memref<128x32xbf16, #tpu.memory_space<vmem>>) target(%dma_start3A_150 : memref<128x32xbf16, #tpu.memory_space<hbm>>) target_semaphore(%run_scoped3A_142 : memref<!tpu.dma_semaphore, #tpu.memory_space<semaphore_mem>>)
        %dma_wait3A_155 = arith.constant 0 : i32
        %dma_wait3A_156 = arith.constant 0 : i32
        %dma_wait3A_157 = tpu.memref_slice %arg8[%run_scoped3A_89, %dma_wait3A_155, %dma_wait3A_156] : memref<2x128x32xbf16, #tpu.memory_space<vmem>> -> memref<1x128x32xbf16, #tpu.memory_space<vmem>>
        %dma_wait3A_158 = tpu.memref_squeeze %dma_wait3A_157 : memref<1x128x32xbf16, #tpu.memory_space<vmem>> -> memref<128x32xbf16, #tpu.memory_space<vmem>>
        %dma_wait3A_159 = arith.constant 0 : i32
        %dma_wait3A_160 = tpu.memref_slice %arg5[%mul3A_88, %dma_wait3A_159] : memref<40960x32xbf16, #tpu.memory_space<hbm>> -> memref<128x32xbf16, #tpu.memory_space<hbm>>
        %dma_wait3A_161 = arith.constant 0 : i32
        %dma_wait3A_162 = tpu.memref_slice %arg5[%mul3A_88, %dma_wait3A_161] : memref<40960x32xbf16, #tpu.memory_space<hbm>> -> memref<128x32xbf16, #tpu.memory_space<hbm>>
        %dma_wait3A_163 = arith.constant 0 : i32
        %dma_wait3A_164 = arith.constant 0 : i32
        %dma_wait3A_165 = tpu.memref_slice %arg8[%run_scoped3A_89, %dma_wait3A_163, %dma_wait3A_164] : memref<2x128x32xbf16, #tpu.memory_space<vmem>> -> memref<1x128x32xbf16, #tpu.memory_space<vmem>>
        %dma_wait3A_166 = tpu.memref_squeeze %dma_wait3A_165 : memref<1x128x32xbf16, #tpu.memory_space<vmem>> -> memref<128x32xbf16, #tpu.memory_space<vmem>>
        tpu.wait_dma2 semaphore(%run_scoped3A_142 : memref<!tpu.dma_semaphore, #tpu.memory_space<semaphore_mem>>) src(%dma_wait3A_166 : memref<128x32xbf16, #tpu.memory_space<vmem>>) dst(%dma_wait3A_162 : memref<128x32xbf16, #tpu.memory_space<hbm>>)
        tpu.yield
      }) : () -> ()
      %dma_wait3A_90 = arith.constant 0 : i32
      %dma_wait3A_91 = arith.constant 0 : i32
      %dma_wait3A_92 = arith.constant 0 : i32
      %dma_wait3A_93 = arith.constant 0 : i32
      %dma_wait3A_94 = tpu.memref_slice %arg9[%dma_wait3A_91, %dma_wait3A_92, %dma_wait3A_93] : memref<2x128x8xi32, #tpu.memory_space<vmem>> -> memref<1x128x8xi32, #tpu.memory_space<vmem>>
      %dma_wait3A_95 = tpu.memref_squeeze %dma_wait3A_94 : memref<1x128x8xi32, #tpu.memory_space<vmem>> -> memref<128x8xi32, #tpu.memory_space<vmem>>
      %dma_wait3A_96 = arith.constant 128 : i32
      %dma_wait3A_97 = tpu.memref_slice %arg7[%dma_wait3A_90, %dma_wait3A_96] : memref<2x256xi32, #tpu.memory_space<vmem>> -> memref<1x128xi32, #tpu.memory_space<vmem>>
      %dma_wait3A_98 = tpu.memref_squeeze %dma_wait3A_97 : memref<1x128xi32, #tpu.memory_space<vmem>> -> memref<128xi32, #tpu.memory_space<vmem>>
      %dma_wait3A_99 = arith.constant 0 : i32
      %dma_wait3A_100 = arith.constant 0 : i32
      %dma_wait3A_101 = tpu.memref_slice %arg3[%dma_wait3A_99, %dma_wait3A_100] : memref<10000x8xi32, #tpu.memory_space<hbm>> -> memref<10000x8xi32, #tpu.memory_space<hbm>>
      tpu.wait_indirect_dma semaphore(%arg11 : memref<!tpu.dma_semaphore, #tpu.memory_space<semaphore_mem>>) src(%dma_wait3A_101 : memref<10000x8xi32, #tpu.memory_space<hbm>>) dst(%dma_wait3A_95 : memref<128x8xi32, #tpu.memory_space<vmem>>)
      %mul3A_102 = arith.constant 128 : i32
      %mul3A_103 = arith.muli %add3A_75, %mul3A_102 : i32
      %run_scoped3A_104 = arith.constant 0 : i32
      "tpu.region"() ({
        %run_scoped3A_142 = tpu.sem_alloc : memref<!tpu.dma_semaphore, #tpu.memory_space<semaphore_mem>>
        %dma_start3A_143 = arith.constant 0 : i32
        %dma_start3A_144 = arith.constant 0 : i32
        %dma_start3A_145 = tpu.memref_slice %arg9[%run_scoped3A_104, %dma_start3A_143, %dma_start3A_144] : memref<2x128x8xi32, #tpu.memory_space<vmem>> -> memref<1x128x8xi32, #tpu.memory_space<vmem>>
        %dma_start3A_146 = tpu.memref_squeeze %dma_start3A_145 : memref<1x128x8xi32, #tpu.memory_space<vmem>> -> memref<128x8xi32, #tpu.memory_space<vmem>>
        %dma_start3A_147 = arith.constant 0 : i32
        %dma_start3A_148 = tpu.memref_slice %arg6[%mul3A_103, %dma_start3A_147] : memref<40960x8xi32, #tpu.memory_space<hbm>> -> memref<128x8xi32, #tpu.memory_space<hbm>>
        %dma_start3A_149 = arith.constant 0 : i32
        %dma_start3A_150 = tpu.memref_slice %arg6[%mul3A_103, %dma_start3A_149] : memref<40960x8xi32, #tpu.memory_space<hbm>> -> memref<128x8xi32, #tpu.memory_space<hbm>>
        %dma_start3A_151 = arith.constant 0 : i32
        %dma_start3A_152 = arith.constant 0 : i32
        %dma_start3A_153 = tpu.memref_slice %arg9[%run_scoped3A_104, %dma_start3A_151, %dma_start3A_152] : memref<2x128x8xi32, #tpu.memory_space<vmem>> -> memref<1x128x8xi32, #tpu.memory_space<vmem>>
        %dma_start3A_154 = tpu.memref_squeeze %dma_start3A_153 : memref<1x128x8xi32, #tpu.memory_space<vmem>> -> memref<128x8xi32, #tpu.memory_space<vmem>>
        tpu.enqueue_dma source(%dma_start3A_154 : memref<128x8xi32, #tpu.memory_space<vmem>>) target(%dma_start3A_150 : memref<128x8xi32, #tpu.memory_space<hbm>>) target_semaphore(%run_scoped3A_142 : memref<!tpu.dma_semaphore, #tpu.memory_space<semaphore_mem>>)
        %dma_wait3A_155 = arith.constant 0 : i32
        %dma_wait3A_156 = arith.constant 0 : i32
        %dma_wait3A_157 = tpu.memref_slice %arg9[%run_scoped3A_104, %dma_wait3A_155, %dma_wait3A_156] : memref<2x128x8xi32, #tpu.memory_space<vmem>> -> memref<1x128x8xi32, #tpu.memory_space<vmem>>
        %dma_wait3A_158 = tpu.memref_squeeze %dma_wait3A_157 : memref<1x128x8xi32, #tpu.memory_space<vmem>> -> memref<128x8xi32, #tpu.memory_space<vmem>>
        %dma_wait3A_159 = arith.constant 0 : i32
        %dma_wait3A_160 = tpu.memref_slice %arg6[%mul3A_103, %dma_wait3A_159] : memref<40960x8xi32, #tpu.memory_space<hbm>> -> memref<128x8xi32, #tpu.memory_space<hbm>>
        %dma_wait3A_161 = arith.constant 0 : i32
        %dma_wait3A_162 = tpu.memref_slice %arg6[%mul3A_103, %dma_wait3A_161] : memref<40960x8xi32, #tpu.memory_space<hbm>> -> memref<128x8xi32, #tpu.memory_space<hbm>>
        %dma_wait3A_163 = arith.constant 0 : i32
        %dma_wait3A_164 = arith.constant 0 : i32
        %dma_wait3A_165 = tpu.memref_slice %arg9[%run_scoped3A_104, %dma_wait3A_163, %dma_wait3A_164] : memref<2x128x8xi32, #tpu.memory_space<vmem>> -> memref<1x128x8xi32, #tpu.memory_space<vmem>>
        %dma_wait3A_166 = tpu.memref_squeeze %dma_wait3A_165 : memref<1x128x8xi32, #tpu.memory_space<vmem>> -> memref<128x8xi32, #tpu.memory_space<vmem>>
        tpu.wait_dma2 semaphore(%run_scoped3A_142 : memref<!tpu.dma_semaphore, #tpu.memory_space<semaphore_mem>>) src(%dma_wait3A_166 : memref<128x8xi32, #tpu.memory_space<vmem>>) dst(%dma_wait3A_162 : memref<128x8xi32, #tpu.memory_space<hbm>>)
        tpu.yield
      }) : () -> ()
      %mul3A_105 = arith.constant 10 : i32
      %mul3A_106 = arith.muli %add3A, %mul3A_105 : i32
      %mul3A_107 = arith.constant 2 : i32
      %mul3A_108 = arith.muli %mul3A_107, %scan3A_6 : i32
      %add3A_109 = arith.addi %mul3A_106, %mul3A_108 : i32
      %add3A_110 = arith.constant 1 : i32
      %add3A_111 = arith.addi %add3A_109, %add3A_110 : i32
      %dma_wait3A_112 = arith.constant 1 : i32
      %dma_wait3A_113 = arith.constant 1 : i32
      %dma_wait3A_114 = arith.constant 0 : i32
      %dma_wait3A_115 = arith.constant 0 : i32
      %dma_wait3A_116 = tpu.memref_slice %arg8[%dma_wait3A_113, %dma_wait3A_114, %dma_wait3A_115] : memref<2x128x32xbf16, #tpu.memory_space<vmem>> -> memref<1x128x32xbf16, #tpu.memory_space<vmem>>
      %dma_wait3A_117 = tpu.memref_squeeze %dma_wait3A_116 : memref<1x128x32xbf16, #tpu.memory_space<vmem>> -> memref<128x32xbf16, #tpu.memory_space<vmem>>
      %dma_wait3A_118 = arith.constant 0 : i32
      %dma_wait3A_119 = tpu.memref_slice %arg7[%dma_wait3A_112, %dma_wait3A_118] : memref<2x256xi32, #tpu.memory_space<vmem>> -> memref<1x128xi32, #tpu.memory_space<vmem>>
      %dma_wait3A_120 = tpu.memref_squeeze %dma_wait3A_119 : memref<1x128xi32, #tpu.memory_space<vmem>> -> memref<128xi32, #tpu.memory_space<vmem>>
      %dma_wait3A_121 = arith.constant 0 : i32
      %dma_wait3A_122 = arith.constant 0 : i32
      %dma_wait3A_123 = tpu.memref_slice %arg2[%dma_wait3A_121, %dma_wait3A_122] : memref<10000x32xbf16, #tpu.memory_space<hbm>> -> memref<10000x32xbf16, #tpu.memory_space<hbm>>
      tpu.wait_indirect_dma semaphore(%arg10 : memref<!tpu.dma_semaphore, #tpu.memory_space<semaphore_mem>>) src(%dma_wait3A_123 : memref<10000x32xbf16, #tpu.memory_space<hbm>>) dst(%dma_wait3A_117 : memref<128x32xbf16, #tpu.memory_space<vmem>>)
      %mul3A_124 = arith.constant 128 : i32
      %mul3A_125 = arith.muli %add3A_111, %mul3A_124 : i32
      %run_scoped3A_126 = arith.constant 1 : i32
      "tpu.region"() ({
        %run_scoped3A_142 = tpu.sem_alloc : memref<!tpu.dma_semaphore, #tpu.memory_space<semaphore_mem>>
        %dma_start3A_143 = arith.constant 0 : i32
        %dma_start3A_144 = arith.constant 0 : i32
        %dma_start3A_145 = tpu.memref_slice %arg8[%run_scoped3A_126, %dma_start3A_143, %dma_start3A_144] : memref<2x128x32xbf16, #tpu.memory_space<vmem>> -> memref<1x128x32xbf16, #tpu.memory_space<vmem>>
        %dma_start3A_146 = tpu.memref_squeeze %dma_start3A_145 : memref<1x128x32xbf16, #tpu.memory_space<vmem>> -> memref<128x32xbf16, #tpu.memory_space<vmem>>
        %dma_start3A_147 = arith.constant 0 : i32
        %dma_start3A_148 = tpu.memref_slice %arg5[%mul3A_125, %dma_start3A_147] : memref<40960x32xbf16, #tpu.memory_space<hbm>> -> memref<128x32xbf16, #tpu.memory_space<hbm>>
        %dma_start3A_149 = arith.constant 0 : i32
        %dma_start3A_150 = tpu.memref_slice %arg5[%mul3A_125, %dma_start3A_149] : memref<40960x32xbf16, #tpu.memory_space<hbm>> -> memref<128x32xbf16, #tpu.memory_space<hbm>>
        %dma_start3A_151 = arith.constant 0 : i32
        %dma_start3A_152 = arith.constant 0 : i32
        %dma_start3A_153 = tpu.memref_slice %arg8[%run_scoped3A_126, %dma_start3A_151, %dma_start3A_152] : memref<2x128x32xbf16, #tpu.memory_space<vmem>> -> memref<1x128x32xbf16, #tpu.memory_space<vmem>>
        %dma_start3A_154 = tpu.memref_squeeze %dma_start3A_153 : memref<1x128x32xbf16, #tpu.memory_space<vmem>> -> memref<128x32xbf16, #tpu.memory_space<vmem>>
        tpu.enqueue_dma source(%dma_start3A_154 : memref<128x32xbf16, #tpu.memory_space<vmem>>) target(%dma_start3A_150 : memref<128x32xbf16, #tpu.memory_space<hbm>>) target_semaphore(%run_scoped3A_142 : memref<!tpu.dma_semaphore, #tpu.memory_space<semaphore_mem>>)
        %dma_wait3A_155 = arith.constant 0 : i32
        %dma_wait3A_156 = arith.constant 0 : i32
        %dma_wait3A_157 = tpu.memref_slice %arg8[%run_scoped3A_126, %dma_wait3A_155, %dma_wait3A_156] : memref<2x128x32xbf16, #tpu.memory_space<vmem>> -> memref<1x128x32xbf16, #tpu.memory_space<vmem>>
        %dma_wait3A_158 = tpu.memref_squeeze %dma_wait3A_157 : memref<1x128x32xbf16, #tpu.memory_space<vmem>> -> memref<128x32xbf16, #tpu.memory_space<vmem>>
        %dma_wait3A_159 = arith.constant 0 : i32
        %dma_wait3A_160 = tpu.memref_slice %arg5[%mul3A_125, %dma_wait3A_159] : memref<40960x32xbf16, #tpu.memory_space<hbm>> -> memref<128x32xbf16, #tpu.memory_space<hbm>>
        %dma_wait3A_161 = arith.constant 0 : i32
        %dma_wait3A_162 = tpu.memref_slice %arg5[%mul3A_125, %dma_wait3A_161] : memref<40960x32xbf16, #tpu.memory_space<hbm>> -> memref<128x32xbf16, #tpu.memory_space<hbm>>
        %dma_wait3A_163 = arith.constant 0 : i32
        %dma_wait3A_164 = arith.constant 0 : i32
        %dma_wait3A_165 = tpu.memref_slice %arg8[%run_scoped3A_126, %dma_wait3A_163, %dma_wait3A_164] : memref<2x128x32xbf16, #tpu.memory_space<vmem>> -> memref<1x128x32xbf16, #tpu.memory_space<vmem>>
        %dma_wait3A_166 = tpu.memref_squeeze %dma_wait3A_165 : memref<1x128x32xbf16, #tpu.memory_space<vmem>> -> memref<128x32xbf16, #tpu.memory_space<vmem>>
        tpu.wait_dma2 semaphore(%run_scoped3A_142 : memref<!tpu.dma_semaphore, #tpu.memory_space<semaphore_mem>>) src(%dma_wait3A_166 : memref<128x32xbf16, #tpu.memory_space<vmem>>) dst(%dma_wait3A_162 : memref<128x32xbf16, #tpu.memory_space<hbm>>)
        tpu.yield
      }) : () -> ()
      %dma_wait3A_127 = arith.constant 1 : i32
      %dma_wait3A_128 = arith.constant 1 : i32
      %dma_wait3A_129 = arith.constant 0 : i32
      %dma_wait3A_130 = arith.constant 0 : i32
      %dma_wait3A_131 = tpu.memref_slice %arg9[%dma_wait3A_128, %dma_wait3A_129, %dma_wait3A_130] : memref<2x128x8xi32, #tpu.memory_space<vmem>> -> memref<1x128x8xi32, #tpu.memory_space<vmem>>
      %dma_wait3A_132 = tpu.memref_squeeze %dma_wait3A_131 : memref<1x128x8xi32, #tpu.memory_space<vmem>> -> memref<128x8xi32, #tpu.memory_space<vmem>>
      %dma_wait3A_133 = arith.constant 128 : i32
      %dma_wait3A_134 = tpu.memref_slice %arg7[%dma_wait3A_127, %dma_wait3A_133] : memref<2x256xi32, #tpu.memory_space<vmem>> -> memref<1x128xi32, #tpu.memory_space<vmem>>
      %dma_wait3A_135 = tpu.memref_squeeze %dma_wait3A_134 : memref<1x128xi32, #tpu.memory_space<vmem>> -> memref<128xi32, #tpu.memory_space<vmem>>
      %dma_wait3A_136 = arith.constant 0 : i32
      %dma_wait3A_137 = arith.constant 0 : i32
      %dma_wait3A_138 = tpu.memref_slice %arg3[%dma_wait3A_136, %dma_wait3A_137] : memref<10000x8xi32, #tpu.memory_space<hbm>> -> memref<10000x8xi32, #tpu.memory_space<hbm>>
      tpu.wait_indirect_dma semaphore(%arg11 : memref<!tpu.dma_semaphore, #tpu.memory_space<semaphore_mem>>) src(%dma_wait3A_138 : memref<10000x8xi32, #tpu.memory_space<hbm>>) dst(%dma_wait3A_132 : memref<128x8xi32, #tpu.memory_space<vmem>>)
      %mul3A_139 = arith.constant 128 : i32
      %mul3A_140 = arith.muli %add3A_111, %mul3A_139 : i32
      %run_scoped3A_141 = arith.constant 1 : i32
      "tpu.region"() ({
        %run_scoped3A_142 = tpu.sem_alloc : memref<!tpu.dma_semaphore, #tpu.memory_space<semaphore_mem>>
        %dma_start3A_143 = arith.constant 0 : i32
        %dma_start3A_144 = arith.constant 0 : i32
        %dma_start3A_145 = tpu.memref_slice %arg9[%run_scoped3A_141, %dma_start3A_143, %dma_start3A_144] : memref<2x128x8xi32, #tpu.memory_space<vmem>> -> memref<1x128x8xi32, #tpu.memory_space<vmem>>
        %dma_start3A_146 = tpu.memref_squeeze %dma_start3A_145 : memref<1x128x8xi32, #tpu.memory_space<vmem>> -> memref<128x8xi32, #tpu.memory_space<vmem>>
        %dma_start3A_147 = arith.constant 0 : i32
        %dma_start3A_148 = tpu.memref_slice %arg6[%mul3A_140, %dma_start3A_147] : memref<40960x8xi32, #tpu.memory_space<hbm>> -> memref<128x8xi32, #tpu.memory_space<hbm>>
        %dma_start3A_149 = arith.constant 0 : i32
        %dma_start3A_150 = tpu.memref_slice %arg6[%mul3A_140, %dma_start3A_149] : memref<40960x8xi32, #tpu.memory_space<hbm>> -> memref<128x8xi32, #tpu.memory_space<hbm>>
        %dma_start3A_151 = arith.constant 0 : i32
        %dma_start3A_152 = arith.constant 0 : i32
        %dma_start3A_153 = tpu.memref_slice %arg9[%run_scoped3A_141, %dma_start3A_151, %dma_start3A_152] : memref<2x128x8xi32, #tpu.memory_space<vmem>> -> memref<1x128x8xi32, #tpu.memory_space<vmem>>
        %dma_start3A_154 = tpu.memref_squeeze %dma_start3A_153 : memref<1x128x8xi32, #tpu.memory_space<vmem>> -> memref<128x8xi32, #tpu.memory_space<vmem>>
        tpu.enqueue_dma source(%dma_start3A_154 : memref<128x8xi32, #tpu.memory_space<vmem>>) target(%dma_start3A_150 : memref<128x8xi32, #tpu.memory_space<hbm>>) target_semaphore(%run_scoped3A_142 : memref<!tpu.dma_semaphore, #tpu.memory_space<semaphore_mem>>)
        %dma_wait3A_155 = arith.constant 0 : i32
        %dma_wait3A_156 = arith.constant 0 : i32
        %dma_wait3A_157 = tpu.memref_slice %arg9[%run_scoped3A_141, %dma_wait3A_155, %dma_wait3A_156] : memref<2x128x8xi32, #tpu.memory_space<vmem>> -> memref<1x128x8xi32, #tpu.memory_space<vmem>>
        %dma_wait3A_158 = tpu.memref_squeeze %dma_wait3A_157 : memref<1x128x8xi32, #tpu.memory_space<vmem>> -> memref<128x8xi32, #tpu.memory_space<vmem>>
        %dma_wait3A_159 = arith.constant 0 : i32
        %dma_wait3A_160 = tpu.memref_slice %arg6[%mul3A_140, %dma_wait3A_159] : memref<40960x8xi32, #tpu.memory_space<hbm>> -> memref<128x8xi32, #tpu.memory_space<hbm>>
        %dma_wait3A_161 = arith.constant 0 : i32
        %dma_wait3A_162 = tpu.memref_slice %arg6[%mul3A_140, %dma_wait3A_161] : memref<40960x8xi32, #tpu.memory_space<hbm>> -> memref<128x8xi32, #tpu.memory_space<hbm>>
        %dma_wait3A_163 = arith.constant 0 : i32
        %dma_wait3A_164 = arith.constant 0 : i32
        %dma_wait3A_165 = tpu.memref_slice %arg9[%run_scoped3A_141, %dma_wait3A_163, %dma_wait3A_164] : memref<2x128x8xi32, #tpu.memory_space<vmem>> -> memref<1x128x8xi32, #tpu.memory_space<vmem>>
        %dma_wait3A_166 = tpu.memref_squeeze %dma_wait3A_165 : memref<1x128x8xi32, #tpu.memory_space<vmem>> -> memref<128x8xi32, #tpu.memory_space<vmem>>
        tpu.wait_dma2 semaphore(%run_scoped3A_142 : memref<!tpu.dma_semaphore, #tpu.memory_space<semaphore_mem>>) src(%dma_wait3A_166 : memref<128x8xi32, #tpu.memory_space<vmem>>) dst(%dma_wait3A_162 : memref<128x8xi32, #tpu.memory_space<hbm>>)
        tpu.yield
      }) : () -> ()
    }
    %scan3A_5 = arith.constant 5 : i32
    return
  }
}

#map = affine_map<(d0, d1) -> (0, 0)>
module attributes {stable_mosaic.version = 14 : i64} {
  func.func @k(%arg0: i32, %arg1: i32, %arg2: memref<10000x32xbf16, #tpu.memory_space<hbm>>, %arg3: memref<10000x8xi32, #tpu.memory_space<hbm>>, %arg4: memref<320x256xi32, #tpu.memory_space<hbm>>, %arg5: memref<40960x32xbf16, #tpu.memory_space<hbm>>, %arg6: memref<40960x8xi32, #tpu.memory_space<hbm>>, %arg7: memref<2x256xi32, #tpu.memory_space<vmem>>, %arg8: memref<2x128x32xbf16, #tpu.memory_space<vmem>>, %arg9: memref<2x128x8xi32, #tpu.memory_space<vmem>>, %arg10: memref<!tpu.dma_semaphore, #tpu.memory_space<semaphore_mem>>, %arg11: memref<!tpu.dma_semaphore, #tpu.memory_space<semaphore_mem>>) attributes {dimension_semantics = [#tpu.dimension_semantics<core_parallel>, #tpu.dimension_semantics<subcore_parallel>], iteration_bounds = array<i64: 2, 16>, scalar_prefetch = 0 : i64, scratch_operands = 5 : i64, tpu.core_type = #tpu.core_type<sc_vector_subcore>, window_params = [{transform_indices = #map}, {transform_indices = #map}, {transform_indices = #map}, {transform_indices = #map}, {transform_indices = #map}]} {
    %mul3A = arith.constant 2 : i32
    %mul3A_0 = arith.muli %arg1, %mul3A : i32
    %add3A = arith.addi %mul3A_0, %arg0 : i32
    %scan3A = arith.constant 0 : i32
    %scan3A_1 = arith.constant 0 : i32
    %scan3A_2 = arith.constant 5 : i32
    %scan3A_3 = arith.addi %scan3A_1, %scan3A_2 : i32
    %scan3A_4 = arith.constant 1 : i32
    scf.for %scan3A_6 = %scan3A_1 to %scan3A_3 step %scan3A_4  : i32 {
      %mul3A_7 = arith.constant 10 : i32
      %mul3A_8 = arith.muli %add3A, %mul3A_7 : i32
      %mul3A_9 = arith.constant 2 : i32
      %mul3A_10 = arith.muli %mul3A_9, %scan3A_6 : i32
      %add3A_11 = arith.addi %mul3A_8, %mul3A_10 : i32
      %add3A_12 = arith.constant 0 : i32
      %add3A_13 = arith.addi %add3A_11, %add3A_12 : i32
      %run_scoped3A = arith.constant 0 : i32
      "tpu.region"() ({
        %run_scoped3A_142 = tpu.sem_alloc : memref<!tpu.dma_semaphore, #tpu.memory_space<semaphore_mem>>
        %dma_start3A_143 = arith.constant 0 : i32
        %dma_start3A_144 = tpu.memref_slice %arg7[%run_scoped3A, %dma_start3A_143] : memref<2x256xi32, #tpu.memory_space<vmem>> -> memref<1x256xi32, #tpu.memory_space<vmem>>
        %dma_start3A_145 = tpu.memref_squeeze %dma_start3A_144 : memref<1x256xi32, #tpu.memory_space<vmem>> -> memref<256xi32, #tpu.memory_space<vmem>>
        %dma_start3A_146 = arith.constant 0 : i32
        %dma_start3A_147 = tpu.memref_slice %arg4[%add3A_13, %dma_start3A_146] : memref<320x256xi32, #tpu.memory_space<hbm>> -> memref<1x256xi32, #tpu.memory_space<hbm>>
        %dma_start3A_148 = tpu.memref_squeeze %dma_start3A_147 : memref<1x256xi32, #tpu.memory_space<hbm>> -> memref<256xi32, #tpu.memory_space<hbm>>
        %dma_start3A_149 = arith.constant 0 : i32
        %dma_start3A_150 = tpu.memref_slice %arg7[%run_scoped3A, %dma_start3A_149] : memref<2x256xi32, #tpu.memory_space<vmem>> -> memref<1x256xi32, #tpu.memory_space<vmem>>
        %dma_start3A_151 = tpu.memref_squeeze %dma_start3A_150 : memref<1x256xi32, #tpu.memory_space<vmem>> -> memref<256xi32, #tpu.memory_space<vmem>>
        %dma_start3A_152 = arith.constant 0 : i32
        %dma_start3A_153 = tpu.memref_slice %arg4[%add3A_13, %dma_start3A_152] : memref<320x256xi32, #tpu.memory_space<hbm>> -> memref<1x256xi32, #tpu.memory_space<hbm>>
        %dma_start3A_154 = tpu.memref_squeeze %dma_start3A_153 : memref<1x256xi32, #tpu.memory_space<hbm>> -> memref<256xi32, #tpu.memory_space<hbm>>
        tpu.enqueue_dma source(%dma_start3A_154 : memref<256xi32, #tpu.memory_space<hbm>>) target(%dma_start3A_151 : memref<256xi32, #tpu.memory_space<vmem>>) target_semaphore(%run_scoped3A_142 : memref<!tpu.dma_semaphore, #tpu.memory_space<semaphore_mem>>)
        %dma_wait3A_155 = arith.constant 0 : i32
        %dma_wait3A_156 = tpu.memref_slice %arg7[%run_scoped3A, %dma_wait3A_155] : memref<2x256xi32, #tpu.memory_space<vmem>> -> memref<1x256xi32, #tpu.memory_space<vmem>>
        %dma_wait3A_157 = tpu.memref_squeeze %dma_wait3A_156 : memref<1x256xi32, #tpu.memory_space<vmem>> -> memref<256xi32, #tpu.memory_space<vmem>>
        %dma_wait3A_158 = arith.constant 0 : i32
        %dma_wait3A_159 = tpu.memref_slice %arg4[%add3A_13, %dma_wait3A_158] : memref<320x256xi32, #tpu.memory_space<hbm>> -> memref<1x256xi32, #tpu.memory_space<hbm>>
        %dma_wait3A_160 = tpu.memref_squeeze %dma_wait3A_159 : memref<1x256xi32, #tpu.memory_space<hbm>> -> memref<256xi32, #tpu.memory_space<hbm>>
        %dma_wait3A_161 = arith.constant 0 : i32
        %dma_wait3A_162 = tpu.memref_slice %arg7[%run_scoped3A, %dma_wait3A_161] : memref<2x256xi32, #tpu.memory_space<vmem>> -> memref<1x256xi32, #tpu.memory_space<vmem>>
        %dma_wait3A_163 = tpu.memref_squeeze %dma_wait3A_162 : memref<1x256xi32, #tpu.memory_space<vmem>> -> memref<256xi32, #tpu.memory_space<vmem>>
        %dma_wait3A_164 = arith.constant 0 : i32
        %dma_wait3A_165 = tpu.memref_slice %arg4[%add3A_13, %dma_wait3A_164] : memref<320x256xi32, #tpu.memory_space<hbm>> -> memref<1x256xi32, #tpu.memory_space<hbm>>
        %dma_wait3A_166 = tpu.memref_squeeze %dma_wait3A_165 : memref<1x256xi32, #tpu.memory_space<hbm>> -> memref<256xi32, #tpu.memory_space<hbm>>
        tpu.wait_dma2 semaphore(%run_scoped3A_142 : memref<!tpu.dma_semaphore, #tpu.memory_space<semaphore_mem>>) src(%dma_wait3A_166 : memref<256xi32, #tpu.memory_space<hbm>>) dst(%dma_wait3A_163 : memref<256xi32, #tpu.memory_space<vmem>>)
        tpu.yield
      }) : () -> ()
      %dma_start3A = arith.constant 0 : i32
      %dma_start3A_14 = arith.constant 0 : i32
      %dma_start3A_15 = arith.constant 0 : i32
      %dma_start3A_16 = arith.constant 0 : i32
      %dma_start3A_17 = tpu.memref_slice %arg8[%dma_start3A_14, %dma_start3A_15, %dma_start3A_16] : memref<2x128x32xbf16, #tpu.memory_space<vmem>> -> memref<1x128x32xbf16, #tpu.memory_space<vmem>>
      %dma_start3A_18 = tpu.memref_squeeze %dma_start3A_17 : memref<1x128x32xbf16, #tpu.memory_space<vmem>> -> memref<128x32xbf16, #tpu.memory_space<vmem>>
      %dma_start3A_19 = arith.constant 0 : i32
      %dma_start3A_20 = tpu.memref_slice %arg7[%dma_start3A, %dma_start3A_19] : memref<2x256xi32, #tpu.memory_space<vmem>> -> memref<1x128xi32, #tpu.memory_space<vmem>>
      %dma_start3A_21 = tpu.memref_squeeze %dma_start3A_20 : memref<1x128xi32, #tpu.memory_space<vmem>> -> memref<128xi32, #tpu.memory_space<vmem>>
      %dma_start3A_22 = arith.constant 0 : i32
      %dma_start3A_23 = arith.constant 0 : i32
      %dma_start3A_24 = tpu.memref_slice %arg2[%dma_start3A_22, %dma_start3A_23] : memref<10000x32xbf16, #tpu.memory_space<hbm>> -> memref<10000x32xbf16, #tpu.memory_space<hbm>>
      tpu.enqueue_indirect_dma source(%dma_start3A_24 : memref<10000x32xbf16, #tpu.memory_space<hbm>>) target(%dma_start3A_18 : memref<128x32xbf16, #tpu.memory_space<vmem>>) offsets(%dma_start3A_21 : memref<128xi32, #tpu.memory_space<vmem>>) semaphore(%arg10 : memref<!tpu.dma_semaphore, #tpu.memory_space<semaphore_mem>>)
      %dma_start3A_25 = arith.constant 0 : i32
      %dma_start3A_26 = arith.constant 0 : i32
      %dma_start3A_27 = arith.constant 0 : i32
      %dma_start3A_28 = arith.constant 0 : i32
      %dma_start3A_29 = tpu.memref_slice %arg9[%dma_start3A_26, %dma_start3A_27, %dma_start3A_28] : memref<2x128x8xi32, #tpu.memory_space<vmem>> -> memref<1x128x8xi32, #tpu.memory_space<vmem>>
      %dma_start3A_30 = tpu.memref_squeeze %dma_start3A_29 : memref<1x128x8xi32, #tpu.memory_space<vmem>> -> memref<128x8xi32, #tpu.memory_space<vmem>>
      %dma_start3A_31 = arith.constant 128 : i32
      %dma_start3A_32 = tpu.memref_slice %arg7[%dma_start3A_25, %dma_start3A_31] : memref<2x256xi32, #tpu.memory_space<vmem>> -> memref<1x128xi32, #tpu.memory_space<vmem>>
      %dma_start3A_33 = tpu.memref_squeeze %dma_start3A_32 : memref<1x128xi32, #tpu.memory_space<vmem>> -> memref<128xi32, #tpu.memory_space<vmem>>
      %dma_start3A_34 = arith.constant 0 : i32
      %dma_start3A_35 = arith.constant 0 : i32
      %dma_start3A_36 = tpu.memref_slice %arg3[%dma_start3A_34, %dma_start3A_35] : memref<10000x8xi32, #tpu.memory_space<hbm>> -> memref<10000x8xi32, #tpu.memory_space<hbm>>
      tpu.enqueue_indirect_dma source(%dma_start3A_36 : memref<10000x8xi32, #tpu.memory_space<hbm>>) target(%dma_start3A_30 : memref<128x8xi32, #tpu.memory_space<vmem>>) offsets(%dma_start3A_33 : memref<128xi32, #tpu.memory_space<vmem>>) semaphore(%arg11 : memref<!tpu.dma_semaphore, #tpu.memory_space<semaphore_mem>>)
      %mul3A_37 = arith.constant 10 : i32
      %mul3A_38 = arith.muli %add3A, %mul3A_37 : i32
      %mul3A_39 = arith.constant 2 : i32
      %mul3A_40 = arith.muli %mul3A_39, %scan3A_6 : i32
      %add3A_41 = arith.addi %mul3A_38, %mul3A_40 : i32
      %add3A_42 = arith.constant 1 : i32
      %add3A_43 = arith.addi %add3A_41, %add3A_42 : i32
      %run_scoped3A_44 = arith.constant 1 : i32
      "tpu.region"() ({
        %run_scoped3A_142 = tpu.sem_alloc : memref<!tpu.dma_semaphore, #tpu.memory_space<semaphore_mem>>
        %dma_start3A_143 = arith.constant 0 : i32
        %dma_start3A_144 = tpu.memref_slice %arg7[%run_scoped3A_44, %dma_start3A_143] : memref<2x256xi32, #tpu.memory_space<vmem>> -> memref<1x256xi32, #tpu.memory_space<vmem>>
        %dma_start3A_145 = tpu.memref_squeeze %dma_start3A_144 : memref<1x256xi32, #tpu.memory_space<vmem>> -> memref<256xi32, #tpu.memory_space<vmem>>
        %dma_start3A_146 = arith.constant 0 : i32
        %dma_start3A_147 = tpu.memref_slice %arg4[%add3A_43, %dma_start3A_146] : memref<320x256xi32, #tpu.memory_space<hbm>> -> memref<1x256xi32, #tpu.memory_space<hbm>>
        %dma_start3A_148 = tpu.memref_squeeze %dma_start3A_147 : memref<1x256xi32, #tpu.memory_space<hbm>> -> memref<256xi32, #tpu.memory_space<hbm>>
        %dma_start3A_149 = arith.constant 0 : i32
        %dma_start3A_150 = tpu.memref_slice %arg7[%run_scoped3A_44, %dma_start3A_149] : memref<2x256xi32, #tpu.memory_space<vmem>> -> memref<1x256xi32, #tpu.memory_space<vmem>>
        %dma_start3A_151 = tpu.memref_squeeze %dma_start3A_150 : memref<1x256xi32, #tpu.memory_space<vmem>> -> memref<256xi32, #tpu.memory_space<vmem>>
        %dma_start3A_152 = arith.constant 0 : i32
        %dma_start3A_153 = tpu.memref_slice %arg4[%add3A_43, %dma_start3A_152] : memref<320x256xi32, #tpu.memory_space<hbm>> -> memref<1x256xi32, #tpu.memory_space<hbm>>
        %dma_start3A_154 = tpu.memref_squeeze %dma_start3A_153 : memref<1x256xi32, #tpu.memory_space<hbm>> -> memref<256xi32, #tpu.memory_space<hbm>>
        tpu.enqueue_dma source(%dma_start3A_154 : memref<256xi32, #tpu.memory_space<hbm>>) target(%dma_start3A_151 : memref<256xi32, #tpu.memory_space<vmem>>) target_semaphore(%run_scoped3A_142 : memref<!tpu.dma_semaphore, #tpu.memory_space<semaphore_mem>>)
        %dma_wait3A_155 = arith.constant 0 : i32
        %dma_wait3A_156 = tpu.memref_slice %arg7[%run_scoped3A_44, %dma_wait3A_155] : memref<2x256xi32, #tpu.memory_space<vmem>> -> memref<1x256xi32, #tpu.memory_space<vmem>>
        %dma_wait3A_157 = tpu.memref_squeeze %dma_wait3A_156 : memref<1x256xi32, #tpu.memory_space<vmem>> -> memref<256xi32, #tpu.memory_space<vmem>>
        %dma_wait3A_158 = arith.constant 0 : i32
        %dma_wait3A_159 = tpu.memref_slice %arg4[%add3A_43, %dma_wait3A_158] : memref<320x256xi32, #tpu.memory_space<hbm>> -> memref<1x256xi32, #tpu.memory_space<hbm>>
        %dma_wait3A_160 = tpu.memref_squeeze %dma_wait3A_159 : memref<1x256xi32, #tpu.memory_space<hbm>> -> memref<256xi32, #tpu.memory_space<hbm>>
        %dma_wait3A_161 = arith.constant 0 : i32
        %dma_wait3A_162 = tpu.memref_slice %arg7[%run_scoped3A_44, %dma_wait3A_161] : memref<2x256xi32, #tpu.memory_space<vmem>> -> memref<1x256xi32, #tpu.memory_space<vmem>>
        %dma_wait3A_163 = tpu.memref_squeeze %dma_wait3A_162 : memref<1x256xi32, #tpu.memory_space<vmem>> -> memref<256xi32, #tpu.memory_space<vmem>>
        %dma_wait3A_164 = arith.constant 0 : i32
        %dma_wait3A_165 = tpu.memref_slice %arg4[%add3A_43, %dma_wait3A_164] : memref<320x256xi32, #tpu.memory_space<hbm>> -> memref<1x256xi32, #tpu.memory_space<hbm>>
        %dma_wait3A_166 = tpu.memref_squeeze %dma_wait3A_165 : memref<1x256xi32, #tpu.memory_space<hbm>> -> memref<256xi32, #tpu.memory_space<hbm>>
        tpu.wait_dma2 semaphore(%run_scoped3A_142 : memref<!tpu.dma_semaphore, #tpu.memory_space<semaphore_mem>>) src(%dma_wait3A_166 : memref<256xi32, #tpu.memory_space<hbm>>) dst(%dma_wait3A_163 : memref<256xi32, #tpu.memory_space<vmem>>)
        tpu.yield
      }) : () -> ()
      %dma_start3A_45 = arith.constant 1 : i32
      %dma_start3A_46 = arith.constant 1 : i32
      %dma_start3A_47 = arith.constant 0 : i32
      %dma_start3A_48 = arith.constant 0 : i32
      %dma_start3A_49 = tpu.memref_slice %arg8[%dma_start3A_46, %dma_start3A_47, %dma_start3A_48] : memref<2x128x32xbf16, #tpu.memory_space<vmem>> -> memref<1x128x32xbf16, #tpu.memory_space<vmem>>
      %dma_start3A_50 = tpu.memref_squeeze %dma_start3A_49 : memref<1x128x32xbf16, #tpu.memory_space<vmem>> -> memref<128x32xbf16, #tpu.memory_space<vmem>>
      %dma_start3A_51 = arith.constant 0 : i32
      %dma_start3A_52 = tpu.memref_slice %arg7[%dma_start3A_45, %dma_start3A_51] : memref<2x256xi32, #tpu.memory_space<vmem>> -> memref<1x128xi32, #tpu.memory_space<vmem>>
      %dma_start3A_53 = tpu.memref_squeeze %dma_start3A_52 : memref<1x128xi32, #tpu.memory_space<vmem>> -> memref<128xi32, #tpu.memory_space<vmem>>
      %dma_start3A_54 = arith.constant 0 : i32
      %dma_start3A_55 = arith.constant 0 : i32
      %dma_start3A_56 = tpu.memref_slice %arg2[%dma_start3A_54, %dma_start3A_55] : memref<10000x32xbf16, #tpu.memory_space<hbm>> -> memref<10000x32xbf16, #tpu.memory_space<hbm>>
      tpu.enqueue_indirect_dma source(%dma_start3A_56 : memref<10000x32xbf16, #tpu.memory_space<hbm>>) target(%dma_start3A_50 : memref<128x32xbf16, #tpu.memory_space<vmem>>) offsets(%dma_start3A_53 : memref<128xi32, #tpu.memory_space<vmem>>) semaphore(%arg10 : memref<!tpu.dma_semaphore, #tpu.memory_space<semaphore_mem>>)
      %dma_start3A_57 = arith.constant 1 : i32
      %dma_start3A_58 = arith.constant 1 : i32
      %dma_start3A_59 = arith.constant 0 : i32
      %dma_start3A_60 = arith.constant 0 : i32
      %dma_start3A_61 = tpu.memref_slice %arg9[%dma_start3A_58, %dma_start3A_59, %dma_start3A_60] : memref<2x128x8xi32, #tpu.memory_space<vmem>> -> memref<1x128x8xi32, #tpu.memory_space<vmem>>
      %dma_start3A_62 = tpu.memref_squeeze %dma_start3A_61 : memref<1x128x8xi32, #tpu.memory_space<vmem>> -> memref<128x8xi32, #tpu.memory_space<vmem>>
      %dma_start3A_63 = arith.constant 128 : i32
      %dma_start3A_64 = tpu.memref_slice %arg7[%dma_start3A_57, %dma_start3A_63] : memref<2x256xi32, #tpu.memory_space<vmem>> -> memref<1x128xi32, #tpu.memory_space<vmem>>
      %dma_start3A_65 = tpu.memref_squeeze %dma_start3A_64 : memref<1x128xi32, #tpu.memory_space<vmem>> -> memref<128xi32, #tpu.memory_space<vmem>>
      %dma_start3A_66 = arith.constant 0 : i32
      %dma_start3A_67 = arith.constant 0 : i32
      %dma_start3A_68 = tpu.memref_slice %arg3[%dma_start3A_66, %dma_start3A_67] : memref<10000x8xi32, #tpu.memory_space<hbm>> -> memref<10000x8xi32, #tpu.memory_space<hbm>>
      tpu.enqueue_indirect_dma source(%dma_start3A_68 : memref<10000x8xi32, #tpu.memory_space<hbm>>) target(%dma_start3A_62 : memref<128x8xi32, #tpu.memory_space<vmem>>) offsets(%dma_start3A_65 : memref<128xi32, #tpu.memory_space<vmem>>) semaphore(%arg11 : memref<!tpu.dma_semaphore, #tpu.memory_space<semaphore_mem>>)
      %mul3A_69 = arith.constant 10 : i32
      %mul3A_70 = arith.muli %add3A, %mul3A_69 : i32
      %mul3A_71 = arith.constant 2 : i32
      %mul3A_72 = arith.muli %mul3A_71, %scan3A_6 : i32
      %add3A_73 = arith.addi %mul3A_70, %mul3A_72 : i32
      %add3A_74 = arith.constant 0 : i32
      %add3A_75 = arith.addi %add3A_73, %add3A_74 : i32
      %dma_wait3A = arith.constant 0 : i32
      %dma_wait3A_76 = arith.constant 0 : i32
      %dma_wait3A_77 = arith.constant 0 : i32
      %dma_wait3A_78 = arith.constant 0 : i32
      %dma_wait3A_79 = tpu.memref_slice %arg8[%dma_wait3A_76, %dma_wait3A_77, %dma_wait3A_78] : memref<2x128x32xbf16, #tpu.memory_space<vmem>> -> memref<1x128x32xbf16, #tpu.memory_space<vmem>>
      %dma_wait3A_80 = tpu.memref_squeeze %dma_wait3A_79 : memref<1x128x32xbf16, #tpu.memory_space<vmem>> -> memref<128x32xbf16, #tpu.memory_space<vmem>>
      %dma_wait3A_81 = arith.constant 0 : i32
      %dma_wait3A_82 = tpu.memref_slice %arg7[%dma_wait3A, %dma_wait3A_81] : memref<2x256xi32, #tpu.memory_space<vmem>> -> memref<1x128xi32, #tpu.memory_space<vmem>>
      %dma_wait3A_83 = tpu.memref_squeeze %dma_wait3A_82 : memref<1x128xi32, #tpu.memory_space<vmem>> -> memref<128xi32, #tpu.memory_space<vmem>>
      %dma_wait3A_84 = arith.constant 0 : i32
      %dma_wait3A_85 = arith.constant 0 : i32
      %dma_wait3A_86 = tpu.memref_slice %arg2[%dma_wait3A_84, %dma_wait3A_85] : memref<10000x32xbf16, #tpu.memory_space<hbm>> -> memref<10000x32xbf16, #tpu.memory_space<hbm>>
      tpu.wait_indirect_dma semaphore(%arg10 : memref<!tpu.dma_semaphore, #tpu.memory_space<semaphore_mem>>) src(%dma_wait3A_86 : memref<10000x32xbf16, #tpu.memory_space<hbm>>) dst(%dma_wait3A_80 : memref<128x32xbf16, #tpu.memory_space<vmem>>)
      %mul3A_87 = arith.constant 128 : i32
      %mul3A_88 = arith.muli %add3A_75, %mul3A_87 : i32
      %run_scoped3A_89 = arith.constant 0 : i32
      "tpu.region"() ({
        %run_scoped3A_142 = tpu.sem_alloc : memref<!tpu.dma_semaphore, #tpu.memory_space<semaphore_mem>>
        %dma_start3A_143 = arith.constant 0 : i32
        %dma_start3A_144 = arith.constant 0 : i32
        %dma_start3A_145 = tpu.memref_slice %arg8[%run_scoped3A_89, %dma_start3A_143, %dma_start3A_144] : memref<2x128x32xbf16, #tpu.memory_space<vmem>> -> memref<1x128x32xbf16, #tpu.memory_space<vmem>>
        %dma_start3A_146 = tpu.memref_squeeze %dma_start3A_145 : memref<1x128x32xbf16, #tpu.memory_space<vmem>> -> memref<128x32xbf16, #tpu.memory_space<vmem>>
        %dma_start3A_147 = arith.constant 0 : i32
        %dma_start3A_148 = tpu.memref_slice %arg5[%mul3A_88, %dma_start3A_147] : memref<40960x32xbf16, #tpu.memory_space<hbm>> -> memref<128x32xbf16, #tpu.memory_space<hbm>>
        %dma_start3A_149 = arith.constant 0 : i32
        %dma_start3A_150 = tpu.memref_slice %arg5[%mul3A_88, %dma_start3A_149] : memref<40960x32xbf16, #tpu.memory_space<hbm>> -> memref<128x32xbf16, #tpu.memory_space<hbm>>
        %dma_start3A_151 = arith.constant 0 : i32
        %dma_start3A_152 = arith.constant 0 : i32
        %dma_start3A_153 = tpu.memref_slice %arg8[%run_scoped3A_89, %dma_start3A_151, %dma_start3A_152] : memref<2x128x32xbf16, #tpu.memory_space<vmem>> -> memref<1x128x32xbf16, #tpu.memory_space<vmem>>
        %dma_start3A_154 = tpu.memref_squeeze %dma_start3A_153 : memref<1x128x32xbf16, #tpu.memory_space<vmem>> -> memref<128x32xbf16, #tpu.memory_space<vmem>>
        tpu.enqueue_dma source(%dma_start3A_154 : memref<128x32xbf16, #tpu.memory_space<vmem>>) target(%dma_start3A_150 : memref<128x32xbf16, #tpu.memory_space<hbm>>) target_semaphore(%run_scoped3A_142 : memref<!tpu.dma_semaphore, #tpu.memory_space<semaphore_mem>>)
        %dma_wait3A_155 = arith.constant 0 : i32
        %dma_wait3A_156 = arith.constant 0 : i32
        %dma_wait3A_157 = tpu.memref_slice %arg8[%run_scoped3A_89, %dma_wait3A_155, %dma_wait3A_156] : memref<2x128x32xbf16, #tpu.memory_space<vmem>> -> memref<1x128x32xbf16, #tpu.memory_space<vmem>>
        %dma_wait3A_158 = tpu.memref_squeeze %dma_wait3A_157 : memref<1x128x32xbf16, #tpu.memory_space<vmem>> -> memref<128x32xbf16, #tpu.memory_space<vmem>>
        %dma_wait3A_159 = arith.constant 0 : i32
        %dma_wait3A_160 = tpu.memref_slice %arg5[%mul3A_88, %dma_wait3A_159] : memref<40960x32xbf16, #tpu.memory_space<hbm>> -> memref<128x32xbf16, #tpu.memory_space<hbm>>
        %dma_wait3A_161 = arith.constant 0 : i32
        %dma_wait3A_162 = tpu.memref_slice %arg5[%mul3A_88, %dma_wait3A_161] : memref<40960x32xbf16, #tpu.memory_space<hbm>> -> memref<128x32xbf16, #tpu.memory_space<hbm>>
        %dma_wait3A_163 = arith.constant 0 : i32
        %dma_wait3A_164 = arith.constant 0 : i32
        %dma_wait3A_165 = tpu.memref_slice %arg8[%run_scoped3A_89, %dma_wait3A_163, %dma_wait3A_164] : memref<2x128x32xbf16, #tpu.memory_space<vmem>> -> memref<1x128x32xbf16, #tpu.memory_space<vmem>>
        %dma_wait3A_166 = tpu.memref_squeeze %dma_wait3A_165 : memref<1x128x32xbf16, #tpu.memory_space<vmem>> -> memref<128x32xbf16, #tpu.memory_space<vmem>>
        tpu.wait_dma2 semaphore(%run_scoped3A_142 : memref<!tpu.dma_semaphore, #tpu.memory_space<semaphore_mem>>) src(%dma_wait3A_166 : memref<128x32xbf16, #tpu.memory_space<vmem>>) dst(%dma_wait3A_162 : memref<128x32xbf16, #tpu.memory_space<hbm>>)
        tpu.yield
      }) : () -> ()
      %dma_wait3A_90 = arith.constant 0 : i32
      %dma_wait3A_91 = arith.constant 0 : i32
      %dma_wait3A_92 = arith.constant 0 : i32
      %dma_wait3A_93 = arith.constant 0 : i32
      %dma_wait3A_94 = tpu.memref_slice %arg9[%dma_wait3A_91, %dma_wait3A_92, %dma_wait3A_93] : memref<2x128x8xi32, #tpu.memory_space<vmem>> -> memref<1x128x8xi32, #tpu.memory_space<vmem>>
      %dma_wait3A_95 = tpu.memref_squeeze %dma_wait3A_94 : memref<1x128x8xi32, #tpu.memory_space<vmem>> -> memref<128x8xi32, #tpu.memory_space<vmem>>
      %dma_wait3A_96 = arith.constant 128 : i32
      %dma_wait3A_97 = tpu.memref_slice %arg7[%dma_wait3A_90, %dma_wait3A_96] : memref<2x256xi32, #tpu.memory_space<vmem>> -> memref<1x128xi32, #tpu.memory_space<vmem>>
      %dma_wait3A_98 = tpu.memref_squeeze %dma_wait3A_97 : memref<1x128xi32, #tpu.memory_space<vmem>> -> memref<128xi32, #tpu.memory_space<vmem>>
      %dma_wait3A_99 = arith.constant 0 : i32
      %dma_wait3A_100 = arith.constant 0 : i32
      %dma_wait3A_101 = tpu.memref_slice %arg3[%dma_wait3A_99, %dma_wait3A_100] : memref<10000x8xi32, #tpu.memory_space<hbm>> -> memref<10000x8xi32, #tpu.memory_space<hbm>>
      tpu.wait_indirect_dma semaphore(%arg11 : memref<!tpu.dma_semaphore, #tpu.memory_space<semaphore_mem>>) src(%dma_wait3A_101 : memref<10000x8xi32, #tpu.memory_space<hbm>>) dst(%dma_wait3A_95 : memref<128x8xi32, #tpu.memory_space<vmem>>)
      %mul3A_102 = arith.constant 128 : i32
      %mul3A_103 = arith.muli %add3A_75, %mul3A_102 : i32
      %run_scoped3A_104 = arith.constant 0 : i32
      "tpu.region"() ({
        %run_scoped3A_142 = tpu.sem_alloc : memref<!tpu.dma_semaphore, #tpu.memory_space<semaphore_mem>>
        %dma_start3A_143 = arith.constant 0 : i32
        %dma_start3A_144 = arith.constant 0 : i32
        %dma_start3A_145 = tpu.memref_slice %arg9[%run_scoped3A_104, %dma_start3A_143, %dma_start3A_144] : memref<2x128x8xi32, #tpu.memory_space<vmem>> -> memref<1x128x8xi32, #tpu.memory_space<vmem>>
        %dma_start3A_146 = tpu.memref_squeeze %dma_start3A_145 : memref<1x128x8xi32, #tpu.memory_space<vmem>> -> memref<128x8xi32, #tpu.memory_space<vmem>>
        %dma_start3A_147 = arith.constant 0 : i32
        %dma_start3A_148 = tpu.memref_slice %arg6[%mul3A_103, %dma_start3A_147] : memref<40960x8xi32, #tpu.memory_space<hbm>> -> memref<128x8xi32, #tpu.memory_space<hbm>>
        %dma_start3A_149 = arith.constant 0 : i32
        %dma_start3A_150 = tpu.memref_slice %arg6[%mul3A_103, %dma_start3A_149] : memref<40960x8xi32, #tpu.memory_space<hbm>> -> memref<128x8xi32, #tpu.memory_space<hbm>>
        %dma_start3A_151 = arith.constant 0 : i32
        %dma_start3A_152 = arith.constant 0 : i32
        %dma_start3A_153 = tpu.memref_slice %arg9[%run_scoped3A_104, %dma_start3A_151, %dma_start3A_152] : memref<2x128x8xi32, #tpu.memory_space<vmem>> -> memref<1x128x8xi32, #tpu.memory_space<vmem>>
        %dma_start3A_154 = tpu.memref_squeeze %dma_start3A_153 : memref<1x128x8xi32, #tpu.memory_space<vmem>> -> memref<128x8xi32, #tpu.memory_space<vmem>>
        tpu.enqueue_dma source(%dma_start3A_154 : memref<128x8xi32, #tpu.memory_space<vmem>>) target(%dma_start3A_150 : memref<128x8xi32, #tpu.memory_space<hbm>>) target_semaphore(%run_scoped3A_142 : memref<!tpu.dma_semaphore, #tpu.memory_space<semaphore_mem>>)
        %dma_wait3A_155 = arith.constant 0 : i32
        %dma_wait3A_156 = arith.constant 0 : i32
        %dma_wait3A_157 = tpu.memref_slice %arg9[%run_scoped3A_104, %dma_wait3A_155, %dma_wait3A_156] : memref<2x128x8xi32, #tpu.memory_space<vmem>> -> memref<1x128x8xi32, #tpu.memory_space<vmem>>
        %dma_wait3A_158 = tpu.memref_squeeze %dma_wait3A_157 : memref<1x128x8xi32, #tpu.memory_space<vmem>> -> memref<128x8xi32, #tpu.memory_space<vmem>>
        %dma_wait3A_159 = arith.constant 0 : i32
        %dma_wait3A_160 = tpu.memref_slice %arg6[%mul3A_103, %dma_wait3A_159] : memref<40960x8xi32, #tpu.memory_space<hbm>> -> memref<128x8xi32, #tpu.memory_space<hbm>>
        %dma_wait3A_161 = arith.constant 0 : i32
        %dma_wait3A_162 = tpu.memref_slice %arg6[%mul3A_103, %dma_wait3A_161] : memref<40960x8xi32, #tpu.memory_space<hbm>> -> memref<128x8xi32, #tpu.memory_space<hbm>>
        %dma_wait3A_163 = arith.constant 0 : i32
        %dma_wait3A_164 = arith.constant 0 : i32
        %dma_wait3A_165 = tpu.memref_slice %arg9[%run_scoped3A_104, %dma_wait3A_163, %dma_wait3A_164] : memref<2x128x8xi32, #tpu.memory_space<vmem>> -> memref<1x128x8xi32, #tpu.memory_space<vmem>>
        %dma_wait3A_166 = tpu.memref_squeeze %dma_wait3A_165 : memref<1x128x8xi32, #tpu.memory_space<vmem>> -> memref<128x8xi32, #tpu.memory_space<vmem>>
        tpu.wait_dma2 semaphore(%run_scoped3A_142 : memref<!tpu.dma_semaphore, #tpu.memory_space<semaphore_mem>>) src(%dma_wait3A_166 : memref<128x8xi32, #tpu.memory_space<vmem>>) dst(%dma_wait3A_162 : memref<128x8xi32, #tpu.memory_space<hbm>>)
        tpu.yield
      }) : () -> ()
      %mul3A_105 = arith.constant 10 : i32
      %mul3A_106 = arith.muli %add3A, %mul3A_105 : i32
      %mul3A_107 = arith.constant 2 : i32
      %mul3A_108 = arith.muli %mul3A_107, %scan3A_6 : i32
      %add3A_109 = arith.addi %mul3A_106, %mul3A_108 : i32
      %add3A_110 = arith.constant 1 : i32
      %add3A_111 = arith.addi %add3A_109, %add3A_110 : i32
      %dma_wait3A_112 = arith.constant 1 : i32
      %dma_wait3A_113 = arith.constant 1 : i32
      %dma_wait3A_114 = arith.constant 0 : i32
      %dma_wait3A_115 = arith.constant 0 : i32
      %dma_wait3A_116 = tpu.memref_slice %arg8[%dma_wait3A_113, %dma_wait3A_114, %dma_wait3A_115] : memref<2x128x32xbf16, #tpu.memory_space<vmem>> -> memref<1x128x32xbf16, #tpu.memory_space<vmem>>
      %dma_wait3A_117 = tpu.memref_squeeze %dma_wait3A_116 : memref<1x128x32xbf16, #tpu.memory_space<vmem>> -> memref<128x32xbf16, #tpu.memory_space<vmem>>
      %dma_wait3A_118 = arith.constant 0 : i32
      %dma_wait3A_119 = tpu.memref_slice %arg7[%dma_wait3A_112, %dma_wait3A_118] : memref<2x256xi32, #tpu.memory_space<vmem>> -> memref<1x128xi32, #tpu.memory_space<vmem>>
      %dma_wait3A_120 = tpu.memref_squeeze %dma_wait3A_119 : memref<1x128xi32, #tpu.memory_space<vmem>> -> memref<128xi32, #tpu.memory_space<vmem>>
      %dma_wait3A_121 = arith.constant 0 : i32
      %dma_wait3A_122 = arith.constant 0 : i32
      %dma_wait3A_123 = tpu.memref_slice %arg2[%dma_wait3A_121, %dma_wait3A_122] : memref<10000x32xbf16, #tpu.memory_space<hbm>> -> memref<10000x32xbf16, #tpu.memory_space<hbm>>
      tpu.wait_indirect_dma semaphore(%arg10 : memref<!tpu.dma_semaphore, #tpu.memory_space<semaphore_mem>>) src(%dma_wait3A_123 : memref<10000x32xbf16, #tpu.memory_space<hbm>>) dst(%dma_wait3A_117 : memref<128x32xbf16, #tpu.memory_space<vmem>>)
      %mul3A_124 = arith.constant 128 : i32
      %mul3A_125 = arith.muli %add3A_111, %mul3A_124 : i32
      %run_scoped3A_126 = arith.constant 1 : i32
      "tpu.region"() ({
        %run_scoped3A_142 = tpu.sem_alloc : memref<!tpu.dma_semaphore, #tpu.memory_space<semaphore_mem>>
        %dma_start3A_143 = arith.constant 0 : i32
        %dma_start3A_144 = arith.constant 0 : i32
        %dma_start3A_145 = tpu.memref_slice %arg8[%run_scoped3A_126, %dma_start3A_143, %dma_start3A_144] : memref<2x128x32xbf16, #tpu.memory_space<vmem>> -> memref<1x128x32xbf16, #tpu.memory_space<vmem>>
        %dma_start3A_146 = tpu.memref_squeeze %dma_start3A_145 : memref<1x128x32xbf16, #tpu.memory_space<vmem>> -> memref<128x32xbf16, #tpu.memory_space<vmem>>
        %dma_start3A_147 = arith.constant 0 : i32
        %dma_start3A_148 = tpu.memref_slice %arg5[%mul3A_125, %dma_start3A_147] : memref<40960x32xbf16, #tpu.memory_space<hbm>> -> memref<128x32xbf16, #tpu.memory_space<hbm>>
        %dma_start3A_149 = arith.constant 0 : i32
        %dma_start3A_150 = tpu.memref_slice %arg5[%mul3A_125, %dma_start3A_149] : memref<40960x32xbf16, #tpu.memory_space<hbm>> -> memref<128x32xbf16, #tpu.memory_space<hbm>>
        %dma_start3A_151 = arith.constant 0 : i32
        %dma_start3A_152 = arith.constant 0 : i32
        %dma_start3A_153 = tpu.memref_slice %arg8[%run_scoped3A_126, %dma_start3A_151, %dma_start3A_152] : memref<2x128x32xbf16, #tpu.memory_space<vmem>> -> memref<1x128x32xbf16, #tpu.memory_space<vmem>>
        %dma_start3A_154 = tpu.memref_squeeze %dma_start3A_153 : memref<1x128x32xbf16, #tpu.memory_space<vmem>> -> memref<128x32xbf16, #tpu.memory_space<vmem>>
        tpu.enqueue_dma source(%dma_start3A_154 : memref<128x32xbf16, #tpu.memory_space<vmem>>) target(%dma_start3A_150 : memref<128x32xbf16, #tpu.memory_space<hbm>>) target_semaphore(%run_scoped3A_142 : memref<!tpu.dma_semaphore, #tpu.memory_space<semaphore_mem>>)
        %dma_wait3A_155 = arith.constant 0 : i32
        %dma_wait3A_156 = arith.constant 0 : i32
        %dma_wait3A_157 = tpu.memref_slice %arg8[%run_scoped3A_126, %dma_wait3A_155, %dma_wait3A_156] : memref<2x128x32xbf16, #tpu.memory_space<vmem>> -> memref<1x128x32xbf16, #tpu.memory_space<vmem>>
        %dma_wait3A_158 = tpu.memref_squeeze %dma_wait3A_157 : memref<1x128x32xbf16, #tpu.memory_space<vmem>> -> memref<128x32xbf16, #tpu.memory_space<vmem>>
        %dma_wait3A_159 = arith.constant 0 : i32
        %dma_wait3A_160 = tpu.memref_slice %arg5[%mul3A_125, %dma_wait3A_159] : memref<40960x32xbf16, #tpu.memory_space<hbm>> -> memref<128x32xbf16, #tpu.memory_space<hbm>>
        %dma_wait3A_161 = arith.constant 0 : i32
        %dma_wait3A_162 = tpu.memref_slice %arg5[%mul3A_125, %dma_wait3A_161] : memref<40960x32xbf16, #tpu.memory_space<hbm>> -> memref<128x32xbf16, #tpu.memory_space<hbm>>
        %dma_wait3A_163 = arith.constant 0 : i32
        %dma_wait3A_164 = arith.constant 0 : i32
        %dma_wait3A_165 = tpu.memref_slice %arg8[%run_scoped3A_126, %dma_wait3A_163, %dma_wait3A_164] : memref<2x128x32xbf16, #tpu.memory_space<vmem>> -> memref<1x128x32xbf16, #tpu.memory_space<vmem>>
        %dma_wait3A_166 = tpu.memref_squeeze %dma_wait3A_165 : memref<1x128x32xbf16, #tpu.memory_space<vmem>> -> memref<128x32xbf16, #tpu.memory_space<vmem>>
        tpu.wait_dma2 semaphore(%run_scoped3A_142 : memref<!tpu.dma_semaphore, #tpu.memory_space<semaphore_mem>>) src(%dma_wait3A_166 : memref<128x32xbf16, #tpu.memory_space<vmem>>) dst(%dma_wait3A_162 : memref<128x32xbf16, #tpu.memory_space<hbm>>)
        tpu.yield
      }) : () -> ()
      %dma_wait3A_127 = arith.constant 1 : i32
      %dma_wait3A_128 = arith.constant 1 : i32
      %dma_wait3A_129 = arith.constant 0 : i32
      %dma_wait3A_130 = arith.constant 0 : i32
      %dma_wait3A_131 = tpu.memref_slice %arg9[%dma_wait3A_128, %dma_wait3A_129, %dma_wait3A_130] : memref<2x128x8xi32, #tpu.memory_space<vmem>> -> memref<1x128x8xi32, #tpu.memory_space<vmem>>
      %dma_wait3A_132 = tpu.memref_squeeze %dma_wait3A_131 : memref<1x128x8xi32, #tpu.memory_space<vmem>> -> memref<128x8xi32, #tpu.memory_space<vmem>>
      %dma_wait3A_133 = arith.constant 128 : i32
      %dma_wait3A_134 = tpu.memref_slice %arg7[%dma_wait3A_127, %dma_wait3A_133] : memref<2x256xi32, #tpu.memory_space<vmem>> -> memref<1x128xi32, #tpu.memory_space<vmem>>
      %dma_wait3A_135 = tpu.memref_squeeze %dma_wait3A_134 : memref<1x128xi32, #tpu.memory_space<vmem>> -> memref<128xi32, #tpu.memory_space<vmem>>
      %dma_wait3A_136 = arith.constant 0 : i32
      %dma_wait3A_137 = arith.constant 0 : i32
      %dma_wait3A_138 = tpu.memref_slice %arg3[%dma_wait3A_136, %dma_wait3A_137] : memref<10000x8xi32, #tpu.memory_space<hbm>> -> memref<10000x8xi32, #tpu.memory_space<hbm>>
      tpu.wait_indirect_dma semaphore(%arg11 : memref<!tpu.dma_semaphore, #tpu.memory_space<semaphore_mem>>) src(%dma_wait3A_138 : memref<10000x8xi32, #tpu.memory_space<hbm>>) dst(%dma_wait3A_132 : memref<128x8xi32, #tpu.memory_space<vmem>>)
      %mul3A_139 = arith.constant 128 : i32
      %mul3A_140 = arith.muli %add3A_111, %mul3A_139 : i32
      %run_scoped3A_141 = arith.constant 1 : i32
      "tpu.region"() ({
        %run_scoped3A_142 = tpu.sem_alloc : memref<!tpu.dma_semaphore, #tpu.memory_space<semaphore_mem>>
        %dma_start3A_143 = arith.constant 0 : i32
        %dma_start3A_144 = arith.constant 0 : i32
        %dma_start3A_145 = tpu.memref_slice %arg9[%run_scoped3A_141, %dma_start3A_143, %dma_start3A_144] : memref<2x128x8xi32, #tpu.memory_space<vmem>> -> memref<1x128x8xi32, #tpu.memory_space<vmem>>
        %dma_start3A_146 = tpu.memref_squeeze %dma_start3A_145 : memref<1x128x8xi32, #tpu.memory_space<vmem>> -> memref<128x8xi32, #tpu.memory_space<vmem>>
        %dma_start3A_147 = arith.constant 0 : i32
        %dma_start3A_148 = tpu.memref_slice %arg6[%mul3A_140, %dma_start3A_147] : memref<40960x8xi32, #tpu.memory_space<hbm>> -> memref<128x8xi32, #tpu.memory_space<hbm>>
        %dma_start3A_149 = arith.constant 0 : i32
        %dma_start3A_150 = tpu.memref_slice %arg6[%mul3A_140, %dma_start3A_149] : memref<40960x8xi32, #tpu.memory_space<hbm>> -> memref<128x8xi32, #tpu.memory_space<hbm>>
        %dma_start3A_151 = arith.constant 0 : i32
        %dma_start3A_152 = arith.constant 0 : i32
        %dma_start3A_153 = tpu.memref_slice %arg9[%run_scoped3A_141, %dma_start3A_151, %dma_start3A_152] : memref<2x128x8xi32, #tpu.memory_space<vmem>> -> memref<1x128x8xi32, #tpu.memory_space<vmem>>
        %dma_start3A_154 = tpu.memref_squeeze %dma_start3A_153 : memref<1x128x8xi32, #tpu.memory_space<vmem>> -> memref<128x8xi32, #tpu.memory_space<vmem>>
        tpu.enqueue_dma source(%dma_start3A_154 : memref<128x8xi32, #tpu.memory_space<vmem>>) target(%dma_start3A_150 : memref<128x8xi32, #tpu.memory_space<hbm>>) target_semaphore(%run_scoped3A_142 : memref<!tpu.dma_semaphore, #tpu.memory_space<semaphore_mem>>)
        %dma_wait3A_155 = arith.constant 0 : i32
        %dma_wait3A_156 = arith.constant 0 : i32
        %dma_wait3A_157 = tpu.memref_slice %arg9[%run_scoped3A_141, %dma_wait3A_155, %dma_wait3A_156] : memref<2x128x8xi32, #tpu.memory_space<vmem>> -> memref<1x128x8xi32, #tpu.memory_space<vmem>>
        %dma_wait3A_158 = tpu.memref_squeeze %dma_wait3A_157 : memref<1x128x8xi32, #tpu.memory_space<vmem>> -> memref<128x8xi32, #tpu.memory_space<vmem>>
        %dma_wait3A_159 = arith.constant 0 : i32
        %dma_wait3A_160 = tpu.memref_slice %arg6[%mul3A_140, %dma_wait3A_159] : memref<40960x8xi32, #tpu.memory_space<hbm>> -> memref<128x8xi32, #tpu.memory_space<hbm>>
        %dma_wait3A_161 = arith.constant 0 : i32
        %dma_wait3A_162 = tpu.memref_slice %arg6[%mul3A_140, %dma_wait3A_161] : memref<40960x8xi32, #tpu.memory_space<hbm>> -> memref<128x8xi32, #tpu.memory_space<hbm>>
        %dma_wait3A_163 = arith.constant 0 : i32
        %dma_wait3A_164 = arith.constant 0 : i32
        %dma_wait3A_165 = tpu.memref_slice %arg9[%run_scoped3A_141, %dma_wait3A_163, %dma_wait3A_164] : memref<2x128x8xi32, #tpu.memory_space<vmem>> -> memref<1x128x8xi32, #tpu.memory_space<vmem>>
        %dma_wait3A_166 = tpu.memref_squeeze %dma_wait3A_165 : memref<1x128x8xi32, #tpu.memory_space<vmem>> -> memref<128x8xi32, #tpu.memory_space<vmem>>
        tpu.wait_dma2 semaphore(%run_scoped3A_142 : memref<!tpu.dma_semaphore, #tpu.memory_space<semaphore_mem>>) src(%dma_wait3A_166 : memref<128x8xi32, #tpu.memory_space<vmem>>) dst(%dma_wait3A_162 : memref<128x8xi32, #tpu.memory_space<hbm>>)
        tpu.yield
      }) : () -> ()
    }
    %scan3A_5 = arith.constant 5 : i32
    return
  }
}

#map = affine_map<(d0, d1) -> (0, 0)>
module attributes {stable_mosaic.version = 14 : i64} {
  func.func @k(%arg0: i32, %arg1: i32, %arg2: memref<10000x32xbf16, #tpu.memory_space<hbm>>, %arg3: memref<10000x8xi32, #tpu.memory_space<hbm>>, %arg4: memref<320x256xi32, #tpu.memory_space<hbm>>, %arg5: memref<40960x32xbf16, #tpu.memory_space<hbm>>, %arg6: memref<40960x8xi32, #tpu.memory_space<hbm>>, %arg7: memref<2x256xi32, #tpu.memory_space<vmem>>, %arg8: memref<2x128x32xbf16, #tpu.memory_space<vmem>>, %arg9: memref<2x128x8xi32, #tpu.memory_space<vmem>>, %arg10: memref<!tpu.dma_semaphore, #tpu.memory_space<semaphore_mem>>, %arg11: memref<!tpu.dma_semaphore, #tpu.memory_space<semaphore_mem>>) attributes {dimension_semantics = [#tpu.dimension_semantics<core_parallel>, #tpu.dimension_semantics<subcore_parallel>], iteration_bounds = array<i64: 2, 16>, scalar_prefetch = 0 : i64, scratch_operands = 5 : i64, tpu.core_type = #tpu.core_type<sc_vector_subcore>, window_params = [{transform_indices = #map}, {transform_indices = #map}, {transform_indices = #map}, {transform_indices = #map}, {transform_indices = #map}]} {
    %mul3A = arith.constant 2 : i32
    %mul3A_0 = arith.muli %arg1, %mul3A : i32
    %add3A = arith.addi %mul3A_0, %arg0 : i32
    %scan3A = arith.constant 0 : i32
    %scan3A_1 = arith.constant 0 : i32
    %scan3A_2 = arith.constant 5 : i32
    %scan3A_3 = arith.addi %scan3A_1, %scan3A_2 : i32
    %scan3A_4 = arith.constant 1 : i32
    scf.for %scan3A_6 = %scan3A_1 to %scan3A_3 step %scan3A_4  : i32 {
      %mul3A_7 = arith.constant 10 : i32
      %mul3A_8 = arith.muli %add3A, %mul3A_7 : i32
      %mul3A_9 = arith.constant 2 : i32
      %mul3A_10 = arith.muli %mul3A_9, %scan3A_6 : i32
      %add3A_11 = arith.addi %mul3A_8, %mul3A_10 : i32
      %add3A_12 = arith.constant 0 : i32
      %add3A_13 = arith.addi %add3A_11, %add3A_12 : i32
      %run_scoped3A = arith.constant 0 : i32
      "tpu.region"() ({
        %run_scoped3A_142 = tpu.sem_alloc : memref<!tpu.dma_semaphore, #tpu.memory_space<semaphore_mem>>
        %dma_start3A_143 = arith.constant 0 : i32
        %dma_start3A_144 = tpu.memref_slice %arg7[%run_scoped3A, %dma_start3A_143] : memref<2x256xi32, #tpu.memory_space<vmem>> -> memref<1x256xi32, #tpu.memory_space<vmem>>
        %dma_start3A_145 = tpu.memref_squeeze %dma_start3A_144 : memref<1x256xi32, #tpu.memory_space<vmem>> -> memref<256xi32, #tpu.memory_space<vmem>>
        %dma_start3A_146 = arith.constant 0 : i32
        %dma_start3A_147 = tpu.memref_slice %arg4[%add3A_13, %dma_start3A_146] : memref<320x256xi32, #tpu.memory_space<hbm>> -> memref<1x256xi32, #tpu.memory_space<hbm>>
        %dma_start3A_148 = tpu.memref_squeeze %dma_start3A_147 : memref<1x256xi32, #tpu.memory_space<hbm>> -> memref<256xi32, #tpu.memory_space<hbm>>
        %dma_start3A_149 = arith.constant 0 : i32
        %dma_start3A_150 = tpu.memref_slice %arg7[%run_scoped3A, %dma_start3A_149] : memref<2x256xi32, #tpu.memory_space<vmem>> -> memref<1x256xi32, #tpu.memory_space<vmem>>
        %dma_start3A_151 = tpu.memref_squeeze %dma_start3A_150 : memref<1x256xi32, #tpu.memory_space<vmem>> -> memref<256xi32, #tpu.memory_space<vmem>>
        %dma_start3A_152 = arith.constant 0 : i32
        %dma_start3A_153 = tpu.memref_slice %arg4[%add3A_13, %dma_start3A_152] : memref<320x256xi32, #tpu.memory_space<hbm>> -> memref<1x256xi32, #tpu.memory_space<hbm>>
        %dma_start3A_154 = tpu.memref_squeeze %dma_start3A_153 : memref<1x256xi32, #tpu.memory_space<hbm>> -> memref<256xi32, #tpu.memory_space<hbm>>
        tpu.enqueue_dma source(%dma_start3A_154 : memref<256xi32, #tpu.memory_space<hbm>>) target(%dma_start3A_151 : memref<256xi32, #tpu.memory_space<vmem>>) target_semaphore(%run_scoped3A_142 : memref<!tpu.dma_semaphore, #tpu.memory_space<semaphore_mem>>)
        %dma_wait3A_155 = arith.constant 0 : i32
        %dma_wait3A_156 = tpu.memref_slice %arg7[%run_scoped3A, %dma_wait3A_155] : memref<2x256xi32, #tpu.memory_space<vmem>> -> memref<1x256xi32, #tpu.memory_space<vmem>>
        %dma_wait3A_157 = tpu.memref_squeeze %dma_wait3A_156 : memref<1x256xi32, #tpu.memory_space<vmem>> -> memref<256xi32, #tpu.memory_space<vmem>>
        %dma_wait3A_158 = arith.constant 0 : i32
        %dma_wait3A_159 = tpu.memref_slice %arg4[%add3A_13, %dma_wait3A_158] : memref<320x256xi32, #tpu.memory_space<hbm>> -> memref<1x256xi32, #tpu.memory_space<hbm>>
        %dma_wait3A_160 = tpu.memref_squeeze %dma_wait3A_159 : memref<1x256xi32, #tpu.memory_space<hbm>> -> memref<256xi32, #tpu.memory_space<hbm>>
        %dma_wait3A_161 = arith.constant 0 : i32
        %dma_wait3A_162 = tpu.memref_slice %arg7[%run_scoped3A, %dma_wait3A_161] : memref<2x256xi32, #tpu.memory_space<vmem>> -> memref<1x256xi32, #tpu.memory_space<vmem>>
        %dma_wait3A_163 = tpu.memref_squeeze %dma_wait3A_162 : memref<1x256xi32, #tpu.memory_space<vmem>> -> memref<256xi32, #tpu.memory_space<vmem>>
        %dma_wait3A_164 = arith.constant 0 : i32
        %dma_wait3A_165 = tpu.memref_slice %arg4[%add3A_13, %dma_wait3A_164] : memref<320x256xi32, #tpu.memory_space<hbm>> -> memref<1x256xi32, #tpu.memory_space<hbm>>
        %dma_wait3A_166 = tpu.memref_squeeze %dma_wait3A_165 : memref<1x256xi32, #tpu.memory_space<hbm>> -> memref<256xi32, #tpu.memory_space<hbm>>
        tpu.wait_dma2 semaphore(%run_scoped3A_142 : memref<!tpu.dma_semaphore, #tpu.memory_space<semaphore_mem>>) src(%dma_wait3A_166 : memref<256xi32, #tpu.memory_space<hbm>>) dst(%dma_wait3A_163 : memref<256xi32, #tpu.memory_space<vmem>>)
        tpu.yield
      }) : () -> ()
      %dma_start3A = arith.constant 0 : i32
      %dma_start3A_14 = arith.constant 0 : i32
      %dma_start3A_15 = arith.constant 0 : i32
      %dma_start3A_16 = arith.constant 0 : i32
      %dma_start3A_17 = tpu.memref_slice %arg8[%dma_start3A_14, %dma_start3A_15, %dma_start3A_16] : memref<2x128x32xbf16, #tpu.memory_space<vmem>> -> memref<1x128x32xbf16, #tpu.memory_space<vmem>>
      %dma_start3A_18 = tpu.memref_squeeze %dma_start3A_17 : memref<1x128x32xbf16, #tpu.memory_space<vmem>> -> memref<128x32xbf16, #tpu.memory_space<vmem>>
      %dma_start3A_19 = arith.constant 0 : i32
      %dma_start3A_20 = tpu.memref_slice %arg7[%dma_start3A, %dma_start3A_19] : memref<2x256xi32, #tpu.memory_space<vmem>> -> memref<1x128xi32, #tpu.memory_space<vmem>>
      %dma_start3A_21 = tpu.memref_squeeze %dma_start3A_20 : memref<1x128xi32, #tpu.memory_space<vmem>> -> memref<128xi32, #tpu.memory_space<vmem>>
      %dma_start3A_22 = arith.constant 0 : i32
      %dma_start3A_23 = arith.constant 0 : i32
      %dma_start3A_24 = tpu.memref_slice %arg2[%dma_start3A_22, %dma_start3A_23] : memref<10000x32xbf16, #tpu.memory_space<hbm>> -> memref<10000x32xbf16, #tpu.memory_space<hbm>>
      tpu.enqueue_indirect_dma source(%dma_start3A_24 : memref<10000x32xbf16, #tpu.memory_space<hbm>>) target(%dma_start3A_18 : memref<128x32xbf16, #tpu.memory_space<vmem>>) offsets(%dma_start3A_21 : memref<128xi32, #tpu.memory_space<vmem>>) semaphore(%arg10 : memref<!tpu.dma_semaphore, #tpu.memory_space<semaphore_mem>>)
      %dma_start3A_25 = arith.constant 0 : i32
      %dma_start3A_26 = arith.constant 0 : i32
      %dma_start3A_27 = arith.constant 0 : i32
      %dma_start3A_28 = arith.constant 0 : i32
      %dma_start3A_29 = tpu.memref_slice %arg9[%dma_start3A_26, %dma_start3A_27, %dma_start3A_28] : memref<2x128x8xi32, #tpu.memory_space<vmem>> -> memref<1x128x8xi32, #tpu.memory_space<vmem>>
      %dma_start3A_30 = tpu.memref_squeeze %dma_start3A_29 : memref<1x128x8xi32, #tpu.memory_space<vmem>> -> memref<128x8xi32, #tpu.memory_space<vmem>>
      %dma_start3A_31 = arith.constant 128 : i32
      %dma_start3A_32 = tpu.memref_slice %arg7[%dma_start3A_25, %dma_start3A_31] : memref<2x256xi32, #tpu.memory_space<vmem>> -> memref<1x128xi32, #tpu.memory_space<vmem>>
      %dma_start3A_33 = tpu.memref_squeeze %dma_start3A_32 : memref<1x128xi32, #tpu.memory_space<vmem>> -> memref<128xi32, #tpu.memory_space<vmem>>
      %dma_start3A_34 = arith.constant 0 : i32
      %dma_start3A_35 = arith.constant 0 : i32
      %dma_start3A_36 = tpu.memref_slice %arg3[%dma_start3A_34, %dma_start3A_35] : memref<10000x8xi32, #tpu.memory_space<hbm>> -> memref<10000x8xi32, #tpu.memory_space<hbm>>
      tpu.enqueue_indirect_dma source(%dma_start3A_36 : memref<10000x8xi32, #tpu.memory_space<hbm>>) target(%dma_start3A_30 : memref<128x8xi32, #tpu.memory_space<vmem>>) offsets(%dma_start3A_33 : memref<128xi32, #tpu.memory_space<vmem>>) semaphore(%arg11 : memref<!tpu.dma_semaphore, #tpu.memory_space<semaphore_mem>>)
      %mul3A_37 = arith.constant 10 : i32
      %mul3A_38 = arith.muli %add3A, %mul3A_37 : i32
      %mul3A_39 = arith.constant 2 : i32
      %mul3A_40 = arith.muli %mul3A_39, %scan3A_6 : i32
      %add3A_41 = arith.addi %mul3A_38, %mul3A_40 : i32
      %add3A_42 = arith.constant 1 : i32
      %add3A_43 = arith.addi %add3A_41, %add3A_42 : i32
      %run_scoped3A_44 = arith.constant 1 : i32
      "tpu.region"() ({
        %run_scoped3A_142 = tpu.sem_alloc : memref<!tpu.dma_semaphore, #tpu.memory_space<semaphore_mem>>
        %dma_start3A_143 = arith.constant 0 : i32
        %dma_start3A_144 = tpu.memref_slice %arg7[%run_scoped3A_44, %dma_start3A_143] : memref<2x256xi32, #tpu.memory_space<vmem>> -> memref<1x256xi32, #tpu.memory_space<vmem>>
        %dma_start3A_145 = tpu.memref_squeeze %dma_start3A_144 : memref<1x256xi32, #tpu.memory_space<vmem>> -> memref<256xi32, #tpu.memory_space<vmem>>
        %dma_start3A_146 = arith.constant 0 : i32
        %dma_start3A_147 = tpu.memref_slice %arg4[%add3A_43, %dma_start3A_146] : memref<320x256xi32, #tpu.memory_space<hbm>> -> memref<1x256xi32, #tpu.memory_space<hbm>>
        %dma_start3A_148 = tpu.memref_squeeze %dma_start3A_147 : memref<1x256xi32, #tpu.memory_space<hbm>> -> memref<256xi32, #tpu.memory_space<hbm>>
        %dma_start3A_149 = arith.constant 0 : i32
        %dma_start3A_150 = tpu.memref_slice %arg7[%run_scoped3A_44, %dma_start3A_149] : memref<2x256xi32, #tpu.memory_space<vmem>> -> memref<1x256xi32, #tpu.memory_space<vmem>>
        %dma_start3A_151 = tpu.memref_squeeze %dma_start3A_150 : memref<1x256xi32, #tpu.memory_space<vmem>> -> memref<256xi32, #tpu.memory_space<vmem>>
        %dma_start3A_152 = arith.constant 0 : i32
        %dma_start3A_153 = tpu.memref_slice %arg4[%add3A_43, %dma_start3A_152] : memref<320x256xi32, #tpu.memory_space<hbm>> -> memref<1x256xi32, #tpu.memory_space<hbm>>
        %dma_start3A_154 = tpu.memref_squeeze %dma_start3A_153 : memref<1x256xi32, #tpu.memory_space<hbm>> -> memref<256xi32, #tpu.memory_space<hbm>>
        tpu.enqueue_dma source(%dma_start3A_154 : memref<256xi32, #tpu.memory_space<hbm>>) target(%dma_start3A_151 : memref<256xi32, #tpu.memory_space<vmem>>) target_semaphore(%run_scoped3A_142 : memref<!tpu.dma_semaphore, #tpu.memory_space<semaphore_mem>>)
        %dma_wait3A_155 = arith.constant 0 : i32
        %dma_wait3A_156 = tpu.memref_slice %arg7[%run_scoped3A_44, %dma_wait3A_155] : memref<2x256xi32, #tpu.memory_space<vmem>> -> memref<1x256xi32, #tpu.memory_space<vmem>>
        %dma_wait3A_157 = tpu.memref_squeeze %dma_wait3A_156 : memref<1x256xi32, #tpu.memory_space<vmem>> -> memref<256xi32, #tpu.memory_space<vmem>>
        %dma_wait3A_158 = arith.constant 0 : i32
        %dma_wait3A_159 = tpu.memref_slice %arg4[%add3A_43, %dma_wait3A_158] : memref<320x256xi32, #tpu.memory_space<hbm>> -> memref<1x256xi32, #tpu.memory_space<hbm>>
        %dma_wait3A_160 = tpu.memref_squeeze %dma_wait3A_159 : memref<1x256xi32, #tpu.memory_space<hbm>> -> memref<256xi32, #tpu.memory_space<hbm>>
        %dma_wait3A_161 = arith.constant 0 : i32
        %dma_wait3A_162 = tpu.memref_slice %arg7[%run_scoped3A_44, %dma_wait3A_161] : memref<2x256xi32, #tpu.memory_space<vmem>> -> memref<1x256xi32, #tpu.memory_space<vmem>>
        %dma_wait3A_163 = tpu.memref_squeeze %dma_wait3A_162 : memref<1x256xi32, #tpu.memory_space<vmem>> -> memref<256xi32, #tpu.memory_space<vmem>>
        %dma_wait3A_164 = arith.constant 0 : i32
        %dma_wait3A_165 = tpu.memref_slice %arg4[%add3A_43, %dma_wait3A_164] : memref<320x256xi32, #tpu.memory_space<hbm>> -> memref<1x256xi32, #tpu.memory_space<hbm>>
        %dma_wait3A_166 = tpu.memref_squeeze %dma_wait3A_165 : memref<1x256xi32, #tpu.memory_space<hbm>> -> memref<256xi32, #tpu.memory_space<hbm>>
        tpu.wait_dma2 semaphore(%run_scoped3A_142 : memref<!tpu.dma_semaphore, #tpu.memory_space<semaphore_mem>>) src(%dma_wait3A_166 : memref<256xi32, #tpu.memory_space<hbm>>) dst(%dma_wait3A_163 : memref<256xi32, #tpu.memory_space<vmem>>)
        tpu.yield
      }) : () -> ()
      %dma_start3A_45 = arith.constant 1 : i32
      %dma_start3A_46 = arith.constant 1 : i32
      %dma_start3A_47 = arith.constant 0 : i32
      %dma_start3A_48 = arith.constant 0 : i32
      %dma_start3A_49 = tpu.memref_slice %arg8[%dma_start3A_46, %dma_start3A_47, %dma_start3A_48] : memref<2x128x32xbf16, #tpu.memory_space<vmem>> -> memref<1x128x32xbf16, #tpu.memory_space<vmem>>
      %dma_start3A_50 = tpu.memref_squeeze %dma_start3A_49 : memref<1x128x32xbf16, #tpu.memory_space<vmem>> -> memref<128x32xbf16, #tpu.memory_space<vmem>>
      %dma_start3A_51 = arith.constant 0 : i32
      %dma_start3A_52 = tpu.memref_slice %arg7[%dma_start3A_45, %dma_start3A_51] : memref<2x256xi32, #tpu.memory_space<vmem>> -> memref<1x128xi32, #tpu.memory_space<vmem>>
      %dma_start3A_53 = tpu.memref_squeeze %dma_start3A_52 : memref<1x128xi32, #tpu.memory_space<vmem>> -> memref<128xi32, #tpu.memory_space<vmem>>
      %dma_start3A_54 = arith.constant 0 : i32
      %dma_start3A_55 = arith.constant 0 : i32
      %dma_start3A_56 = tpu.memref_slice %arg2[%dma_start3A_54, %dma_start3A_55] : memref<10000x32xbf16, #tpu.memory_space<hbm>> -> memref<10000x32xbf16, #tpu.memory_space<hbm>>
      tpu.enqueue_indirect_dma source(%dma_start3A_56 : memref<10000x32xbf16, #tpu.memory_space<hbm>>) target(%dma_start3A_50 : memref<128x32xbf16, #tpu.memory_space<vmem>>) offsets(%dma_start3A_53 : memref<128xi32, #tpu.memory_space<vmem>>) semaphore(%arg10 : memref<!tpu.dma_semaphore, #tpu.memory_space<semaphore_mem>>)
      %dma_start3A_57 = arith.constant 1 : i32
      %dma_start3A_58 = arith.constant 1 : i32
      %dma_start3A_59 = arith.constant 0 : i32
      %dma_start3A_60 = arith.constant 0 : i32
      %dma_start3A_61 = tpu.memref_slice %arg9[%dma_start3A_58, %dma_start3A_59, %dma_start3A_60] : memref<2x128x8xi32, #tpu.memory_space<vmem>> -> memref<1x128x8xi32, #tpu.memory_space<vmem>>
      %dma_start3A_62 = tpu.memref_squeeze %dma_start3A_61 : memref<1x128x8xi32, #tpu.memory_space<vmem>> -> memref<128x8xi32, #tpu.memory_space<vmem>>
      %dma_start3A_63 = arith.constant 128 : i32
      %dma_start3A_64 = tpu.memref_slice %arg7[%dma_start3A_57, %dma_start3A_63] : memref<2x256xi32, #tpu.memory_space<vmem>> -> memref<1x128xi32, #tpu.memory_space<vmem>>
      %dma_start3A_65 = tpu.memref_squeeze %dma_start3A_64 : memref<1x128xi32, #tpu.memory_space<vmem>> -> memref<128xi32, #tpu.memory_space<vmem>>
      %dma_start3A_66 = arith.constant 0 : i32
      %dma_start3A_67 = arith.constant 0 : i32
      %dma_start3A_68 = tpu.memref_slice %arg3[%dma_start3A_66, %dma_start3A_67] : memref<10000x8xi32, #tpu.memory_space<hbm>> -> memref<10000x8xi32, #tpu.memory_space<hbm>>
      tpu.enqueue_indirect_dma source(%dma_start3A_68 : memref<10000x8xi32, #tpu.memory_space<hbm>>) target(%dma_start3A_62 : memref<128x8xi32, #tpu.memory_space<vmem>>) offsets(%dma_start3A_65 : memref<128xi32, #tpu.memory_space<vmem>>) semaphore(%arg11 : memref<!tpu.dma_semaphore, #tpu.memory_space<semaphore_mem>>)
      %mul3A_69 = arith.constant 10 : i32
      %mul3A_70 = arith.muli %add3A, %mul3A_69 : i32
      %mul3A_71 = arith.constant 2 : i32
      %mul3A_72 = arith.muli %mul3A_71, %scan3A_6 : i32
      %add3A_73 = arith.addi %mul3A_70, %mul3A_72 : i32
      %add3A_74 = arith.constant 0 : i32
      %add3A_75 = arith.addi %add3A_73, %add3A_74 : i32
      %dma_wait3A = arith.constant 0 : i32
      %dma_wait3A_76 = arith.constant 0 : i32
      %dma_wait3A_77 = arith.constant 0 : i32
      %dma_wait3A_78 = arith.constant 0 : i32
      %dma_wait3A_79 = tpu.memref_slice %arg8[%dma_wait3A_76, %dma_wait3A_77, %dma_wait3A_78] : memref<2x128x32xbf16, #tpu.memory_space<vmem>> -> memref<1x128x32xbf16, #tpu.memory_space<vmem>>
      %dma_wait3A_80 = tpu.memref_squeeze %dma_wait3A_79 : memref<1x128x32xbf16, #tpu.memory_space<vmem>> -> memref<128x32xbf16, #tpu.memory_space<vmem>>
      %dma_wait3A_81 = arith.constant 0 : i32
      %dma_wait3A_82 = tpu.memref_slice %arg7[%dma_wait3A, %dma_wait3A_81] : memref<2x256xi32, #tpu.memory_space<vmem>> -> memref<1x128xi32, #tpu.memory_space<vmem>>
      %dma_wait3A_83 = tpu.memref_squeeze %dma_wait3A_82 : memref<1x128xi32, #tpu.memory_space<vmem>> -> memref<128xi32, #tpu.memory_space<vmem>>
      %dma_wait3A_84 = arith.constant 0 : i32
      %dma_wait3A_85 = arith.constant 0 : i32
      %dma_wait3A_86 = tpu.memref_slice %arg2[%dma_wait3A_84, %dma_wait3A_85] : memref<10000x32xbf16, #tpu.memory_space<hbm>> -> memref<10000x32xbf16, #tpu.memory_space<hbm>>
      tpu.wait_indirect_dma semaphore(%arg10 : memref<!tpu.dma_semaphore, #tpu.memory_space<semaphore_mem>>) src(%dma_wait3A_86 : memref<10000x32xbf16, #tpu.memory_space<hbm>>) dst(%dma_wait3A_80 : memref<128x32xbf16, #tpu.memory_space<vmem>>)
      %mul3A_87 = arith.constant 128 : i32
      %mul3A_88 = arith.muli %add3A_75, %mul3A_87 : i32
      %run_scoped3A_89 = arith.constant 0 : i32
      "tpu.region"() ({
        %run_scoped3A_142 = tpu.sem_alloc : memref<!tpu.dma_semaphore, #tpu.memory_space<semaphore_mem>>
        %dma_start3A_143 = arith.constant 0 : i32
        %dma_start3A_144 = arith.constant 0 : i32
        %dma_start3A_145 = tpu.memref_slice %arg8[%run_scoped3A_89, %dma_start3A_143, %dma_start3A_144] : memref<2x128x32xbf16, #tpu.memory_space<vmem>> -> memref<1x128x32xbf16, #tpu.memory_space<vmem>>
        %dma_start3A_146 = tpu.memref_squeeze %dma_start3A_145 : memref<1x128x32xbf16, #tpu.memory_space<vmem>> -> memref<128x32xbf16, #tpu.memory_space<vmem>>
        %dma_start3A_147 = arith.constant 0 : i32
        %dma_start3A_148 = tpu.memref_slice %arg5[%mul3A_88, %dma_start3A_147] : memref<40960x32xbf16, #tpu.memory_space<hbm>> -> memref<128x32xbf16, #tpu.memory_space<hbm>>
        %dma_start3A_149 = arith.constant 0 : i32
        %dma_start3A_150 = tpu.memref_slice %arg5[%mul3A_88, %dma_start3A_149] : memref<40960x32xbf16, #tpu.memory_space<hbm>> -> memref<128x32xbf16, #tpu.memory_space<hbm>>
        %dma_start3A_151 = arith.constant 0 : i32
        %dma_start3A_152 = arith.constant 0 : i32
        %dma_start3A_153 = tpu.memref_slice %arg8[%run_scoped3A_89, %dma_start3A_151, %dma_start3A_152] : memref<2x128x32xbf16, #tpu.memory_space<vmem>> -> memref<1x128x32xbf16, #tpu.memory_space<vmem>>
        %dma_start3A_154 = tpu.memref_squeeze %dma_start3A_153 : memref<1x128x32xbf16, #tpu.memory_space<vmem>> -> memref<128x32xbf16, #tpu.memory_space<vmem>>
        tpu.enqueue_dma source(%dma_start3A_154 : memref<128x32xbf16, #tpu.memory_space<vmem>>) target(%dma_start3A_150 : memref<128x32xbf16, #tpu.memory_space<hbm>>) target_semaphore(%run_scoped3A_142 : memref<!tpu.dma_semaphore, #tpu.memory_space<semaphore_mem>>)
        %dma_wait3A_155 = arith.constant 0 : i32
        %dma_wait3A_156 = arith.constant 0 : i32
        %dma_wait3A_157 = tpu.memref_slice %arg8[%run_scoped3A_89, %dma_wait3A_155, %dma_wait3A_156] : memref<2x128x32xbf16, #tpu.memory_space<vmem>> -> memref<1x128x32xbf16, #tpu.memory_space<vmem>>
        %dma_wait3A_158 = tpu.memref_squeeze %dma_wait3A_157 : memref<1x128x32xbf16, #tpu.memory_space<vmem>> -> memref<128x32xbf16, #tpu.memory_space<vmem>>
        %dma_wait3A_159 = arith.constant 0 : i32
        %dma_wait3A_160 = tpu.memref_slice %arg5[%mul3A_88, %dma_wait3A_159] : memref<40960x32xbf16, #tpu.memory_space<hbm>> -> memref<128x32xbf16, #tpu.memory_space<hbm>>
        %dma_wait3A_161 = arith.constant 0 : i32
        %dma_wait3A_162 = tpu.memref_slice %arg5[%mul3A_88, %dma_wait3A_161] : memref<40960x32xbf16, #tpu.memory_space<hbm>> -> memref<128x32xbf16, #tpu.memory_space<hbm>>
        %dma_wait3A_163 = arith.constant 0 : i32
        %dma_wait3A_164 = arith.constant 0 : i32
        %dma_wait3A_165 = tpu.memref_slice %arg8[%run_scoped3A_89, %dma_wait3A_163, %dma_wait3A_164] : memref<2x128x32xbf16, #tpu.memory_space<vmem>> -> memref<1x128x32xbf16, #tpu.memory_space<vmem>>
        %dma_wait3A_166 = tpu.memref_squeeze %dma_wait3A_165 : memref<1x128x32xbf16, #tpu.memory_space<vmem>> -> memref<128x32xbf16, #tpu.memory_space<vmem>>
        tpu.wait_dma2 semaphore(%run_scoped3A_142 : memref<!tpu.dma_semaphore, #tpu.memory_space<semaphore_mem>>) src(%dma_wait3A_166 : memref<128x32xbf16, #tpu.memory_space<vmem>>) dst(%dma_wait3A_162 : memref<128x32xbf16, #tpu.memory_space<hbm>>)
        tpu.yield
      }) : () -> ()
      %dma_wait3A_90 = arith.constant 0 : i32
      %dma_wait3A_91 = arith.constant 0 : i32
      %dma_wait3A_92 = arith.constant 0 : i32
      %dma_wait3A_93 = arith.constant 0 : i32
      %dma_wait3A_94 = tpu.memref_slice %arg9[%dma_wait3A_91, %dma_wait3A_92, %dma_wait3A_93] : memref<2x128x8xi32, #tpu.memory_space<vmem>> -> memref<1x128x8xi32, #tpu.memory_space<vmem>>
      %dma_wait3A_95 = tpu.memref_squeeze %dma_wait3A_94 : memref<1x128x8xi32, #tpu.memory_space<vmem>> -> memref<128x8xi32, #tpu.memory_space<vmem>>
      %dma_wait3A_96 = arith.constant 128 : i32
      %dma_wait3A_97 = tpu.memref_slice %arg7[%dma_wait3A_90, %dma_wait3A_96] : memref<2x256xi32, #tpu.memory_space<vmem>> -> memref<1x128xi32, #tpu.memory_space<vmem>>
      %dma_wait3A_98 = tpu.memref_squeeze %dma_wait3A_97 : memref<1x128xi32, #tpu.memory_space<vmem>> -> memref<128xi32, #tpu.memory_space<vmem>>
      %dma_wait3A_99 = arith.constant 0 : i32
      %dma_wait3A_100 = arith.constant 0 : i32
      %dma_wait3A_101 = tpu.memref_slice %arg3[%dma_wait3A_99, %dma_wait3A_100] : memref<10000x8xi32, #tpu.memory_space<hbm>> -> memref<10000x8xi32, #tpu.memory_space<hbm>>
      tpu.wait_indirect_dma semaphore(%arg11 : memref<!tpu.dma_semaphore, #tpu.memory_space<semaphore_mem>>) src(%dma_wait3A_101 : memref<10000x8xi32, #tpu.memory_space<hbm>>) dst(%dma_wait3A_95 : memref<128x8xi32, #tpu.memory_space<vmem>>)
      %mul3A_102 = arith.constant 128 : i32
      %mul3A_103 = arith.muli %add3A_75, %mul3A_102 : i32
      %run_scoped3A_104 = arith.constant 0 : i32
      "tpu.region"() ({
        %run_scoped3A_142 = tpu.sem_alloc : memref<!tpu.dma_semaphore, #tpu.memory_space<semaphore_mem>>
        %dma_start3A_143 = arith.constant 0 : i32
        %dma_start3A_144 = arith.constant 0 : i32
        %dma_start3A_145 = tpu.memref_slice %arg9[%run_scoped3A_104, %dma_start3A_143, %dma_start3A_144] : memref<2x128x8xi32, #tpu.memory_space<vmem>> -> memref<1x128x8xi32, #tpu.memory_space<vmem>>
        %dma_start3A_146 = tpu.memref_squeeze %dma_start3A_145 : memref<1x128x8xi32, #tpu.memory_space<vmem>> -> memref<128x8xi32, #tpu.memory_space<vmem>>
        %dma_start3A_147 = arith.constant 0 : i32
        %dma_start3A_148 = tpu.memref_slice %arg6[%mul3A_103, %dma_start3A_147] : memref<40960x8xi32, #tpu.memory_space<hbm>> -> memref<128x8xi32, #tpu.memory_space<hbm>>
        %dma_start3A_149 = arith.constant 0 : i32
        %dma_start3A_150 = tpu.memref_slice %arg6[%mul3A_103, %dma_start3A_149] : memref<40960x8xi32, #tpu.memory_space<hbm>> -> memref<128x8xi32, #tpu.memory_space<hbm>>
        %dma_start3A_151 = arith.constant 0 : i32
        %dma_start3A_152 = arith.constant 0 : i32
        %dma_start3A_153 = tpu.memref_slice %arg9[%run_scoped3A_104, %dma_start3A_151, %dma_start3A_152] : memref<2x128x8xi32, #tpu.memory_space<vmem>> -> memref<1x128x8xi32, #tpu.memory_space<vmem>>
        %dma_start3A_154 = tpu.memref_squeeze %dma_start3A_153 : memref<1x128x8xi32, #tpu.memory_space<vmem>> -> memref<128x8xi32, #tpu.memory_space<vmem>>
        tpu.enqueue_dma source(%dma_start3A_154 : memref<128x8xi32, #tpu.memory_space<vmem>>) target(%dma_start3A_150 : memref<128x8xi32, #tpu.memory_space<hbm>>) target_semaphore(%run_scoped3A_142 : memref<!tpu.dma_semaphore, #tpu.memory_space<semaphore_mem>>)
        %dma_wait3A_155 = arith.constant 0 : i32
        %dma_wait3A_156 = arith.constant 0 : i32
        %dma_wait3A_157 = tpu.memref_slice %arg9[%run_scoped3A_104, %dma_wait3A_155, %dma_wait3A_156] : memref<2x128x8xi32, #tpu.memory_space<vmem>> -> memref<1x128x8xi32, #tpu.memory_space<vmem>>
        %dma_wait3A_158 = tpu.memref_squeeze %dma_wait3A_157 : memref<1x128x8xi32, #tpu.memory_space<vmem>> -> memref<128x8xi32, #tpu.memory_space<vmem>>
        %dma_wait3A_159 = arith.constant 0 : i32
        %dma_wait3A_160 = tpu.memref_slice %arg6[%mul3A_103, %dma_wait3A_159] : memref<40960x8xi32, #tpu.memory_space<hbm>> -> memref<128x8xi32, #tpu.memory_space<hbm>>
        %dma_wait3A_161 = arith.constant 0 : i32
        %dma_wait3A_162 = tpu.memref_slice %arg6[%mul3A_103, %dma_wait3A_161] : memref<40960x8xi32, #tpu.memory_space<hbm>> -> memref<128x8xi32, #tpu.memory_space<hbm>>
        %dma_wait3A_163 = arith.constant 0 : i32
        %dma_wait3A_164 = arith.constant 0 : i32
        %dma_wait3A_165 = tpu.memref_slice %arg9[%run_scoped3A_104, %dma_wait3A_163, %dma_wait3A_164] : memref<2x128x8xi32, #tpu.memory_space<vmem>> -> memref<1x128x8xi32, #tpu.memory_space<vmem>>
        %dma_wait3A_166 = tpu.memref_squeeze %dma_wait3A_165 : memref<1x128x8xi32, #tpu.memory_space<vmem>> -> memref<128x8xi32, #tpu.memory_space<vmem>>
        tpu.wait_dma2 semaphore(%run_scoped3A_142 : memref<!tpu.dma_semaphore, #tpu.memory_space<semaphore_mem>>) src(%dma_wait3A_166 : memref<128x8xi32, #tpu.memory_space<vmem>>) dst(%dma_wait3A_162 : memref<128x8xi32, #tpu.memory_space<hbm>>)
        tpu.yield
      }) : () -> ()
      %mul3A_105 = arith.constant 10 : i32
      %mul3A_106 = arith.muli %add3A, %mul3A_105 : i32
      %mul3A_107 = arith.constant 2 : i32
      %mul3A_108 = arith.muli %mul3A_107, %scan3A_6 : i32
      %add3A_109 = arith.addi %mul3A_106, %mul3A_108 : i32
      %add3A_110 = arith.constant 1 : i32
      %add3A_111 = arith.addi %add3A_109, %add3A_110 : i32
      %dma_wait3A_112 = arith.constant 1 : i32
      %dma_wait3A_113 = arith.constant 1 : i32
      %dma_wait3A_114 = arith.constant 0 : i32
      %dma_wait3A_115 = arith.constant 0 : i32
      %dma_wait3A_116 = tpu.memref_slice %arg8[%dma_wait3A_113, %dma_wait3A_114, %dma_wait3A_115] : memref<2x128x32xbf16, #tpu.memory_space<vmem>> -> memref<1x128x32xbf16, #tpu.memory_space<vmem>>
      %dma_wait3A_117 = tpu.memref_squeeze %dma_wait3A_116 : memref<1x128x32xbf16, #tpu.memory_space<vmem>> -> memref<128x32xbf16, #tpu.memory_space<vmem>>
      %dma_wait3A_118 = arith.constant 0 : i32
      %dma_wait3A_119 = tpu.memref_slice %arg7[%dma_wait3A_112, %dma_wait3A_118] : memref<2x256xi32, #tpu.memory_space<vmem>> -> memref<1x128xi32, #tpu.memory_space<vmem>>
      %dma_wait3A_120 = tpu.memref_squeeze %dma_wait3A_119 : memref<1x128xi32, #tpu.memory_space<vmem>> -> memref<128xi32, #tpu.memory_space<vmem>>
      %dma_wait3A_121 = arith.constant 0 : i32
      %dma_wait3A_122 = arith.constant 0 : i32
      %dma_wait3A_123 = tpu.memref_slice %arg2[%dma_wait3A_121, %dma_wait3A_122] : memref<10000x32xbf16, #tpu.memory_space<hbm>> -> memref<10000x32xbf16, #tpu.memory_space<hbm>>
      tpu.wait_indirect_dma semaphore(%arg10 : memref<!tpu.dma_semaphore, #tpu.memory_space<semaphore_mem>>) src(%dma_wait3A_123 : memref<10000x32xbf16, #tpu.memory_space<hbm>>) dst(%dma_wait3A_117 : memref<128x32xbf16, #tpu.memory_space<vmem>>)
      %mul3A_124 = arith.constant 128 : i32
      %mul3A_125 = arith.muli %add3A_111, %mul3A_124 : i32
      %run_scoped3A_126 = arith.constant 1 : i32
      "tpu.region"() ({
        %run_scoped3A_142 = tpu.sem_alloc : memref<!tpu.dma_semaphore, #tpu.memory_space<semaphore_mem>>
        %dma_start3A_143 = arith.constant 0 : i32
        %dma_start3A_144 = arith.constant 0 : i32
        %dma_start3A_145 = tpu.memref_slice %arg8[%run_scoped3A_126, %dma_start3A_143, %dma_start3A_144] : memref<2x128x32xbf16, #tpu.memory_space<vmem>> -> memref<1x128x32xbf16, #tpu.memory_space<vmem>>
        %dma_start3A_146 = tpu.memref_squeeze %dma_start3A_145 : memref<1x128x32xbf16, #tpu.memory_space<vmem>> -> memref<128x32xbf16, #tpu.memory_space<vmem>>
        %dma_start3A_147 = arith.constant 0 : i32
        %dma_start3A_148 = tpu.memref_slice %arg5[%mul3A_125, %dma_start3A_147] : memref<40960x32xbf16, #tpu.memory_space<hbm>> -> memref<128x32xbf16, #tpu.memory_space<hbm>>
        %dma_start3A_149 = arith.constant 0 : i32
        %dma_start3A_150 = tpu.memref_slice %arg5[%mul3A_125, %dma_start3A_149] : memref<40960x32xbf16, #tpu.memory_space<hbm>> -> memref<128x32xbf16, #tpu.memory_space<hbm>>
        %dma_start3A_151 = arith.constant 0 : i32
        %dma_start3A_152 = arith.constant 0 : i32
        %dma_start3A_153 = tpu.memref_slice %arg8[%run_scoped3A_126, %dma_start3A_151, %dma_start3A_152] : memref<2x128x32xbf16, #tpu.memory_space<vmem>> -> memref<1x128x32xbf16, #tpu.memory_space<vmem>>
        %dma_start3A_154 = tpu.memref_squeeze %dma_start3A_153 : memref<1x128x32xbf16, #tpu.memory_space<vmem>> -> memref<128x32xbf16, #tpu.memory_space<vmem>>
        tpu.enqueue_dma source(%dma_start3A_154 : memref<128x32xbf16, #tpu.memory_space<vmem>>) target(%dma_start3A_150 : memref<128x32xbf16, #tpu.memory_space<hbm>>) target_semaphore(%run_scoped3A_142 : memref<!tpu.dma_semaphore, #tpu.memory_space<semaphore_mem>>)
        %dma_wait3A_155 = arith.constant 0 : i32
        %dma_wait3A_156 = arith.constant 0 : i32
        %dma_wait3A_157 = tpu.memref_slice %arg8[%run_scoped3A_126, %dma_wait3A_155, %dma_wait3A_156] : memref<2x128x32xbf16, #tpu.memory_space<vmem>> -> memref<1x128x32xbf16, #tpu.memory_space<vmem>>
        %dma_wait3A_158 = tpu.memref_squeeze %dma_wait3A_157 : memref<1x128x32xbf16, #tpu.memory_space<vmem>> -> memref<128x32xbf16, #tpu.memory_space<vmem>>
        %dma_wait3A_159 = arith.constant 0 : i32
        %dma_wait3A_160 = tpu.memref_slice %arg5[%mul3A_125, %dma_wait3A_159] : memref<40960x32xbf16, #tpu.memory_space<hbm>> -> memref<128x32xbf16, #tpu.memory_space<hbm>>
        %dma_wait3A_161 = arith.constant 0 : i32
        %dma_wait3A_162 = tpu.memref_slice %arg5[%mul3A_125, %dma_wait3A_161] : memref<40960x32xbf16, #tpu.memory_space<hbm>> -> memref<128x32xbf16, #tpu.memory_space<hbm>>
        %dma_wait3A_163 = arith.constant 0 : i32
        %dma_wait3A_164 = arith.constant 0 : i32
        %dma_wait3A_165 = tpu.memref_slice %arg8[%run_scoped3A_126, %dma_wait3A_163, %dma_wait3A_164] : memref<2x128x32xbf16, #tpu.memory_space<vmem>> -> memref<1x128x32xbf16, #tpu.memory_space<vmem>>
        %dma_wait3A_166 = tpu.memref_squeeze %dma_wait3A_165 : memref<1x128x32xbf16, #tpu.memory_space<vmem>> -> memref<128x32xbf16, #tpu.memory_space<vmem>>
        tpu.wait_dma2 semaphore(%run_scoped3A_142 : memref<!tpu.dma_semaphore, #tpu.memory_space<semaphore_mem>>) src(%dma_wait3A_166 : memref<128x32xbf16, #tpu.memory_space<vmem>>) dst(%dma_wait3A_162 : memref<128x32xbf16, #tpu.memory_space<hbm>>)
        tpu.yield
      }) : () -> ()
      %dma_wait3A_127 = arith.constant 1 : i32
      %dma_wait3A_128 = arith.constant 1 : i32
      %dma_wait3A_129 = arith.constant 0 : i32
      %dma_wait3A_130 = arith.constant 0 : i32
      %dma_wait3A_131 = tpu.memref_slice %arg9[%dma_wait3A_128, %dma_wait3A_129, %dma_wait3A_130] : memref<2x128x8xi32, #tpu.memory_space<vmem>> -> memref<1x128x8xi32, #tpu.memory_space<vmem>>
      %dma_wait3A_132 = tpu.memref_squeeze %dma_wait3A_131 : memref<1x128x8xi32, #tpu.memory_space<vmem>> -> memref<128x8xi32, #tpu.memory_space<vmem>>
      %dma_wait3A_133 = arith.constant 128 : i32
      %dma_wait3A_134 = tpu.memref_slice %arg7[%dma_wait3A_127, %dma_wait3A_133] : memref<2x256xi32, #tpu.memory_space<vmem>> -> memref<1x128xi32, #tpu.memory_space<vmem>>
      %dma_wait3A_135 = tpu.memref_squeeze %dma_wait3A_134 : memref<1x128xi32, #tpu.memory_space<vmem>> -> memref<128xi32, #tpu.memory_space<vmem>>
      %dma_wait3A_136 = arith.constant 0 : i32
      %dma_wait3A_137 = arith.constant 0 : i32
      %dma_wait3A_138 = tpu.memref_slice %arg3[%dma_wait3A_136, %dma_wait3A_137] : memref<10000x8xi32, #tpu.memory_space<hbm>> -> memref<10000x8xi32, #tpu.memory_space<hbm>>
      tpu.wait_indirect_dma semaphore(%arg11 : memref<!tpu.dma_semaphore, #tpu.memory_space<semaphore_mem>>) src(%dma_wait3A_138 : memref<10000x8xi32, #tpu.memory_space<hbm>>) dst(%dma_wait3A_132 : memref<128x8xi32, #tpu.memory_space<vmem>>)
      %mul3A_139 = arith.constant 128 : i32
      %mul3A_140 = arith.muli %add3A_111, %mul3A_139 : i32
      %run_scoped3A_141 = arith.constant 1 : i32
      "tpu.region"() ({
        %run_scoped3A_142 = tpu.sem_alloc : memref<!tpu.dma_semaphore, #tpu.memory_space<semaphore_mem>>
        %dma_start3A_143 = arith.constant 0 : i32
        %dma_start3A_144 = arith.constant 0 : i32
        %dma_start3A_145 = tpu.memref_slice %arg9[%run_scoped3A_141, %dma_start3A_143, %dma_start3A_144] : memref<2x128x8xi32, #tpu.memory_space<vmem>> -> memref<1x128x8xi32, #tpu.memory_space<vmem>>
        %dma_start3A_146 = tpu.memref_squeeze %dma_start3A_145 : memref<1x128x8xi32, #tpu.memory_space<vmem>> -> memref<128x8xi32, #tpu.memory_space<vmem>>
        %dma_start3A_147 = arith.constant 0 : i32
        %dma_start3A_148 = tpu.memref_slice %arg6[%mul3A_140, %dma_start3A_147] : memref<40960x8xi32, #tpu.memory_space<hbm>> -> memref<128x8xi32, #tpu.memory_space<hbm>>
        %dma_start3A_149 = arith.constant 0 : i32
        %dma_start3A_150 = tpu.memref_slice %arg6[%mul3A_140, %dma_start3A_149] : memref<40960x8xi32, #tpu.memory_space<hbm>> -> memref<128x8xi32, #tpu.memory_space<hbm>>
        %dma_start3A_151 = arith.constant 0 : i32
        %dma_start3A_152 = arith.constant 0 : i32
        %dma_start3A_153 = tpu.memref_slice %arg9[%run_scoped3A_141, %dma_start3A_151, %dma_start3A_152] : memref<2x128x8xi32, #tpu.memory_space<vmem>> -> memref<1x128x8xi32, #tpu.memory_space<vmem>>
        %dma_start3A_154 = tpu.memref_squeeze %dma_start3A_153 : memref<1x128x8xi32, #tpu.memory_space<vmem>> -> memref<128x8xi32, #tpu.memory_space<vmem>>
        tpu.enqueue_dma source(%dma_start3A_154 : memref<128x8xi32, #tpu.memory_space<vmem>>) target(%dma_start3A_150 : memref<128x8xi32, #tpu.memory_space<hbm>>) target_semaphore(%run_scoped3A_142 : memref<!tpu.dma_semaphore, #tpu.memory_space<semaphore_mem>>)
        %dma_wait3A_155 = arith.constant 0 : i32
        %dma_wait3A_156 = arith.constant 0 : i32
        %dma_wait3A_157 = tpu.memref_slice %arg9[%run_scoped3A_141, %dma_wait3A_155, %dma_wait3A_156] : memref<2x128x8xi32, #tpu.memory_space<vmem>> -> memref<1x128x8xi32, #tpu.memory_space<vmem>>
        %dma_wait3A_158 = tpu.memref_squeeze %dma_wait3A_157 : memref<1x128x8xi32, #tpu.memory_space<vmem>> -> memref<128x8xi32, #tpu.memory_space<vmem>>
        %dma_wait3A_159 = arith.constant 0 : i32
        %dma_wait3A_160 = tpu.memref_slice %arg6[%mul3A_140, %dma_wait3A_159] : memref<40960x8xi32, #tpu.memory_space<hbm>> -> memref<128x8xi32, #tpu.memory_space<hbm>>
        %dma_wait3A_161 = arith.constant 0 : i32
        %dma_wait3A_162 = tpu.memref_slice %arg6[%mul3A_140, %dma_wait3A_161] : memref<40960x8xi32, #tpu.memory_space<hbm>> -> memref<128x8xi32, #tpu.memory_space<hbm>>
        %dma_wait3A_163 = arith.constant 0 : i32
        %dma_wait3A_164 = arith.constant 0 : i32
        %dma_wait3A_165 = tpu.memref_slice %arg9[%run_scoped3A_141, %dma_wait3A_163, %dma_wait3A_164] : memref<2x128x8xi32, #tpu.memory_space<vmem>> -> memref<1x128x8xi32, #tpu.memory_space<vmem>>
        %dma_wait3A_166 = tpu.memref_squeeze %dma_wait3A_165 : memref<1x128x8xi32, #tpu.memory_space<vmem>> -> memref<128x8xi32, #tpu.memory_space<vmem>>
        tpu.wait_dma2 semaphore(%run_scoped3A_142 : memref<!tpu.dma_semaphore, #tpu.memory_space<semaphore_mem>>) src(%dma_wait3A_166 : memref<128x8xi32, #tpu.memory_space<vmem>>) dst(%dma_wait3A_162 : memref<128x8xi32, #tpu.memory_space<hbm>>)
        tpu.yield
      }) : () -> ()
    }
    %scan3A_5 = arith.constant 5 : i32
    return
  }
}

module attributes {stable_mosaic.version = 14 : i64} {
  func.func @body(%arg0: i32, %arg1: memref<4096x16xbf16, #tpu.memory_space<vmem>>, %arg2: memref<4096x32xbf16, #tpu.memory_space<vmem>>, %arg3: memref<4096x8xi32, #tpu.memory_space<vmem>>, %arg4: memref<16x64xbf16, #tpu.memory_space<vmem>>, %arg5: memref<1x64xf32, #tpu.memory_space<vmem>>, %arg6: memref<64x512xbf16, #tpu.memory_space<vmem>>, %arg7: memref<1x512xf32, #tpu.memory_space<vmem>>, %arg8: memref<32x512xbf16, #tpu.memory_space<vmem>>, %arg9: memref<512x16xbf16, #tpu.memory_space<vmem>>, %arg10: memref<64x16xf32, #tpu.memory_space<vmem>>) attributes {dimension_semantics = [#tpu.dimension_semantics<arbitrary>], iteration_bounds = array<i64: 10>, scalar_prefetch = 0 : i64, scratch_operands = 0 : i64, tpu.core_type = #tpu.core_type<tc>, window_params = [{transform_indices = @transform_0, window_bounds = array<i64: 4096, 16>}, {transform_indices = @transform_1, window_bounds = array<i64: 4096, 32>}, {transform_indices = @transform_2, window_bounds = array<i64: 4096, 8>}, {pipeline_mode = #tpu.pipeline_mode<synchronous>, transform_indices = @transform_3, window_bounds = array<i64: 16, 64>}, {pipeline_mode = #tpu.pipeline_mode<synchronous>, transform_indices = @transform_4, window_bounds = array<i64: 1, 64>}, {pipeline_mode = #tpu.pipeline_mode<synchronous>, transform_indices = @transform_5, window_bounds = array<i64: 64, 512>}, {pipeline_mode = #tpu.pipeline_mode<synchronous>, transform_indices = @transform_6, window_bounds = array<i64: 1, 512>}, {pipeline_mode = #tpu.pipeline_mode<synchronous>, transform_indices = @transform_7, window_bounds = array<i64: 32, 512>}, {pipeline_mode = #tpu.pipeline_mode<synchronous>, transform_indices = @transform_8, window_bounds = array<i64: 512, 16>}, {pipeline_mode = #tpu.pipeline_mode<synchronous>, transform_indices = @transform_9, window_bounds = array<i64: 64, 16>}]} {
    %eq3A = arith.constant 0 : i32
    %eq3A_0 = arith.cmpi eq, %arg0, %eq3A : i32
    %convert_element_type3A = arith.extui %eq3A_0 : i1 to i32
    %cond3A = arith.constant 0 : i32
    %cond3A_1 = arith.cmpi ne, %convert_element_type3A, %cond3A : i32
    scf.if %cond3A_1 {
      %broadcast_in_dim3A = arith.constant 0.000000e+00 : f32
      %broadcast_in_dim3A_57 = vector.broadcast %broadcast_in_dim3A : f32 to vector<64x16xf32>
      %swap3A_58 = arith.constant 0 : index
      %swap3A_59 = arith.constant 0 : index
      %swap3A_60 = vector.load %arg10[%swap3A_58, %swap3A_59] : memref<64x16xf32, #tpu.memory_space<vmem>>, vector<64x16xf32>
      tpu.vector_store %arg10[%swap3A_58, %swap3A_59], %broadcast_in_dim3A_57 {strides = array<i32>} : memref<64x16xf32, #tpu.memory_space<vmem>>, vector<64x16xf32>,
    } else {
    }
    %get3A = arith.constant 0 : index
    %get3A_2 = arith.constant 0 : index
    %get3A_3 = vector.load %arg1[%get3A, %get3A_2] : memref<4096x16xbf16, #tpu.memory_space<vmem>>, vector<4096x16xbf16>
    %get3A_4 = arith.constant 0 : index
    %get3A_5 = arith.constant 0 : index
    %get3A_6 = vector.load %arg4[%get3A_4, %get3A_5] : memref<16x64xbf16, #tpu.memory_space<vmem>>, vector<16x64xbf16>
    %dot_general3A = arith.constant dense<0.000000e+00> : vector<4096x64xf32>
    %dot_general3A_7 = tpu.matmul %get3A_3, %get3A_6, %dot_general3A {dimension_numbers = #tpu.dot_dimension_numbers<[1], [0], [0], [1], [0, 0, 1, 1], [], []>, transpose_lhs_hint = false} : vector<4096x16xbf16>, vector<16x64xbf16>, vector<4096x64xf32> -> vector<4096x64xf32>
    %get3A_8 = arith.constant 0 : index
    %get3A_9 = arith.constant 0 : index
    %get3A_10 = vector.load %arg5[%get3A_8, %get3A_9] : memref<1x64xf32, #tpu.memory_space<vmem>>, vector<1x64xf32>
    %add3A = vector.broadcast %get3A_10 : vector<1x64xf32> to vector<4096x64xf32>
    %add3A_11 = arith.addf %dot_general3A_7, %add3A : vector<4096x64xf32>
    %max3A = arith.constant 0.000000e+00 : f32
    %max3A_12 = vector.broadcast %max3A : f32 to vector<4096x64xf32>
    %max3A_13 = arith.maximumf %add3A_11, %max3A_12 : vector<4096x64xf32>
    %convert_element_type3A_14 = arith.truncf %max3A_13 : vector<4096x64xf32> to vector<4096x64xbf16>
    %get3A_15 = arith.constant 0 : index
    %get3A_16 = arith.constant 0 : index
    %get3A_17 = vector.load %arg6[%get3A_15, %get3A_16] : memref<64x512xbf16, #tpu.memory_space<vmem>>, vector<64x512xbf16>
    %dot_general3A_18 = arith.constant dense<0.000000e+00> : vector<4096x512xf32>
    %dot_general3A_19 = tpu.matmul %convert_element_type3A_14, %get3A_17, %dot_general3A_18 {dimension_numbers = #tpu.dot_dimension_numbers<[1], [0], [0], [1], [0, 0, 1, 1], [], []>, transpose_lhs_hint = false} : vector<4096x64xbf16>, vector<64x512xbf16>, vector<4096x512xf32> -> vector<4096x512xf32>
    %get3A_20 = arith.constant 0 : index
    %get3A_21 = arith.constant 0 : index
    %get3A_22 = vector.load %arg7[%get3A_20, %get3A_21] : memref<1x512xf32, #tpu.memory_space<vmem>>, vector<1x512xf32>
    %add3A_23 = vector.broadcast %get3A_22 : vector<1x512xf32> to vector<4096x512xf32>
    %add3A_24 = arith.addf %dot_general3A_19, %add3A_23 : vector<4096x512xf32>
    %get3A_25 = arith.constant 0 : index
    %get3A_26 = arith.constant 0 : index
    %get3A_27 = vector.load %arg2[%get3A_25, %get3A_26] : memref<4096x32xbf16, #tpu.memory_space<vmem>>, vector<4096x32xbf16>
    %get3A_28 = arith.constant 0 : index
    %get3A_29 = arith.constant 0 : index
    %get3A_30 = vector.load %arg8[%get3A_28, %get3A_29] : memref<32x512xbf16, #tpu.memory_space<vmem>>, vector<32x512xbf16>
    %dot_general3A_31 = arith.constant dense<0.000000e+00> : vector<4096x512xf32>
    %dot_general3A_32 = tpu.matmul %get3A_27, %get3A_30, %dot_general3A_31 {dimension_numbers = #tpu.dot_dimension_numbers<[1], [0], [0], [1], [0, 0, 1, 1], [], []>, transpose_lhs_hint = false} : vector<4096x32xbf16>, vector<32x512xbf16>, vector<4096x512xf32> -> vector<4096x512xf32>
    %mul3A = arith.mulf %dot_general3A_32, %add3A_24 : vector<4096x512xf32>
    %convert_element_type3A_33 = arith.truncf %mul3A : vector<4096x512xf32> to vector<4096x512xbf16>
    %get3A_34 = arith.constant 0 : index
    %get3A_35 = arith.constant 0 : index
    %get3A_36 = vector.load %arg9[%get3A_34, %get3A_35] : memref<512x16xbf16, #tpu.memory_space<vmem>>, vector<512x16xbf16>
    %dot_general3A_37 = arith.constant dense<0.000000e+00> : vector<4096x16xf32>
    %dot_general3A_38 = tpu.matmul %convert_element_type3A_33, %get3A_36, %dot_general3A_37 {dimension_numbers = #tpu.dot_dimension_numbers<[1], [0], [0], [1], [0, 0, 1, 1], [], []>, transpose_lhs_hint = false} : vector<4096x512xbf16>, vector<512x16xbf16>, vector<4096x16xf32> -> vector<4096x16xf32>
    %get3A_39 = arith.constant 0 : index
    %get3A_40 = arith.constant 0 : index
    %get3A_41 = vector.load %arg3[%get3A_39, %get3A_40] : memref<4096x8xi32, #tpu.memory_space<vmem>>, vector<4096x1xi32>
    %iota3A = tpu.iota {dimensions = array<i32: 1>} : vector<1x64xi32>
    %eq3A_42 = vector.broadcast %get3A_41 : vector<4096x1xi32> to vector<4096x64xi32>
    %eq3A_43 = vector.broadcast %iota3A : vector<1x64xi32> to vector<4096x64xi32>
    %eq3A_44 = arith.cmpi eq, %eq3A_42, %eq3A_43 : vector<4096x64xi32>
    %convert_element_type3A_45 = arith.extui %eq3A_44 : vector<4096x64xi1> to vector<4096x64xi32>
    %convert_element_type3A_46 = arith.sitofp %convert_element_type3A_45 : vector<4096x64xi32> to vector<4096x64xf32>
    %convert_element_type3A_47 = arith.truncf %convert_element_type3A_46 : vector<4096x64xf32> to vector<4096x64xbf16>
    %get3A_48 = arith.constant 0 : index
    %get3A_49 = arith.constant 0 : index
    %get3A_50 = vector.load %arg10[%get3A_48, %get3A_49] : memref<64x16xf32, #tpu.memory_space<vmem>>, vector<64x16xf32>
    %convert_element_type3A_51 = arith.truncf %dot_general3A_38 : vector<4096x16xf32> to vector<4096x16xbf16>
    %dot_general3A_52 = arith.constant dense<0.000000e+00> : vector<64x16xf32>
    %dot_general3A_53 = tpu.matmul %convert_element_type3A_47, %convert_element_type3A_51, %dot_general3A_52 {dimension_numbers = #tpu.dot_dimension_numbers<[0], [0], [1], [1], [0, 1, 1, 1], [], []>, transpose_lhs_hint = false} : vector<4096x64xbf16>, vector<4096x16xbf16>, vector<64x16xf32> -> vector<64x16xf32>
    %add3A_54 = arith.addf %get3A_50, %dot_general3A_53 : vector<64x16xf32>
    %swap3A = arith.constant 0 : index
    %swap3A_55 = arith.constant 0 : index
    %swap3A_56 = vector.load %arg10[%swap3A, %swap3A_55] : memref<64x16xf32, #tpu.memory_space<vmem>>, vector<64x16xf32>
    tpu.vector_store %arg10[%swap3A, %swap3A_55], %add3A_54 {strides = array<i32>} : memref<64x16xf32, #tpu.memory_space<vmem>>, vector<64x16xf32>,
    return
  }
  func.func @transform_0(%arg0: i32) -> (i32, i32) {
    %c0_i32 = arith.constant 0 : i32
    %c0_i32_0 = arith.constant 0 : i32
    return %arg0, %c0_i32 : i32, i32
  }
  func.func @transform_1(%arg0: i32) -> (i32, i32) {
    %c0_i32 = arith.constant 0 : i32
    %c0_i32_0 = arith.constant 0 : i32
    return %arg0, %c0_i32 : i32, i32
  }
  func.func @transform_2(%arg0: i32) -> (i32, i32) {
    %c0_i32 = arith.constant 0 : i32
    %c0_i32_0 = arith.constant 0 : i32
    return %arg0, %c0_i32 : i32, i32
  }
  func.func @transform_3(%arg0: i32) -> (i32, i32) {
    %c0_i32 = arith.constant 0 : i32
    %c0_i32_0 = arith.constant 0 : i32
    %c0_i32_1 = arith.constant 0 : i32
    return %c0_i32, %c0_i32_0 : i32, i32
  }
  func.func @transform_4(%arg0: i32) -> (i32, i32) {
    %c0_i32 = arith.constant 0 : i32
    %c0_i32_0 = arith.constant 0 : i32
    %c0_i32_1 = arith.constant 0 : i32
    return %c0_i32, %c0_i32_0 : i32, i32
  }
  func.func @transform_5(%arg0: i32) -> (i32, i32) {
    %c0_i32 = arith.constant 0 : i32
    %c0_i32_0 = arith.constant 0 : i32
    %c0_i32_1 = arith.constant 0 : i32
    return %c0_i32, %c0_i32_0 : i32, i32
  }
  func.func @transform_6(%arg0: i32) -> (i32, i32) {
    %c0_i32 = arith.constant 0 : i32
    %c0_i32_0 = arith.constant 0 : i32
    %c0_i32_1 = arith.constant 0 : i32
    return %c0_i32, %c0_i32_0 : i32, i32
  }
  func.func @transform_7(%arg0: i32) -> (i32, i32) {
    %c0_i32 = arith.constant 0 : i32
    %c0_i32_0 = arith.constant 0 : i32
    %c0_i32_1 = arith.constant 0 : i32
    return %c0_i32, %c0_i32_0 : i32, i32
  }
  func.func @transform_8(%arg0: i32) -> (i32, i32) {
    %c0_i32 = arith.constant 0 : i32
    %c0_i32_0 = arith.constant 0 : i32
    %c0_i32_1 = arith.constant 0 : i32
    return %c0_i32, %c0_i32_0 : i32, i32
  }
  func.func @transform_9(%arg0: i32) -> (i32, i32) {
    %c0_i32 = arith.constant 0 : i32
    %c0_i32_0 = arith.constant 0 : i32
    %c0_i32_1 = arith.constant 0 : i32
    return %c0_i32, %c0_i32_0 : i32, i32
  }
}

module attributes {stable_mosaic.version = 14 : i64} {
  func.func @body(%arg0: i32, %arg1: memref<4096x16xbf16, #tpu.memory_space<vmem>>, %arg2: memref<4096x32xbf16, #tpu.memory_space<vmem>>, %arg3: memref<4096x8xi32, #tpu.memory_space<vmem>>, %arg4: memref<16x64xbf16, #tpu.memory_space<vmem>>, %arg5: memref<1x64xf32, #tpu.memory_space<vmem>>, %arg6: memref<64x512xbf16, #tpu.memory_space<vmem>>, %arg7: memref<1x512xf32, #tpu.memory_space<vmem>>, %arg8: memref<32x512xbf16, #tpu.memory_space<vmem>>, %arg9: memref<512x16xbf16, #tpu.memory_space<vmem>>, %arg10: memref<64x16xf32, #tpu.memory_space<vmem>>) attributes {dimension_semantics = [#tpu.dimension_semantics<arbitrary>], iteration_bounds = array<i64: 10>, scalar_prefetch = 0 : i64, scratch_operands = 0 : i64, tpu.core_type = #tpu.core_type<tc>, window_params = [{transform_indices = @transform_0, window_bounds = array<i64: 4096, 16>}, {transform_indices = @transform_1, window_bounds = array<i64: 4096, 32>}, {transform_indices = @transform_2, window_bounds = array<i64: 4096, 8>}, {pipeline_mode = #tpu.pipeline_mode<synchronous>, transform_indices = @transform_3, window_bounds = array<i64: 16, 64>}, {pipeline_mode = #tpu.pipeline_mode<synchronous>, transform_indices = @transform_4, window_bounds = array<i64: 1, 64>}, {pipeline_mode = #tpu.pipeline_mode<synchronous>, transform_indices = @transform_5, window_bounds = array<i64: 64, 512>}, {pipeline_mode = #tpu.pipeline_mode<synchronous>, transform_indices = @transform_6, window_bounds = array<i64: 1, 512>}, {pipeline_mode = #tpu.pipeline_mode<synchronous>, transform_indices = @transform_7, window_bounds = array<i64: 32, 512>}, {pipeline_mode = #tpu.pipeline_mode<synchronous>, transform_indices = @transform_8, window_bounds = array<i64: 512, 16>}, {pipeline_mode = #tpu.pipeline_mode<synchronous>, transform_indices = @transform_9, window_bounds = array<i64: 64, 16>}]} {
    %eq3A = arith.constant 0 : i32
    %eq3A_0 = arith.cmpi eq, %arg0, %eq3A : i32
    %convert_element_type3A = arith.extui %eq3A_0 : i1 to i32
    %cond3A = arith.constant 0 : i32
    %cond3A_1 = arith.cmpi ne, %convert_element_type3A, %cond3A : i32
    scf.if %cond3A_1 {
      %broadcast_in_dim3A = arith.constant 0.000000e+00 : f32
      %broadcast_in_dim3A_65 = vector.broadcast %broadcast_in_dim3A : f32 to vector<64x16xf32>
      %swap3A_66 = arith.constant 0 : index
      %swap3A_67 = arith.constant 0 : index
      %swap3A_68 = vector.load %arg10[%swap3A_66, %swap3A_67] : memref<64x16xf32, #tpu.memory_space<vmem>>, vector<64x16xf32>
      tpu.vector_store %arg10[%swap3A_66, %swap3A_67], %broadcast_in_dim3A_65 {strides = array<i32>} : memref<64x16xf32, #tpu.memory_space<vmem>>, vector<64x16xf32>,
    } else {
    }
    %get3A = arith.constant 0 : index
    %get3A_2 = arith.constant 0 : index
    %get3A_3 = vector.load %arg1[%get3A, %get3A_2] : memref<4096x16xbf16, #tpu.memory_space<vmem>>, vector<4096x16xbf16>
    %get3A_4 = arith.constant 0 : index
    %get3A_5 = arith.constant 0 : index
    %get3A_6 = vector.load %arg4[%get3A_4, %get3A_5] : memref<16x64xbf16, #tpu.memory_space<vmem>>, vector<16x64xbf16>
    %dot_general3A = arith.constant dense<0.000000e+00> : vector<4096x64xf32>
    %dot_general3A_7 = tpu.matmul %get3A_3, %get3A_6, %dot_general3A {dimension_numbers = #tpu.dot_dimension_numbers<[1], [0], [0], [1], [0, 0, 1, 1], [], []>, transpose_lhs_hint = false} : vector<4096x16xbf16>, vector<16x64xbf16>, vector<4096x64xf32> -> vector<4096x64xf32>
    %get3A_8 = arith.constant 0 : index
    %get3A_9 = arith.constant 0 : index
    %get3A_10 = vector.load %arg5[%get3A_8, %get3A_9] : memref<1x64xf32, #tpu.memory_space<vmem>>, vector<1x64xf32>
    %add3A = vector.broadcast %get3A_10 : vector<1x64xf32> to vector<4096x64xf32>
    %add3A_11 = arith.addf %dot_general3A_7, %add3A : vector<4096x64xf32>
    %max3A = arith.constant 0.000000e+00 : f32
    %max3A_12 = vector.broadcast %max3A : f32 to vector<4096x64xf32>
    %max3A_13 = arith.maximumf %add3A_11, %max3A_12 : vector<4096x64xf32>
    %convert_element_type3A_14 = arith.truncf %max3A_13 : vector<4096x64xf32> to vector<4096x64xbf16>
    %get3A_15 = arith.constant 0 : index
    %get3A_16 = arith.constant 0 : index
    %get3A_17 = vector.load %arg6[%get3A_15, %get3A_16] : memref<64x512xbf16, #tpu.memory_space<vmem>>, vector<64x512xbf16>
    %dot_general3A_18 = arith.constant dense<0.000000e+00> : vector<4096x512xf32>
    %dot_general3A_19 = tpu.matmul %convert_element_type3A_14, %get3A_17, %dot_general3A_18 {dimension_numbers = #tpu.dot_dimension_numbers<[1], [0], [0], [1], [0, 0, 1, 1], [], []>, transpose_lhs_hint = false} : vector<4096x64xbf16>, vector<64x512xbf16>, vector<4096x512xf32> -> vector<4096x512xf32>
    %get3A_20 = arith.constant 0 : index
    %get3A_21 = arith.constant 0 : index
    %get3A_22 = vector.load %arg7[%get3A_20, %get3A_21] : memref<1x512xf32, #tpu.memory_space<vmem>>, vector<1x512xf32>
    %add3A_23 = vector.broadcast %get3A_22 : vector<1x512xf32> to vector<4096x512xf32>
    %add3A_24 = arith.addf %dot_general3A_19, %add3A_23 : vector<4096x512xf32>
    %get3A_25 = arith.constant 0 : index
    %get3A_26 = arith.constant 0 : index
    %get3A_27 = vector.load %arg2[%get3A_25, %get3A_26] : memref<4096x32xbf16, #tpu.memory_space<vmem>>, vector<4096x32xbf16>
    %get3A_28 = arith.constant 0 : index
    %get3A_29 = arith.constant 0 : index
    %get3A_30 = vector.load %arg8[%get3A_28, %get3A_29] : memref<32x512xbf16, #tpu.memory_space<vmem>>, vector<32x512xbf16>
    %dot_general3A_31 = arith.constant dense<0.000000e+00> : vector<4096x512xf32>
    %dot_general3A_32 = tpu.matmul %get3A_27, %get3A_30, %dot_general3A_31 {dimension_numbers = #tpu.dot_dimension_numbers<[1], [0], [0], [1], [0, 0, 1, 1], [], []>, transpose_lhs_hint = false} : vector<4096x32xbf16>, vector<32x512xbf16>, vector<4096x512xf32> -> vector<4096x512xf32>
    %mul3A = arith.mulf %dot_general3A_32, %add3A_24 : vector<4096x512xf32>
    %convert_element_type3A_33 = arith.truncf %mul3A : vector<4096x512xf32> to vector<4096x512xbf16>
    %get3A_34 = arith.constant 0 : index
    %get3A_35 = arith.constant 0 : index
    %get3A_36 = vector.load %arg9[%get3A_34, %get3A_35] : memref<512x16xbf16, #tpu.memory_space<vmem>>, vector<512x16xbf16>
    %dot_general3A_37 = arith.constant dense<0.000000e+00> : vector<4096x16xf32>
    %dot_general3A_38 = tpu.matmul %convert_element_type3A_33, %get3A_36, %dot_general3A_37 {dimension_numbers = #tpu.dot_dimension_numbers<[1], [0], [0], [1], [0, 0, 1, 1], [], []>, transpose_lhs_hint = false} : vector<4096x512xbf16>, vector<512x16xbf16>, vector<4096x16xf32> -> vector<4096x16xf32>
    %get3A_39 = arith.constant 0 : index
    %get3A_40 = arith.constant 0 : index
    %get3A_41 = vector.load %arg3[%get3A_39, %get3A_40] : memref<4096x8xi32, #tpu.memory_space<vmem>>, vector<4096x1xi32>
    %iota3A = tpu.iota {dimensions = array<i32: 1>} : vector<1x64xi32>
    %eq3A_42 = vector.broadcast %get3A_41 : vector<4096x1xi32> to vector<4096x64xi32>
    %eq3A_43 = vector.broadcast %iota3A : vector<1x64xi32> to vector<4096x64xi32>
    %eq3A_44 = arith.cmpi eq, %eq3A_42, %eq3A_43 : vector<4096x64xi32>
    %mul3A_45 = arith.constant 4096 : i32
    %mul3A_46 = arith.muli %arg0, %mul3A_45 : i32
    %iota3A_47 = tpu.iota {dimensions = array<i32: 0>} : vector<4096x1xi32>
    %add3A_48 = vector.broadcast %mul3A_46 : i32 to vector<4096x1xi32>
    %add3A_49 = arith.addi %add3A_48, %iota3A_47 : vector<4096x1xi32>
    %lt3A = arith.constant 37120 : i32
    %lt3A_50 = vector.broadcast %lt3A : i32 to vector<4096x1xi32>
    %lt3A_51 = arith.cmpi slt, %add3A_49, %lt3A_50 : vector<4096x1xi32>
    %and3A = vector.broadcast %lt3A_51 : vector<4096x1xi1> to vector<4096x64xi1>
    %and3A_52 = arith.andi %eq3A_44, %and3A : vector<4096x64xi1>
    %convert_element_type3A_53 = arith.extui %and3A_52 : vector<4096x64xi1> to vector<4096x64xi32>
    %convert_element_type3A_54 = arith.sitofp %convert_element_type3A_53 : vector<4096x64xi32> to vector<4096x64xf32>
    %convert_element_type3A_55 = arith.truncf %convert_element_type3A_54 : vector<4096x64xf32> to vector<4096x64xbf16>
    %get3A_56 = arith.constant 0 : index
    %get3A_57 = arith.constant 0 : index
    %get3A_58 = vector.load %arg10[%get3A_56, %get3A_57] : memref<64x16xf32, #tpu.memory_space<vmem>>, vector<64x16xf32>
    %convert_element_type3A_59 = arith.truncf %dot_general3A_38 : vector<4096x16xf32> to vector<4096x16xbf16>
    %dot_general3A_60 = arith.constant dense<0.000000e+00> : vector<64x16xf32>
    %dot_general3A_61 = tpu.matmul %convert_element_type3A_55, %convert_element_type3A_59, %dot_general3A_60 {dimension_numbers = #tpu.dot_dimension_numbers<[0], [0], [1], [1], [0, 1, 1, 1], [], []>, transpose_lhs_hint = false} : vector<4096x64xbf16>, vector<4096x16xbf16>, vector<64x16xf32> -> vector<64x16xf32>
    %add3A_62 = arith.addf %get3A_58, %dot_general3A_61 : vector<64x16xf32>
    %swap3A = arith.constant 0 : index
    %swap3A_63 = arith.constant 0 : index
    %swap3A_64 = vector.load %arg10[%swap3A, %swap3A_63] : memref<64x16xf32, #tpu.memory_space<vmem>>, vector<64x16xf32>
    tpu.vector_store %arg10[%swap3A, %swap3A_63], %add3A_62 {strides = array<i32>} : memref<64x16xf32, #tpu.memory_space<vmem>>, vector<64x16xf32>,
    return
  }
  func.func @transform_0(%arg0: i32) -> (i32, i32) {
    %c0_i32 = arith.constant 0 : i32
    %c0_i32_0 = arith.constant 0 : i32
    return %arg0, %c0_i32 : i32, i32
  }
  func.func @transform_1(%arg0: i32) -> (i32, i32) {
    %c0_i32 = arith.constant 0 : i32
    %c0_i32_0 = arith.constant 0 : i32
    return %arg0, %c0_i32 : i32, i32
  }
  func.func @transform_2(%arg0: i32) -> (i32, i32) {
    %c0_i32 = arith.constant 0 : i32
    %c0_i32_0 = arith.constant 0 : i32
    return %arg0, %c0_i32 : i32, i32
  }
  func.func @transform_3(%arg0: i32) -> (i32, i32) {
    %c0_i32 = arith.constant 0 : i32
    %c0_i32_0 = arith.constant 0 : i32
    %c0_i32_1 = arith.constant 0 : i32
    return %c0_i32, %c0_i32_0 : i32, i32
  }
  func.func @transform_4(%arg0: i32) -> (i32, i32) {
    %c0_i32 = arith.constant 0 : i32
    %c0_i32_0 = arith.constant 0 : i32
    %c0_i32_1 = arith.constant 0 : i32
    return %c0_i32, %c0_i32_0 : i32, i32
  }
  func.func @transform_5(%arg0: i32) -> (i32, i32) {
    %c0_i32 = arith.constant 0 : i32
    %c0_i32_0 = arith.constant 0 : i32
    %c0_i32_1 = arith.constant 0 : i32
    return %c0_i32, %c0_i32_0 : i32, i32
  }
  func.func @transform_6(%arg0: i32) -> (i32, i32) {
    %c0_i32 = arith.constant 0 : i32
    %c0_i32_0 = arith.constant 0 : i32
    %c0_i32_1 = arith.constant 0 : i32
    return %c0_i32, %c0_i32_0 : i32, i32
  }
  func.func @transform_7(%arg0: i32) -> (i32, i32) {
    %c0_i32 = arith.constant 0 : i32
    %c0_i32_0 = arith.constant 0 : i32
    %c0_i32_1 = arith.constant 0 : i32
    return %c0_i32, %c0_i32_0 : i32, i32
  }
  func.func @transform_8(%arg0: i32) -> (i32, i32) {
    %c0_i32 = arith.constant 0 : i32
    %c0_i32_0 = arith.constant 0 : i32
    %c0_i32_1 = arith.constant 0 : i32
    return %c0_i32, %c0_i32_0 : i32, i32
  }
  func.func @transform_9(%arg0: i32) -> (i32, i32) {
    %c0_i32 = arith.constant 0 : i32
    %c0_i32_0 = arith.constant 0 : i32
    %c0_i32_1 = arith.constant 0 : i32
    return %c0_i32, %c0_i32_0 : i32, i32
  }
}

module attributes {stable_mosaic.version = 14 : i64} {
  func.func @_tc_final_body(%arg0: memref<64x16xf32, #tpu.memory_space<vmem>>, %arg1: memref<64x16xf32, #tpu.memory_space<vmem>>, %arg2: memref<64x16xf32, #tpu.memory_space<vmem>>, %arg3: memref<64x16xf32, #tpu.memory_space<vmem>>, %arg4: memref<10000x32xf32, #tpu.memory_space<vmem>>, %arg5: memref<10000x1xi32, #tpu.memory_space<vmem>>, %arg6: memref<32x16xf32, #tpu.memory_space<vmem>>, %arg7: memref<1x16xf32, #tpu.memory_space<vmem>>, %arg8: memref<16x64xf32, #tpu.memory_space<vmem>>, %arg9: memref<1x64xf32, #tpu.memory_space<vmem>>, %arg10: memref<64x8xf32, #tpu.memory_space<vmem>>, %arg11: memref<1x8xf32, #tpu.memory_space<vmem>>, %arg12: memref<64x8xf32, #tpu.memory_space<vmem>>) attributes {dimension_semantics = [], scalar_prefetch = 0 : i64, scratch_operands = 0 : i64, tpu.core_type = #tpu.core_type<tc>} {
    %get3A = arith.constant 0 : index
    %get3A_0 = arith.constant 0 : index
    %get3A_1 = vector.load %arg5[%get3A, %get3A_0] : memref<10000x1xi32, #tpu.memory_space<vmem>>, vector<10000x1xi32>
    %iota3A = tpu.iota {dimensions = array<i32: 1>} : vector<1x64xi32>
    %eq3A = vector.broadcast %get3A_1 : vector<10000x1xi32> to vector<10000x64xi32>
    %eq3A_2 = vector.broadcast %iota3A : vector<1x64xi32> to vector<10000x64xi32>
    %eq3A_3 = arith.cmpi eq, %eq3A, %eq3A_2 : vector<10000x64xi32>
    %convert_element_type3A = arith.extui %eq3A_3 : vector<10000x64xi1> to vector<10000x64xi32>
    %convert_element_type3A_4 = arith.sitofp %convert_element_type3A : vector<10000x64xi32> to vector<10000x64xf32>
    %get3A_5 = arith.constant 0 : index
    %get3A_6 = arith.constant 0 : index
    %get3A_7 = vector.load %arg4[%get3A_5, %get3A_6] : memref<10000x32xf32, #tpu.memory_space<vmem>>, vector<10000x32xf32>
    %dot_general3A = arith.constant dense<0.000000e+00> : vector<64x32xf32>
    %dot_general3A_8 = tpu.matmul %convert_element_type3A_4, %get3A_7, %dot_general3A {dimension_numbers = #tpu.dot_dimension_numbers<[0], [0], [1], [1], [0, 1, 1, 1], [], []>, transpose_lhs_hint = false} : vector<10000x64xf32>, vector<10000x32xf32>, vector<64x32xf32> -> vector<64x32xf32>
    %get3A_9 = arith.constant 0 : index
    %get3A_10 = arith.constant 0 : index
    %get3A_11 = vector.load %arg6[%get3A_9, %get3A_10] : memref<32x16xf32, #tpu.memory_space<vmem>>, vector<32x16xf32>
    %dot_general3A_12 = arith.constant dense<0.000000e+00> : vector<64x16xf32>
    %dot_general3A_13 = tpu.matmul %dot_general3A_8, %get3A_11, %dot_general3A_12 {dimension_numbers = #tpu.dot_dimension_numbers<[1], [0], [0], [1], [0, 0, 1, 1], [], []>, transpose_lhs_hint = false} : vector<64x32xf32>, vector<32x16xf32>, vector<64x16xf32> -> vector<64x16xf32>
    %broadcast_in_dim3A = arith.constant 1.000000e+00 : f32
    %broadcast_in_dim3A_14 = vector.broadcast %broadcast_in_dim3A : f32 to vector<10000x1xf32>
    %dot_general3A_15 = arith.constant dense<0.000000e+00> : vector<64x1xf32>
    %dot_general3A_16 = tpu.matmul %convert_element_type3A_4, %broadcast_in_dim3A_14, %dot_general3A_15 {dimension_numbers = #tpu.dot_dimension_numbers<[0], [0], [1], [1], [0, 1, 1, 1], [], []>, transpose_lhs_hint = false} : vector<10000x64xf32>, vector<10000x1xf32>, vector<64x1xf32> -> vector<64x1xf32>
    %get3A_17 = arith.constant 0 : index
    %get3A_18 = arith.constant 0 : index
    %get3A_19 = vector.load %arg7[%get3A_17, %get3A_18] : memref<1x16xf32, #tpu.memory_space<vmem>>, vector<1x16xf32>
    %mul3A = vector.broadcast %dot_general3A_16 : vector<64x1xf32> to vector<64x16xf32>
    %mul3A_20 = vector.broadcast %get3A_19 : vector<1x16xf32> to vector<64x16xf32>
    %mul3A_21 = arith.mulf %mul3A, %mul3A_20 : vector<64x16xf32>
    %add3A = arith.addf %dot_general3A_13, %mul3A_21 : vector<64x16xf32>
    %get3A_22 = arith.constant 0 : index
    %get3A_23 = arith.constant 0 : index
    %get3A_24 = vector.load %arg0[%get3A_22, %get3A_23] : memref<64x16xf32, #tpu.memory_space<vmem>>, vector<64x16xf32>
    %add3A_25 = arith.addf %add3A, %get3A_24 : vector<64x16xf32>
    %get3A_26 = arith.constant 0 : index
    %get3A_27 = arith.constant 0 : index
    %get3A_28 = vector.load %arg1[%get3A_26, %get3A_27] : memref<64x16xf32, #tpu.memory_space<vmem>>, vector<64x16xf32>
    %add3A_29 = arith.addf %add3A_25, %get3A_28 : vector<64x16xf32>
    %get3A_30 = arith.constant 0 : index
    %get3A_31 = arith.constant 0 : index
    %get3A_32 = vector.load %arg2[%get3A_30, %get3A_31] : memref<64x16xf32, #tpu.memory_space<vmem>>, vector<64x16xf32>
    %add3A_33 = arith.addf %add3A_29, %get3A_32 : vector<64x16xf32>
    %get3A_34 = arith.constant 0 : index
    %get3A_35 = arith.constant 0 : index
    %get3A_36 = vector.load %arg3[%get3A_34, %get3A_35] : memref<64x16xf32, #tpu.memory_space<vmem>>, vector<64x16xf32>
    %add3A_37 = arith.addf %add3A_33, %get3A_36 : vector<64x16xf32>
    %get3A_38 = arith.constant 0 : index
    %get3A_39 = arith.constant 0 : index
    %get3A_40 = vector.load %arg8[%get3A_38, %get3A_39] : memref<16x64xf32, #tpu.memory_space<vmem>>, vector<16x64xf32>
    %dot_general3A_41 = arith.constant dense<0.000000e+00> : vector<64x64xf32>
    %dot_general3A_42 = tpu.matmul %add3A_37, %get3A_40, %dot_general3A_41 {dimension_numbers = #tpu.dot_dimension_numbers<[1], [0], [0], [1], [0, 0, 1, 1], [], []>, transpose_lhs_hint = false} : vector<64x16xf32>, vector<16x64xf32>, vector<64x64xf32> -> vector<64x64xf32>
    %get3A_43 = arith.constant 0 : index
    %get3A_44 = arith.constant 0 : index
    %get3A_45 = vector.load %arg9[%get3A_43, %get3A_44] : memref<1x64xf32, #tpu.memory_space<vmem>>, vector<1x64xf32>
    %add3A_46 = vector.broadcast %get3A_45 : vector<1x64xf32> to vector<64x64xf32>
    %add3A_47 = arith.addf %dot_general3A_42, %add3A_46 : vector<64x64xf32>
    %max3A = arith.constant 0.000000e+00 : f32
    %max3A_48 = vector.broadcast %max3A : f32 to vector<64x64xf32>
    %max3A_49 = arith.maximumf %add3A_47, %max3A_48 : vector<64x64xf32>
    %get3A_50 = arith.constant 0 : index
    %get3A_51 = arith.constant 0 : index
    %get3A_52 = vector.load %arg10[%get3A_50, %get3A_51] : memref<64x8xf32, #tpu.memory_space<vmem>>, vector<64x8xf32>
    %dot_general3A_53 = arith.constant dense<0.000000e+00> : vector<64x8xf32>
    %dot_general3A_54 = tpu.matmul %max3A_49, %get3A_52, %dot_general3A_53 {dimension_numbers = #tpu.dot_dimension_numbers<[1], [0], [0], [1], [0, 0, 1, 1], [], []>, transpose_lhs_hint = false} : vector<64x64xf32>, vector<64x8xf32>, vector<64x8xf32> -> vector<64x8xf32>
    %get3A_55 = arith.constant 0 : index
    %get3A_56 = arith.constant 0 : index
    %get3A_57 = vector.load %arg11[%get3A_55, %get3A_56] : memref<1x8xf32, #tpu.memory_space<vmem>>, vector<1x8xf32>
    %add3A_58 = vector.broadcast %get3A_57 : vector<1x8xf32> to vector<64x8xf32>
    %add3A_59 = arith.addf %dot_general3A_54, %add3A_58 : vector<64x8xf32>
    %swap3A = arith.constant 0 : index
    %swap3A_60 = arith.constant 0 : index
    %swap3A_61 = vector.load %arg12[%swap3A, %swap3A_60] : memref<64x8xf32, #tpu.memory_space<vmem>>, vector<64x8xf32>
    tpu.vector_store %arg12[%swap3A, %swap3A_60], %add3A_59 {strides = array<i32>} : memref<64x8xf32, #tpu.memory_space<vmem>>, vector<64x8xf32>,
    return
  }
}

</mosaic_0001>

<sc_bundles>
// kernel: kernel.11.cloned.1.call-start
scs
__scs_entry_jumppad:
0x0: {  	(pc) =	sbr.rel $0x88, $3  }
0x1: {  	(tag) =	ssettag $0x0;
	lr =	simm.s32 $0x1  }
0x2: {  	[smem:$0x3F93] =	sst lr;
	_ =	strace $0xD0000000  }
0x3: {  	_ = 	snop  }
0x4: {  	_ = 	snop  }
0x5: {  	_ = 	snop  }
0x6: {  	_ = 	snop  }
0x7: {  	_ = 	snop  }
__scs_overlays_trampoline_lowered:
0x8: {  	[smem:$0x3FA2] =	sst s0  }
0x9: {  	[smem:$0x3FA3] =	sst s1  }
0xa: {  	[smem:$0x3FA4] =	sst s2  }
0xb: {  	[smem:$0x3FA5] =	sst s3  }
0xc: {  	[smem:$0x3FA6] =	sst s4  }
0xd: {  	[smem:$0x3FA7] =	sst s5  }
0xe: {  	[smem:$0x3FA8] =	sst s6  }
0xf: {  	[smem:$0x3FA9] =	sst s7  }
0x10: {  	[smem:$0x3FAA] =	sst s8  }
0x11: {  	[smem:$0x3FAB] =	sst s9;
	s0 =	simm.s32 @!p0 $0x0  }
0x12: {  	s1 =	sld [smem:$0x3F91];
	s0 =	simm.s32 @p0 $0x1  }
0x13: {  	[smem:$0x3FAC] =	sst s0;
	s0 =	simm.s32 @!p1 $0x0  }
0x14: {  	s2 =	sld [smem:$0x3F90];
	s0 =	simm.s32 @p1 $0x1  }
0x15: {  	[smem:$0x3FAD] =	sst s0;
	s0 =	simm.s32 @!p2 $0x0  }
0x16: {  	s3 =	sld [smem:$0x3FDB];
	s0 =	simm.s32 @p2 $0x1  }
0x17: {  	s4 =	simm.s32 $0x1BF5;
	[smem:$0x3FAF] =	sst s0  }
0x18: {  	s0 =	sld [smem:$0x3F92];
	_ =	swait.ge [sflag:s4], $0x0  }
0x19: {  	s7 =	sld [smem:$0x3F93]  }
0x1a: {  	s8 =	sadd.s32 $0xFFFFE003, lr  }
0x1b: {  	s9 =	sadd.s32 $0xFFFFFEF7, lr;
	s5 =	simm.s32 $0xFFFFFFFF;
	p2 =	slt.u32 s8, $0xFFFFF086  }
0x1c: {  	p1 =	slt.u32 s9, $0xF7A;
	s5 =	simm.s32 @!p2 $0x0  }
0x1d: {  	s5 =	simm.s32 @p1 $0x1;
	p0 =	seq.s32 s7, s2  }
0x1e: {  	s7 =	smul.u32 @!p0 $0xF7A, s2;
	p2 =	seq.s32 @!p0 s5, $0x0  }
0x1f: {  	s9 =	smul.u32 $0xF7A, s1;
	s8 =	simm.s32 @!p0 $0x1BF5;
	p2 =	por !p2, p0  }
0x20: {  	[sflag:s8] =	ssyncset.s32 @!p0 $0xFFFFF086;
	s6 =	sadd.s32 @!p0 s3, s7;
	s7 =	simm.s32 @!p0 $0x108  }
0x21: {  	s3 =	sadd.s32 s3, s9;
	s6 =	sadd.s32 @!p0 $0x88, s6;
	s7 =	simm.s32 @p2 $0x1082  }
0x22: {  	[simem:s7], [sflag:s8] =	dma.local @!p0 [hbm:s6], $0xF7A  }
0x23: {  	s9 =	sor.u32 $0xD0000000, s2;
	s6 =	simm.s32 $0x108;
	_ =	swait.ge @!p0 [sflag:s8], $0x0  }
0x24: {  	s3 =	sadd.s32 $0x88, s3;
	s6 =	simm.s32 @!p1 $0x1082;
	[sflag:s4] =	ssyncset.s32 $0xFFFFF086  }
0x25: {  	[simem:s6], [sflag:s4] =	dma.local [hbm:s3], $0xF7A  }
0x26: {  	[smem:$0x3F93] =	sst s1;
	(tag) =	ssettag s2;
	_ =	strace s9  }
0x27: {  	s1 =	sld [smem:$0x3FA3]  }
0x28: {  	s2 =	sld [smem:$0x3FA4]  }
0x29: {  	s4 =	sld [smem:$0x3FA6]  }
0x2a: {  	p0 =	seq.s32 s5, $0x0;
	s5 =	sld [smem:$0x3FA7]  }
0x2b: {  	s6 =	sld [smem:$0x3FA8]  }
0x2c: {  	s7 =	sld [smem:$0x3FA9]  }
0x2d: {  	s3 =	simm.s32 $0x108;
	s8 =	sld [smem:$0x3FAA]  }
0x2e: {  	s3 =	simm.s32 @!p0 $0x1082;
	s9 =	sld [smem:$0x3FAB]  }
0x2f: {  	lr =	sadd.s32 s0, s3;
	s0 =	sld [smem:$0x3FA2]  }
0x30: {  	s3 =	sld [smem:$0x3FA5]  }
0x31: {  	[smem:$0x3FAE] =	sst s10  }
0x32: {  	s10 =	sld [smem:$0x3FAC];
	_ =	sdelay $0x3  }
0x33: {  	p0 =	seq.s32 s10, $0x1;
	s10 =	sld [smem:$0x3FAE];
	_ =	sdelay $0x3  }
0x34: {  	[smem:$0x3FAE] =	sst s10  }
0x35: {  	s10 =	sld [smem:$0x3FAD];
	_ =	sdelay $0x3  }
0x36: {  	p1 =	seq.s32 s10, $0x1;
	s10 =	sld [smem:$0x3FAE];
	_ =	sdelay $0x3  }
0x37: {  	[smem:$0x3FAE] =	sst s10  }
0x38: {  	s10 =	sld [smem:$0x3FAF]  }
0x39: {  	_ = 	snop;
	(pc) =	sbr.ind lr, $3  }
0x3a: {  	_ = 	snop  }
0x3b: {  	_ = 	snop  }
0x3c: {  	p2 =	seq.s32 s10, $0x1;
	s10 =	sld [smem:$0x3FAE]  }
0x3d: {  	_ =	shalt  }
0x3e: {  	_ =	shalt  }
0x3f: {  	_ =	shalt  }
0x40: {  	_ =	shalt  }
0x41: {  	_ =	shalt  }
0x42: {  	_ =	shalt  }
0x43: {  	_ =	shalt  }
0x44: {  	_ =	shalt  }
0x45: {  	_ =	shalt  }
0x46: {  	_ =	shalt  }
0x47: {  	_ =	shalt  }
0x48: {  	_ =	shalt  }
0x49: {  	_ =	shalt  }
0x4a: {  	_ =	shalt  }
0x4b: {  	_ =	shalt  }
0x4c: {  	_ =	shalt  }
0x4d: {  	_ =	shalt  }
0x4e: {  	_ =	shalt  }
0x4f: {  	_ =	shalt  }
0x50: {  	_ =	shalt  }
0x51: {  	_ =	shalt  }
0x52: {  	_ =	shalt  }
0x53: {  	_ =	shalt  }
0x54: {  	_ =	shalt  }
0x55: {  	_ =	shalt  }
0x56: {  	_ =	shalt  }
0x57: {  	_ =	shalt  }
0x58: {  	_ =	shalt  }
0x59: {  	_ =	shalt  }
0x5a: {  	_ =	shalt  }
0x5b: {  	_ =	shalt  }
0x5c: {  	_ =	shalt  }
0x5d: {  	_ =	shalt  }
0x5e: {  	_ =	shalt  }
0x5f: {  	_ =	shalt  }
0x60: {  	_ =	shalt  }
0x61: {  	_ =	shalt  }
0x62: {  	_ =	shalt  }
0x63: {  	_ =	shalt  }
0x64: {  	_ =	shalt  }
0x65: {  	_ =	shalt  }
0x66: {  	_ =	shalt  }
0x67: {  	_ =	shalt  }
0x68: {  	_ =	shalt  }
0x69: {  	_ =	shalt  }
0x6a: {  	_ =	shalt  }
0x6b: {  	_ =	shalt  }
0x6c: {  	_ =	shalt  }
0x6d: {  	_ =	shalt  }
0x6e: {  	_ =	shalt  }
0x6f: {  	_ =	shalt  }
0x70: {  	_ =	shalt  }
0x71: {  	_ =	shalt  }
0x72: {  	_ =	shalt  }
0x73: {  	_ =	shalt  }
0x74: {  	_ =	shalt  }
0x75: {  	_ =	shalt  }
0x76: {  	_ =	shalt  }
0x77: {  	_ =	shalt  }
0x78: {  	_ =	shalt  }
0x79: {  	_ =	shalt  }
0x7a: {  	_ =	shalt  }
0x7b: {  	_ =	shalt  }
0x7c: {  	_ =	shalt  }
0x7d: {  	_ =	shalt  }
0x7e: {  	_ =	shalt  }
0x7f: {  	_ =	shalt  }
0x80: {  	_ =	shalt  }
0x81: {  	_ =	shalt  }
0x82: {  	_ =	shalt  }
0x83: {  	_ =	shalt  }
0x84: {  	_ =	shalt  }
0x85: {  	_ =	shalt  }
0x86: {  	_ =	shalt  }
0x87: {  	_ =	shalt  }
.Lfunc_end0:
.L_simem_size_0:
called_computation_lowered:
.L_overlay_start_0:
0x88: {  	s2 =	sld [smem:$0x3FD9]  }
0x89: {  	s3 =	sld [smem:$0x3FFE];
	_ =	sdelay $0x1  }
0x8a: {  	s1 =	srdreg.scid  }
0x8b: {  	s0 =	sand.u32 $0x1, s1  }
0x8c: {  	s16 =	sshll.u32 s0, $0xA;
	s2 =	sadd.s32 s3, s2  }
0x8d: {  	s2 =	sadd.s32 s2, s16  }
0x8e: {  	[smem:$0x3FBA] =	sst s2  }
0x8f: {  	_ = 	snop  }
0x90: {  	(tm) =	ssettm $0x1  }
0x91: {  	s17 =	sld [smem:$0x3FFB];
	_ =	sdelay $0x3  }
0x92: {  	_ =	strace s17  }
0x93: {  	s2 =	sld [smem:$0x3FFC];
	_ =	sdelay $0x3  }
0x94: {  	_ =	strace s2  }
0x95: {  	s2 =	sld [smem:$0x3FFD];
	_ =	sdelay $0x3  }
0x96: {  	_ =	strace s2  }
0x97: {  	_ =	strace $0x8FFFFFFF  }
0x98: {  	s18 =	sld [smem:$0x3FDB];
	_ =	sdelay $0x1  }
0x99: {  	s19 =	simm.s32 $_scs_section_size  }
0x9a: {  	s4 =	simm.s32 $_size__tile_overlayer_lowered;
	s5 =	simm.s32 $_tile_overlayer_lowered  }
0x9b: {  	s22 =	simm.s32 $0x1BFF;
	s21 =	sshll.u32 s5, $0x1;
	s2 =	sadd.s32 s19, s18  }
0x9c: {  	s6 =	simm.s32 $0x0;
	s20 =	sshll.u32 s4, $0x1;
	s4 =	sadd.s32 s21, s2  }
0x9d: {  	[timem:s6], [sflag:s22] =	dma.local [hbm:s4], s20  }
0x9e: {  	_ =	swait.ge [sflag:s22], s20  }
0x9f: {  	s3 =	ssub.s32 $0x0, s20;
	[sflag:s22] =	ssyncset.done $0x0  }
0xa0: {  	[sflag:s22] =	ssyncadd.s32 s3;
	_ =	sdelay $0x1  }
0xa1: {  	s23 =	simm.s32 $0x1B8B  }
0xa2: {  	_ =	swait.ge [sflag:s23], $0x1  }
0xa3: {  	[sflag:s23] =	ssyncset.done $0x0  }
0xa4: {  	s25 =	simm.s32 $0x1B8E;
	s24 =	sld [smem:$0x3FFE];
	[sflag:s23] =	ssyncadd.s32 $0xFFFFFFFF  }
0xa5: {  	s26 =	simm.s32 $execute0_lowered;
	[smem:$0x3FD2] =	sst s25  }
0xa6: {  	s4 =	sshll.u32 s26, $0x1;
	_ =	strace $0x80000046;
	[dreg:$0x1] =	wrdreg $0xFFFFFFFF  }
0xa7: {  	s28 =	simm.s32 $_size_execute0_lowered;
	s2 =	sadd.s32 s2, s4;
	[dreg:$0x0] =	wrdreg $0x0  }
0xa8: {  	s4 =	sshll.u32 s28, $0x1;
	[dreg:$0x2] =	wrdreg s2  }
0xa9: {  	[dreg:$0x3] =	wrdreg s4  }
0xaa: {  	[dreg:$0x4] =	wrdreg $0xC0  }
0xab: {  	_ =	task [dreg:s6], $0x5FFFF  }
0xac: {  	[dreg:$0x1] =	wrdreg $0xFFFFFFFF  }
0xad: {  	[dreg:$0x0] =	wrdreg $0x60  }
0xae: {  	[dreg:$0x2] =	wrdreg s24  }
0xaf: {  	[dreg:$0x3] =	wrdreg $0x9  }
0xb0: {  	_ =	task.clear_ibuf [dreg:s6], $0x4FFFF;
	_ =	strace $0x90000046  }
0xb1: {  	s29 =	simm.s32 $0x9;
	_ =	strace $0x80000048  }
0xb2: {  	_ =	swait.ge [sflag:s29], $0x1  }
0xb3: {  	[sflag:s29] =	ssyncadd.s32 $0xFFFFFFFF  }
0xb4: {  	_ =	strace $0x90000048  }
0xb5: {  	_ =	sfence  }
0xb6: {  	s30 =	sld [smem:$0x0];
	_ =	sdelay $0x2  }
0xb7: {  	s31 =	sshll.u32 s1, $0xD;
	s1 =	sshrl.u32 s1, $0x2  }
0xb8: {  	s3 =	sand.u32 $0x4000, s31;
	s1 =	sadd.s32 s1, s30  }
0xb9: {  	s0 =	sor.u32 s3, s0;
	s1 =	sshll.u32 s1, $0x11  }
0xba: {  	s0 =	sor.u32 s1, s0  }
0xbb: {  	s0 =	sadd.s32 $0x8F2B, s0  }
0xbc: {  	[sflag:s0] =	ssyncadd.remote.s32 $0x1  }
0xbd: {  	_ =	sfence.sel $0xFFFF  }
0xbe: {  	[dreg:$0x0] =	wrdreg $0xFFFFFFFF;
	(pc) =	sbr.abs _section_cstart, $3  }
0xbf: {  	[dreg:$0x1] =	wrdreg $0xFFFFFFFF  }
0xc0: {  	_ =	task.clear_ibuf [dreg:s6], $0x2FFFF;
	_ =	strace $0x9FFFFFFF  }
0xc1: {  	(tm) =	ssettm $0x7FFFFFFF  }
tec
execute0_lowered:
.L_overlay_start_1:
0x0: {  	(tag) =	ssettag $0x1  }
0x1: {  	s5 =	rddreg [dreg:$0x0]  }
0x2: {  	s0 =	rddreg [dreg:$0x1];
	s2 =	simm.s32 $0x0;
	s1 =	stileid.u32  }
0x3: {  	s6 =	srdreg.scid;
	s16 =	simm.s32 $0x100;
	s17 =	simm.s32 $0xA00  }
0x4: {  	s18 =	simm.s32 $0x180;
	s19 =	simm.s32 $0x1600;
	s7 =	smul.u32 $0xA00, s1  }
0x5: {  	s20 =	simm.s32 $0x1;
	s21 =	simm.s32 $0x2;
	s25 =	smul.u32 $0x14, s1  }
0x6: {  	s22 =	simm.s32 $0x0;
	[smem:$0x7FF] =	sst s2;
	s28 =	smul.u32 $0x1400, s1  }
0x7: {  	s3 =	sadd.s32 $0x2D400, s5;
	s9 =	sand.u32 $0x1, s6;
	s30 =	smul.u32 $0x280, s1  }
0x8: {  	s4 =	sadd.s32 $0x32400, s5;
	s11 =	sadd.s32 $0x34C00, s5;
	s12 =	smul.u32 $0xA, s9  }
0x9: {  	s10 =	sadd.s32 $0x37400, s5;
	s13 =	sadd.s32 $0x4B400, s5;
	s14 =	smul.u32 $0x500, s9  }
0xa: {  	_ =	strace $0x80000047;
	s8 =	ssub.s32 $0x2, s9;
	s15 =	smul.u32 $0xA00, s9  }
0xb: {  	s31 =	smul.u32 $0x140, s9;
	s26 =	sshrl.u32 s8, $0x1;
	s7 =	sadd.s32 s7, s13  }
0xc: {  	s5 =	ssub.s32 s8, s26;
	s12 =	sadd.s32 s12, s25;
	s8 =	sadd.s32 s28, s10  }
0xd: {  	s5 =	smax.u32 s5, $0x1;
	s6 =	sshll.u32 s12, $0x7;
	s29 =	sshll.u32 s12, $0x8  }
0xe: {  	s12 =	sshll.u32 s12, $0x5;
	s13 =	sadd.s32 s6, s13;
	s6 =	sadd.s32 s14, s7  }
0xf: {  	s7 =	sadd.s32 s15, s8;
	s10 =	sadd.s32 s29, s10;
	s12 =	sadd.s32 s12, s11  }
0x10: {  	s11 =	sadd.s32 s30, s11;
	s14 =	simm.s32 $0x200;
	s15 =	simm.s32 $0x1200  }
0x11: {  	s8 =	sadd.s32 $0x80, s13;
	s9 =	sadd.s32 $0x100, s10;
	s10 =	sadd.s32 $0x20, s12  }
0x12: {  	s11 =	sadd.s32 s31, s11;
	s12 =	simm.s32 $0x3;
	s13 =	simm.s32 $0x80  }
.LBB2_1:
0x13: {  	[tilespmem:s2], [sflag:$0x3] =	stream.linear.gather [hbm4b:s11+s2], $0x100, $0x38;
	[tilespmem:$0x1A00] =	vst v63  }
0x14: {  	_ =	swait.ge [sflag:s12], $0x100  }
0x15: {  	[sflag:s12] =	ssyncset.done $0x0  }
0x16: {  	[sflag:s12] =	ssyncadd.s32 $0xFFFFFF00  }
0x17: {  	[tilespmem:s14], [sflag:$0x1] =	stream.indirect.gather [hbm4b:s3+s13], $0x10, s2, s13, $0xb8;
	[tilespmem:$0x1A00] =	vst v63  }
0x18: {  	_ = 	snop  }
0x19: {  	[tilespmem:s15], [sflag:$0x2] =	stream.indirect.gather [hbm4b:s4+s13], $0x8, s13, s13, $0xb8;
	[tilespmem:$0x1A00] =	vst v63  }
0x1a: {  	_ = 	snop  }
0x1b: {  	[tilespmem:s16], [sflag:$0x3] =	stream.linear.gather [hbm4b:s10+s2], $0x100, $0x38;
	[tilespmem:$0x1A00] =	vst v63  }
0x1c: {  	_ =	swait.ge [sflag:s12], $0x100  }
0x1d: {  	[sflag:s12] =	ssyncset.done $0x0  }
0x1e: {  	[sflag:s12] =	ssyncadd.s32 $0xFFFFFF00  }
0x1f: {  	[tilespmem:s17], [sflag:$0x1] =	stream.indirect.gather [hbm4b:s3+s13], $0x10, s16, s13, $0xb8;
	[tilespmem:$0x1A00] =	vst v63  }
0x20: {  	_ = 	snop  }
0x21: {  	[tilespmem:s19], [sflag:$0x2] =	stream.indirect.gather [hbm4b:s4+s13], $0x8, s18, s13, $0xb8;
	[tilespmem:$0x1A00] =	vst v63  }
0x22: {  	_ =	swait.ge [sflag:s20], $0x800  }
0x23: {  	[sflag:s20] =	ssyncset.done $0x0  }
0x24: {  	[sflag:s20] =	ssyncadd.s32 $0xFFFFF800  }
0x25: {  	[hbm4b:s7+s2] =	stream.linear.scatter [tilespmem:s14], [sflag:$0x3], $0x800, $0x38;
	[tilespmem:$0x1A00] =	vst v63  }
0x26: {  	_ =	swait.ge [sflag:s12], $0x800  }
0x27: {  	[sflag:s12] =	ssyncset.done $0x0  }
0x28: {  	[sflag:s12] =	ssyncadd.s32 $0xFFFFF800  }
0x29: {  	_ =	swait.ge [sflag:s21], $0x400  }
0x2a: {  	[sflag:s21] =	ssyncset.done $0x0  }
0x2b: {  	s23 =	sadd.s32 $0x0, s6;
	[sflag:s21] =	ssyncadd.s32 $0xFFFFFC00  }
0x2c: {  	[hbm4b:s23+s2] =	stream.linear.scatter [tilespmem:s15], [sflag:$0x3], $0x400, $0x38;
	[tilespmem:$0x1A00] =	vst v63  }
0x2d: {  	_ =	swait.ge [sflag:s12], $0x400  }
0x2e: {  	[sflag:s12] =	ssyncset.done $0x0  }
0x2f: {  	[sflag:s12] =	ssyncadd.s32 $0xFFFFFC00  }
0x30: {  	_ =	swait.ge [sflag:s20], $0x800  }
0x31: {  	[sflag:s20] =	ssyncset.done $0x0  }
0x32: {  	[sflag:s20] =	ssyncadd.s32 $0xFFFFF800  }
0x33: {  	[hbm4b:s9+s2] =	stream.linear.scatter [tilespmem:s17], [sflag:$0x3], $0x800, $0x38;
	[tilespmem:$0x1A00] =	vst v63  }
0x34: {  	_ =	swait.ge [sflag:s12], $0x800  }
0x35: {  	[sflag:s12] =	ssyncset.done $0x0  }
0x36: {  	[sflag:s12] =	ssyncadd.s32 $0xFFFFF800  }
0x37: {  	_ =	swait.ge [sflag:s21], $0x400  }
0x38: {  	[sflag:s21] =	ssyncset.done $0x0  }
0x39: {  	s31 =	sadd.s32 $0x0, s8;
	s24 =	sadd.s32 $0x40, s10;
	[sflag:s21] =	ssyncadd.s32 $0xFFFFFC00  }
0x3a: {  	[hbm4b:s31+s2] =	stream.linear.scatter [tilespmem:s19], [sflag:$0x3], $0x400, $0x38;
	[tilespmem:$0x1A00] =	vst v63  }
0x3b: {  	s25 =	sadd.s32 $0x40, s11;
	s26 =	smov.u32 s7;
	_ =	swait.ge [sflag:s12], $0x400  }
0x3c: {  	s28 =	smov.u32 s9;
	s23 =	simm.s32 $0x100;
	[sflag:s12] =	ssyncset.done $0x0  }
.LBB2_2:
0x3d: {  	[sflag:s12] =	ssyncadd.s32 $0xFFFFFC00  }
0x3e: {  	s26 =	sadd.s32 $0x200, s26;
	s28 =	sadd.s32 $0x200, s28;
	s29 =	smov.u32 s23  }
0x3f: {  	[tilespmem:s2], [sflag:$0x3] =	stream.linear.gather [hbm4b:s25+s2], $0x100, $0x38;
	[tilespmem:$0x1A00] =	vst v63  }
0x40: {  	p0 =	sne.s32 s23, $0x400;
	s23 =	sadd.s32 $0x100, s23;
	_ =	swait.ge [sflag:s12], $0x100  }
0x41: {  	[sflag:s12] =	ssyncset.done $0x0  }
0x42: {  	[sflag:s12] =	ssyncadd.s32 $0xFFFFFF00  }
0x43: {  	[tilespmem:s14], [sflag:$0x1] =	stream.indirect.gather [hbm4b:s3+s13], $0x10, s2, s13, $0xb8;
	[tilespmem:$0x1A00] =	vst v63  }
0x44: {  	_ = 	snop  }
0x45: {  	[tilespmem:s15], [sflag:$0x2] =	stream.indirect.gather [hbm4b:s4+s13], $0x8, s13, s13, $0xb8;
	[tilespmem:$0x1A00] =	vst v63  }
0x46: {  	_ = 	snop  }
0x47: {  	[tilespmem:s16], [sflag:$0x3] =	stream.linear.gather [hbm4b:s24+s2], $0x100, $0x38;
	[tilespmem:$0x1A00] =	vst v63  }
0x48: {  	_ =	swait.ge [sflag:s12], $0x100  }
0x49: {  	[sflag:s12] =	ssyncset.done $0x0  }
0x4a: {  	[sflag:s12] =	ssyncadd.s32 $0xFFFFFF00  }
0x4b: {  	[tilespmem:s17], [sflag:$0x1] =	stream.indirect.gather [hbm4b:s3+s13], $0x10, s16, s13, $0xb8;
	[tilespmem:$0x1A00] =	vst v63  }
0x4c: {  	_ = 	snop  }
0x4d: {  	[tilespmem:s19], [sflag:$0x2] =	stream.indirect.gather [hbm4b:s4+s13], $0x8, s18, s13, $0xb8;
	[tilespmem:$0x1A00] =	vst v63  }
0x4e: {  	_ =	swait.ge [sflag:s20], $0x800  }
0x4f: {  	[sflag:s20] =	ssyncset.done $0x0  }
0x50: {  	[sflag:s20] =	ssyncadd.s32 $0xFFFFF800  }
0x51: {  	[hbm4b:s26+s2] =	stream.linear.scatter [tilespmem:s14], [sflag:$0x3], $0x800, $0x38;
	[tilespmem:$0x1A00] =	vst v63  }
0x52: {  	_ =	swait.ge [sflag:s12], $0x800  }
0x53: {  	[sflag:s12] =	ssyncset.done $0x0  }
0x54: {  	[sflag:s12] =	ssyncadd.s32 $0xFFFFF800  }
0x55: {  	_ =	swait.ge [sflag:s21], $0x400  }
0x56: {  	[sflag:s21] =	ssyncset.done $0x0  }
0x57: {  	s30 =	sadd.s32 s29, s6;
	[sflag:s21] =	ssyncadd.s32 $0xFFFFFC00  }
0x58: {  	[hbm4b:s30+s2] =	stream.linear.scatter [tilespmem:s15], [sflag:$0x3], $0x400, $0x38;
	[tilespmem:$0x1A00] =	vst v63  }
0x59: {  	_ =	swait.ge [sflag:s12], $0x400  }
0x5a: {  	[sflag:s12] =	ssyncset.done $0x0  }
0x5b: {  	[sflag:s12] =	ssyncadd.s32 $0xFFFFFC00  }
0x5c: {  	_ =	swait.ge [sflag:s20], $0x800  }
0x5d: {  	[sflag:s20] =	ssyncset.done $0x0  }
0x5e: {  	[sflag:s20] =	ssyncadd.s32 $0xFFFFF800  }
0x5f: {  	[hbm4b:s28+s2] =	stream.linear.scatter [tilespmem:s17], [sflag:$0x3], $0x800, $0x38;
	[tilespmem:$0x1A00] =	vst v63  }
0x60: {  	_ =	swait.ge [sflag:s12], $0x800  }
0x61: {  	[sflag:s12] =	ssyncset.done $0x0  }
0x62: {  	[sflag:s12] =	ssyncadd.s32 $0xFFFFF800  }
0x63: {  	_ =	swait.ge [sflag:s21], $0x400  }
.Ltmp0:
0x64: {  	[sflag:s21] =	ssyncset.done $0x0;
	(pc) =	sbr.rel @p0 .LBB2_2-.Ltmp0, $4  }
0x65: {  	s29 =	sadd.s32 s29, s8;
	[sflag:s21] =	ssyncadd.s32 $0xFFFFFC00  }
0x66: {  	[hbm4b:s29+s2] =	stream.linear.scatter [tilespmem:s19], [sflag:$0x3], $0x400, $0x38;
	[tilespmem:$0x1A00] =	vst v63  }
0x67: {  	_ =	swait.ge [sflag:s12], $0x400  }
0x68: {  	s25 =	sadd.s32 $0x40, s25;
	s24 =	sadd.s32 $0x40, s24;
	[sflag:s12] =	ssyncset.done $0x0  }
0x69: {  	s22 =	sadd.s32 $0x1, s22  }
0x6a: {  	p0 =	sne.s32 s22, s5  }
.Ltmp1:
0x6b: {  	_ = 	snop;
	(pc) =	sbr.rel @p0 .LBB2_1-.Ltmp1, $2  }
0x6c: {  	_ =	sdelay $0x2  }
0x6d: {  	[sflag:s12] =	ssyncadd.s32 $0xFFFFFC00  }
0x6e: {  	_ =	sfence.sel $0x180000  }
0x6f: {  	[bflag:$0x0] =	sbarrier.arrive $0xFFFF  }
0x70: {  	p0 =	sne.s32 s1, $0x0;
	_ =	strace $0x90000047  }
0x71: {  	s0 =	sadd.s32 @!p0 $0x100000, s0;
	[bflag:$0x2] =	sbarrier.arrive $0xFFFF  }
0x72: {  	[sflag:s0] =	ssyncadd.tile.s32 @!p0 $0x1;
	_ =	shalt  }
.Lfunc_end2:
_tile_overlayer_lowered:
.L_overlay_start_2:
0x73: {  	(tag) =	ssettag $0x2  }
0x74: {  	s0 =	rddreg [dreg:$0x0];
	s2 =	stileid.u32  }
0x75: {  	s1 =	rddreg [dreg:$0x1];
	p0 =	sne.s32 s2, $0x0  }
0x76: {  	s3 =	rddreg [dreg:$0x2];
	[bflag:$0x3] =	sbarrier.arrive $0xFFFF;
	s2 =	simm.s32 @!p0 $0x1C03  }
0x77: {  	[timem:s3], [sflag:s2] =	dma.local @!p0 [hbm:s0], s1  }
0x78: {  	s0 =	simm.s32 @!p0 $0x3  }
0x79: {  	_ =	swait.ge @!p0 [sflag:s0], s1  }
0x7a: {  	s1 =	ssub.s32 @!p0 $0x0, s1;
	[sflag:s0] =	ssyncset.done @!p0 $0x0  }
0x7b: {  	[sflag:s0] =	ssyncadd.s32 @!p0 s1  }
0x7c: {  	[bflag:$0x3] =	sbarrier.arrive $0xFFFF  }
0x7d: {  	_ =	shalt  }

// kernel: kernel.14.cloned.1.call-start
scs
__scs_entry_jumppad:
0x0: {  	(pc) =	sbr.rel $0x88, $3  }
0x1: {  	(tag) =	ssettag $0x0;
	lr =	simm.s32 $0x1  }
0x2: {  	[smem:$0x3F93] =	sst lr;
	_ =	strace $0xD0000000  }
0x3: {  	_ = 	snop  }
0x4: {  	_ = 	snop  }
0x5: {  	_ = 	snop  }
0x6: {  	_ = 	snop  }
0x7: {  	_ = 	snop  }
__scs_overlays_trampoline_lowered:
0x8: {  	[smem:$0x3FA2] =	sst s0  }
0x9: {  	[smem:$0x3FA3] =	sst s1  }
0xa: {  	[smem:$0x3FA4] =	sst s2  }
0xb: {  	[smem:$0x3FA5] =	sst s3  }
0xc: {  	[smem:$0x3FA6] =	sst s4  }
0xd: {  	[smem:$0x3FA7] =	sst s5  }
0xe: {  	[smem:$0x3FA8] =	sst s6  }
0xf: {  	[smem:$0x3FA9] =	sst s7  }
0x10: {  	[smem:$0x3FAA] =	sst s8  }
0x11: {  	[smem:$0x3FAB] =	sst s9;
	s0 =	simm.s32 @!p0 $0x0  }
0x12: {  	s1 =	sld [smem:$0x3F91];
	s0 =	simm.s32 @p0 $0x1  }
0x13: {  	[smem:$0x3FAC] =	sst s0;
	s0 =	simm.s32 @!p1 $0x0  }
0x14: {  	s2 =	sld [smem:$0x3F90];
	s0 =	simm.s32 @p1 $0x1  }
0x15: {  	[smem:$0x3FAD] =	sst s0;
	s0 =	simm.s32 @!p2 $0x0  }
0x16: {  	s3 =	sld [smem:$0x3FDB];
	s0 =	simm.s32 @p2 $0x1  }
0x17: {  	s4 =	simm.s32 $0x1BF5;
	[smem:$0x3FAF] =	sst s0  }
0x18: {  	s0 =	sld [smem:$0x3F92];
	_ =	swait.ge [sflag:s4], $0x0  }
0x19: {  	s7 =	sld [smem:$0x3F93]  }
0x1a: {  	s8 =	sadd.s32 $0xFFFFE003, lr  }
0x1b: {  	s9 =	sadd.s32 $0xFFFFFEF7, lr;
	s5 =	simm.s32 $0xFFFFFFFF;
	p2 =	slt.u32 s8, $0xFFFFF086  }
0x1c: {  	p1 =	slt.u32 s9, $0xF7A;
	s5 =	simm.s32 @!p2 $0x0  }
0x1d: {  	s5 =	simm.s32 @p1 $0x1;
	p0 =	seq.s32 s7, s2  }
0x1e: {  	s7 =	smul.u32 @!p0 $0xF7A, s2;
	p2 =	seq.s32 @!p0 s5, $0x0  }
0x1f: {  	s9 =	smul.u32 $0xF7A, s1;
	s8 =	simm.s32 @!p0 $0x1BF5;
	p2 =	por !p2, p0  }
0x20: {  	[sflag:s8] =	ssyncset.s32 @!p0 $0xFFFFF086;
	s6 =	sadd.s32 @!p0 s3, s7;
	s7 =	simm.s32 @!p0 $0x108  }
0x21: {  	s3 =	sadd.s32 s3, s9;
	s6 =	sadd.s32 @!p0 $0x88, s6;
	s7 =	simm.s32 @p2 $0x1082  }
0x22: {  	[simem:s7], [sflag:s8] =	dma.local @!p0 [hbm:s6], $0xF7A  }
0x23: {  	s9 =	sor.u32 $0xD0000000, s2;
	s6 =	simm.s32 $0x108;
	_ =	swait.ge @!p0 [sflag:s8], $0x0  }
0x24: {  	s3 =	sadd.s32 $0x88, s3;
	s6 =	simm.s32 @!p1 $0x1082;
	[sflag:s4] =	ssyncset.s32 $0xFFFFF086  }
0x25: {  	[simem:s6], [sflag:s4] =	dma.local [hbm:s3], $0xF7A  }
0x26: {  	[smem:$0x3F93] =	sst s1;
	(tag) =	ssettag s2;
	_ =	strace s9  }
0x27: {  	s1 =	sld [smem:$0x3FA3]  }
0x28: {  	s2 =	sld [smem:$0x3FA4]  }
0x29: {  	s4 =	sld [smem:$0x3FA6]  }
0x2a: {  	p0 =	seq.s32 s5, $0x0;
	s5 =	sld [smem:$0x3FA7]  }
0x2b: {  	s6 =	sld [smem:$0x3FA8]  }
0x2c: {  	s7 =	sld [smem:$0x3FA9]  }
0x2d: {  	s3 =	simm.s32 $0x108;
	s8 =	sld [smem:$0x3FAA]  }
0x2e: {  	s3 =	simm.s32 @!p0 $0x1082;
	s9 =	sld [smem:$0x3FAB]  }
0x2f: {  	lr =	sadd.s32 s0, s3;
	s0 =	sld [smem:$0x3FA2]  }
0x30: {  	s3 =	sld [smem:$0x3FA5]  }
0x31: {  	[smem:$0x3FAE] =	sst s10  }
0x32: {  	s10 =	sld [smem:$0x3FAC];
	_ =	sdelay $0x3  }
0x33: {  	p0 =	seq.s32 s10, $0x1;
	s10 =	sld [smem:$0x3FAE];
	_ =	sdelay $0x3  }
0x34: {  	[smem:$0x3FAE] =	sst s10  }
0x35: {  	s10 =	sld [smem:$0x3FAD];
	_ =	sdelay $0x3  }
0x36: {  	p1 =	seq.s32 s10, $0x1;
	s10 =	sld [smem:$0x3FAE];
	_ =	sdelay $0x3  }
0x37: {  	[smem:$0x3FAE] =	sst s10  }
0x38: {  	s10 =	sld [smem:$0x3FAF]  }
0x39: {  	_ = 	snop;
	(pc) =	sbr.ind lr, $3  }
0x3a: {  	_ = 	snop  }
0x3b: {  	_ = 	snop  }
0x3c: {  	p2 =	seq.s32 s10, $0x1;
	s10 =	sld [smem:$0x3FAE]  }
0x3d: {  	_ =	shalt  }
0x3e: {  	_ =	shalt  }
0x3f: {  	_ =	shalt  }
0x40: {  	_ =	shalt  }
0x41: {  	_ =	shalt  }
0x42: {  	_ =	shalt  }
0x43: {  	_ =	shalt  }
0x44: {  	_ =	shalt  }
0x45: {  	_ =	shalt  }
0x46: {  	_ =	shalt  }
0x47: {  	_ =	shalt  }
0x48: {  	_ =	shalt  }
0x49: {  	_ =	shalt  }
0x4a: {  	_ =	shalt  }
0x4b: {  	_ =	shalt  }
0x4c: {  	_ =	shalt  }
0x4d: {  	_ =	shalt  }
0x4e: {  	_ =	shalt  }
0x4f: {  	_ =	shalt  }
0x50: {  	_ =	shalt  }
0x51: {  	_ =	shalt  }
0x52: {  	_ =	shalt  }
0x53: {  	_ =	shalt  }
0x54: {  	_ =	shalt  }
0x55: {  	_ =	shalt  }
0x56: {  	_ =	shalt  }
0x57: {  	_ =	shalt  }
0x58: {  	_ =	shalt  }
0x59: {  	_ =	shalt  }
0x5a: {  	_ =	shalt  }
0x5b: {  	_ =	shalt  }
0x5c: {  	_ =	shalt  }
0x5d: {  	_ =	shalt  }
0x5e: {  	_ =	shalt  }
0x5f: {  	_ =	shalt  }
0x60: {  	_ =	shalt  }
0x61: {  	_ =	shalt  }
0x62: {  	_ =	shalt  }
0x63: {  	_ =	shalt  }
0x64: {  	_ =	shalt  }
0x65: {  	_ =	shalt  }
0x66: {  	_ =	shalt  }
0x67: {  	_ =	shalt  }
0x68: {  	_ =	shalt  }
0x69: {  	_ =	shalt  }
0x6a: {  	_ =	shalt  }
0x6b: {  	_ =	shalt  }
0x6c: {  	_ =	shalt  }
0x6d: {  	_ =	shalt  }
0x6e: {  	_ =	shalt  }
0x6f: {  	_ =	shalt  }
0x70: {  	_ =	shalt  }
0x71: {  	_ =	shalt  }
0x72: {  	_ =	shalt  }
0x73: {  	_ =	shalt  }
0x74: {  	_ =	shalt  }
0x75: {  	_ =	shalt  }
0x76: {  	_ =	shalt  }
0x77: {  	_ =	shalt  }
0x78: {  	_ =	shalt  }
0x79: {  	_ =	shalt  }
0x7a: {  	_ =	shalt  }
0x7b: {  	_ =	shalt  }
0x7c: {  	_ =	shalt  }
0x7d: {  	_ =	shalt  }
0x7e: {  	_ =	shalt  }
0x7f: {  	_ =	shalt  }
0x80: {  	_ =	shalt  }
0x81: {  	_ =	shalt  }
0x82: {  	_ =	shalt  }
0x83: {  	_ =	shalt  }
0x84: {  	_ =	shalt  }
0x85: {  	_ =	shalt  }
0x86: {  	_ =	shalt  }
0x87: {  	_ =	shalt  }
.Lfunc_end0:
.L_simem_size_0:
called_computation.1_lowered:
.L_overlay_start_0:
0x88: {  	s2 =	sld [smem:$0x3FD9]  }
0x89: {  	s3 =	sld [smem:$0x3FFE];
	_ =	sdelay $0x1  }
0x8a: {  	s1 =	srdreg.scid  }
0x8b: {  	s0 =	sand.u32 $0x1, s1  }
0x8c: {  	s17 =	sshll.u32 s0, $0xA;
	s2 =	sadd.s32 s3, s2  }
0x8d: {  	s2 =	sadd.s32 s2, s17  }
0x8e: {  	[smem:$0x3FBA] =	sst s2  }
0x8f: {  	_ = 	snop  }
0x90: {  	(tm) =	ssettm $0x1  }
0x91: {  	s18 =	sld [smem:$0x3FFB];
	_ =	sdelay $0x3  }
0x92: {  	_ =	strace s18  }
0x93: {  	s2 =	sld [smem:$0x3FFC];
	_ =	sdelay $0x3  }
0x94: {  	_ =	strace s2  }
0x95: {  	s2 =	sld [smem:$0x3FFD];
	_ =	sdelay $0x3  }
0x96: {  	_ =	strace s2  }
0x97: {  	_ =	strace $0x8FFFFFFF  }
0x98: {  	s19 =	sld [smem:$0x3FDB];
	_ =	sdelay $0x1  }
0x99: {  	s20 =	simm.s32 $_scs_section_size  }
0x9a: {  	s4 =	simm.s32 $_size__tile_overlayer_lowered;
	s5 =	simm.s32 $_tile_overlayer_lowered  }
0x9b: {  	s6 =	simm.s32 $0x1BFF;
	s21 =	sshll.u32 s5, $0x1;
	s3 =	sadd.s32 s20, s19  }
0x9c: {  	s22 =	simm.s32 $0x0;
	s4 =	sshll.u32 s4, $0x1;
	s5 =	sadd.s32 s21, s3  }
0x9d: {  	[timem:s22], [sflag:s6] =	dma.local [hbm:s5], s4  }
0x9e: {  	_ =	swait.ge [sflag:s6], s4  }
0x9f: {  	s4 =	ssub.s32 $0x0, s4;
	[sflag:s6] =	ssyncset.done $0x0  }
0xa0: {  	[sflag:s6] =	ssyncadd.s32 s4;
	_ =	sdelay $0x1  }
0xa1: {  	s23 =	simm.s32 $0x1B8B  }
0xa2: {  	_ =	swait.ge [sflag:s23], $0x1  }
0xa3: {  	[sflag:s23] =	ssyncset.done $0x0  }
0xa4: {  	[sflag:s23] =	ssyncadd.s32 $0xFFFFFFFF  }
0xa5: {  	s4 =	sld [smem:$0x0]  }
0xa6: {  	s5 =	sand.u32 $0xFFFFFFFE, s1  }
0xa7: {  	p0 =	sne.s32 s1, s5  }
0xa8: {  	s5 =	sshll.u32 @p0 s5, $0xE  }
0xa9: {  	s5 =	sadd.s32 @p0 $0x11B8D, s5;
	s6 =	sshll.u32 @p0 s4, $0x11  }
0xaa: {  	s5 =	sor.u32 @p0 s6, s5  }
0xab: {  	[sflag:s5] =	ssyncadd.remote.s32 @p0 $0x1;
	_ =	sdelay $0x1  }
0xac: {  	s5 =	simm.s32 @p0 $0x1B8D  }
0xad: {  	_ =	swait.eq @p0 [sflag:s5], $0x1  }
0xae: {  	[sflag:s5] =	ssyncadd.s32 @p0 $0xFFFFFFFF  }
0xaf: {  	s6 =	sshll.u32 @!p0 s1, $0xE  }
0xb0: {  	s6 =	sor.u32 @!p0 $0x4000, s6;
	s5 =	simm.s32 @!p0 $0x1B8D  }
0xb1: {  	s4 =	sshll.u32 @!p0 s4, $0x11;
	s6 =	sadd.s32 @!p0 $0x11B8D, s6;
	_ =	swait.eq @!p0 [sflag:s5], $0x1  }
0xb2: {  	s4 =	sor.u32 @!p0 s4, s6;
	[sflag:s5] =	ssyncadd.s32 @!p0 $0xFFFFFFFF  }
0xb3: {  	s25 =	simm.s32 $0x1B8E;
	s24 =	sld [smem:$0x3FFE];
	[sflag:s4] =	ssyncadd.remote.s32 @!p0 $0x1  }
0xb4: {  	s26 =	simm.s32 $execute0_lowered;
	[smem:$0x3FD2] =	sst s25  }
0xb5: {  	s5 =	sshll.u32 s26, $0x1;
	_ =	strace $0x80000049;
	[dreg:$0x1] =	wrdreg $0xFFFFFFFF  }
0xb6: {  	s28 =	simm.s32 $_size_execute0_lowered;
	s3 =	sadd.s32 s3, s5;
	[dreg:$0x0] =	wrdreg $0x0  }
0xb7: {  	s5 =	sshll.u32 s28, $0x1;
	[dreg:$0x2] =	wrdreg s3  }
0xb8: {  	[dreg:$0x3] =	wrdreg s5  }
0xb9: {  	[dreg:$0x4] =	wrdreg $0xC0  }
0xba: {  	_ =	task [dreg:s22], $0x5FFFF  }
0xbb: {  	[dreg:$0x1] =	wrdreg $0xFFFFFFFF  }
0xbc: {  	[dreg:$0x0] =	wrdreg $0x60  }
0xbd: {  	[dreg:$0x2] =	wrdreg s24  }
0xbe: {  	[dreg:$0x3] =	wrdreg $0xA  }
0xbf: {  	_ =	task.clear_ibuf [dreg:s22], $0x4FFFF;
	_ =	strace $0x90000049  }
0xc0: {  	s29 =	simm.s32 $0xA;
	_ =	strace $0x8000004B  }
0xc1: {  	_ =	swait.ge [sflag:s29], $0x1  }
0xc2: {  	[sflag:s29] =	ssyncadd.s32 $0xFFFFFFFF  }
0xc3: {  	_ =	strace $0x9000004B  }
0xc4: {  	_ =	sfence  }
0xc5: {  	s30 =	sld [smem:$0x0];
	_ =	sdelay $0x2  }
0xc6: {  	s31 =	sshll.u32 s1, $0xD;
	s1 =	sshrl.u32 s1, $0x2  }
0xc7: {  	s4 =	sand.u32 $0x4000, s31;
	s1 =	sadd.s32 s1, s30  }
0xc8: {  	s0 =	sor.u32 s4, s0;
	s1 =	sshll.u32 s1, $0x11  }
0xc9: {  	s0 =	sor.u32 s1, s0  }
0xca: {  	s0 =	sadd.s32 $0x8F2B, s0  }
0xcb: {  	[sflag:s0] =	ssyncadd.remote.s32 $0x1  }
0xcc: {  	_ =	sfence.sel $0xFFFF  }
0xcd: {  	[dreg:$0x0] =	wrdreg $0xFFFFFFFF;
	(pc) =	sbr.abs _section_cstart, $3  }
0xce: {  	[dreg:$0x1] =	wrdreg $0xFFFFFFFF  }
0xcf: {  	_ =	task.clear_ibuf [dreg:s22], $0x2FFFF;
	_ =	strace $0x9FFFFFFF  }
0xd0: {  	(tm) =	ssettm $0x7FFFFFFF  }
0xd1: {  	_ =	shalt  }
tec
execute0_lowered:
.L_overlay_start_1:
0x0: {  	(tag) =	ssettag $0x1  }
0x1: {  	s5 =	rddreg [dreg:$0x0]  }
0x2: {  	s0 =	rddreg [dreg:$0x1];
	s2 =	simm.s32 $0x0;
	s1 =	stileid.u32  }
0x3: {  	s6 =	srdreg.scid;
	s16 =	simm.s32 $0x100;
	s17 =	simm.s32 $0xA00  }
0x4: {  	s18 =	simm.s32 $0x180;
	s19 =	simm.s32 $0x1600;
	s7 =	smul.u32 $0xA00, s1  }
0x5: {  	s20 =	simm.s32 $0x1;
	s21 =	simm.s32 $0x2;
	s25 =	smul.u32 $0x14, s1  }
0x6: {  	s22 =	simm.s32 $0x0;
	[smem:$0x7FF] =	sst s2;
	s28 =	smul.u32 $0x1400, s1  }
0x7: {  	s3 =	sadd.s32 $0x2D400, s5;
	s9 =	sand.u32 $0x1, s6;
	s30 =	smul.u32 $0x280, s1  }
0x8: {  	s4 =	sadd.s32 $0x32400, s5;
	s11 =	sadd.s32 $0x55400, s5;
	s12 =	smul.u32 $0xA, s9  }
0x9: {  	s10 =	sadd.s32 $0x57C00, s5;
	s13 =	sadd.s32 $0x6BC00, s5;
	s14 =	smul.u32 $0x500, s9  }
0xa: {  	_ =	strace $0x8000004A;
	s8 =	ssub.s32 $0x2, s9;
	s15 =	smul.u32 $0xA00, s9  }
0xb: {  	s31 =	smul.u32 $0x140, s9;
	s26 =	sshrl.u32 s8, $0x1;
	s7 =	sadd.s32 s7, s13  }
0xc: {  	s5 =	ssub.s32 s8, s26;
	s12 =	sadd.s32 s12, s25;
	s8 =	sadd.s32 s28, s10  }
0xd: {  	s5 =	smax.u32 s5, $0x1;
	s6 =	sshll.u32 s12, $0x7;
	s29 =	sshll.u32 s12, $0x8  }
0xe: {  	s12 =	sshll.u32 s12, $0x5;
	s13 =	sadd.s32 s6, s13;
	s6 =	sadd.s32 s14, s7  }
0xf: {  	s7 =	sadd.s32 s15, s8;
	s10 =	sadd.s32 s29, s10;
	s12 =	sadd.s32 s12, s11  }
0x10: {  	s11 =	sadd.s32 s30, s11;
	s14 =	simm.s32 $0x200;
	s15 =	simm.s32 $0x1200  }
0x11: {  	s8 =	sadd.s32 $0x80, s13;
	s9 =	sadd.s32 $0x100, s10;
	s10 =	sadd.s32 $0x20, s12  }
0x12: {  	s11 =	sadd.s32 s31, s11;
	s12 =	simm.s32 $0x3;
	s13 =	simm.s32 $0x80  }
.LBB2_1:
0x13: {  	[tilespmem:s2], [sflag:$0x3] =	stream.linear.gather [hbm4b:s11+s2], $0x100, $0x38;
	[tilespmem:$0x1A00] =	vst v63  }
0x14: {  	_ =	swait.ge [sflag:s12], $0x100  }
0x15: {  	[sflag:s12] =	ssyncset.done $0x0  }
0x16: {  	[sflag:s12] =	ssyncadd.s32 $0xFFFFFF00  }
0x17: {  	[tilespmem:s14], [sflag:$0x1] =	stream.indirect.gather [hbm4b:s3+s13], $0x10, s2, s13, $0xb8;
	[tilespmem:$0x1A00] =	vst v63  }
0x18: {  	_ = 	snop  }
0x19: {  	[tilespmem:s15], [sflag:$0x2] =	stream.indirect.gather [hbm4b:s4+s13], $0x8, s13, s13, $0xb8;
	[tilespmem:$0x1A00] =	vst v63  }
0x1a: {  	_ = 	snop  }
0x1b: {  	[tilespmem:s16], [sflag:$0x3] =	stream.linear.gather [hbm4b:s10+s2], $0x100, $0x38;
	[tilespmem:$0x1A00] =	vst v63  }
0x1c: {  	_ =	swait.ge [sflag:s12], $0x100  }
0x1d: {  	[sflag:s12] =	ssyncset.done $0x0  }
0x1e: {  	[sflag:s12] =	ssyncadd.s32 $0xFFFFFF00  }
0x1f: {  	[tilespmem:s17], [sflag:$0x1] =	stream.indirect.gather [hbm4b:s3+s13], $0x10, s16, s13, $0xb8;
	[tilespmem:$0x1A00] =	vst v63  }
0x20: {  	_ = 	snop  }
0x21: {  	[tilespmem:s19], [sflag:$0x2] =	stream.indirect.gather [hbm4b:s4+s13], $0x8, s18, s13, $0xb8;
	[tilespmem:$0x1A00] =	vst v63  }
0x22: {  	_ =	swait.ge [sflag:s20], $0x800  }
0x23: {  	[sflag:s20] =	ssyncset.done $0x0  }
0x24: {  	[sflag:s20] =	ssyncadd.s32 $0xFFFFF800  }
0x25: {  	[hbm4b:s7+s2] =	stream.linear.scatter [tilespmem:s14], [sflag:$0x3], $0x800, $0x38;
	[tilespmem:$0x1A00] =	vst v63  }
0x26: {  	_ =	swait.ge [sflag:s12], $0x800  }
0x27: {  	[sflag:s12] =	ssyncset.done $0x0  }
0x28: {  	[sflag:s12] =	ssyncadd.s32 $0xFFFFF800  }
0x29: {  	_ =	swait.ge [sflag:s21], $0x400  }
0x2a: {  	[sflag:s21] =	ssyncset.done $0x0  }
0x2b: {  	s23 =	sadd.s32 $0x0, s6;
	[sflag:s21] =	ssyncadd.s32 $0xFFFFFC00  }
0x2c: {  	[hbm4b:s23+s2] =	stream.linear.scatter [tilespmem:s15], [sflag:$0x3], $0x400, $0x38;
	[tilespmem:$0x1A00] =	vst v63  }
0x2d: {  	_ =	swait.ge [sflag:s12], $0x400  }
0x2e: {  	[sflag:s12] =	ssyncset.done $0x0  }
0x2f: {  	[sflag:s12] =	ssyncadd.s32 $0xFFFFFC00  }
0x30: {  	_ =	swait.ge [sflag:s20], $0x800  }
0x31: {  	[sflag:s20] =	ssyncset.done $0x0  }
0x32: {  	[sflag:s20] =	ssyncadd.s32 $0xFFFFF800  }
0x33: {  	[hbm4b:s9+s2] =	stream.linear.scatter [tilespmem:s17], [sflag:$0x3], $0x800, $0x38;
	[tilespmem:$0x1A00] =	vst v63  }
0x34: {  	_ =	swait.ge [sflag:s12], $0x800  }
0x35: {  	[sflag:s12] =	ssyncset.done $0x0  }
0x36: {  	[sflag:s12] =	ssyncadd.s32 $0xFFFFF800  }
0x37: {  	_ =	swait.ge [sflag:s21], $0x400  }
0x38: {  	[sflag:s21] =	ssyncset.done $0x0  }
0x39: {  	s31 =	sadd.s32 $0x0, s8;
	s24 =	sadd.s32 $0x40, s10;
	[sflag:s21] =	ssyncadd.s32 $0xFFFFFC00  }
0x3a: {  	[hbm4b:s31+s2] =	stream.linear.scatter [tilespmem:s19], [sflag:$0x3], $0x400, $0x38;
	[tilespmem:$0x1A00] =	vst v63  }
0x3b: {  	s25 =	sadd.s32 $0x40, s11;
	s26 =	smov.u32 s7;
	_ =	swait.ge [sflag:s12], $0x400  }
0x3c: {  	s28 =	smov.u32 s9;
	s23 =	simm.s32 $0x100;
	[sflag:s12] =	ssyncset.done $0x0  }
.LBB2_2:
0x3d: {  	[sflag:s12] =	ssyncadd.s32 $0xFFFFFC00  }
0x3e: {  	s26 =	sadd.s32 $0x200, s26;
	s28 =	sadd.s32 $0x200, s28;
	s29 =	smov.u32 s23  }
0x3f: {  	[tilespmem:s2], [sflag:$0x3] =	stream.linear.gather [hbm4b:s25+s2], $0x100, $0x38;
	[tilespmem:$0x1A00] =	vst v63  }
0x40: {  	p0 =	sne.s32 s23, $0x400;
	s23 =	sadd.s32 $0x100, s23;
	_ =	swait.ge [sflag:s12], $0x100  }
0x41: {  	[sflag:s12] =	ssyncset.done $0x0  }
0x42: {  	[sflag:s12] =	ssyncadd.s32 $0xFFFFFF00  }
0x43: {  	[tilespmem:s14], [sflag:$0x1] =	stream.indirect.gather [hbm4b:s3+s13], $0x10, s2, s13, $0xb8;
	[tilespmem:$0x1A00] =	vst v63  }
0x44: {  	_ = 	snop  }
0x45: {  	[tilespmem:s15], [sflag:$0x2] =	stream.indirect.gather [hbm4b:s4+s13], $0x8, s13, s13, $0xb8;
	[tilespmem:$0x1A00] =	vst v63  }
0x46: {  	_ = 	snop  }
0x47: {  	[tilespmem:s16], [sflag:$0x3] =	stream.linear.gather [hbm4b:s24+s2], $0x100, $0x38;
	[tilespmem:$0x1A00] =	vst v63  }
0x48: {  	_ =	swait.ge [sflag:s12], $0x100  }
0x49: {  	[sflag:s12] =	ssyncset.done $0x0  }
0x4a: {  	[sflag:s12] =	ssyncadd.s32 $0xFFFFFF00  }
0x4b: {  	[tilespmem:s17], [sflag:$0x1] =	stream.indirect.gather [hbm4b:s3+s13], $0x10, s16, s13, $0xb8;
	[tilespmem:$0x1A00] =	vst v63  }
0x4c: {  	_ = 	snop  }
0x4d: {  	[tilespmem:s19], [sflag:$0x2] =	stream.indirect.gather [hbm4b:s4+s13], $0x8, s18, s13, $0xb8;
	[tilespmem:$0x1A00] =	vst v63  }
0x4e: {  	_ =	swait.ge [sflag:s20], $0x800  }
0x4f: {  	[sflag:s20] =	ssyncset.done $0x0  }
0x50: {  	[sflag:s20] =	ssyncadd.s32 $0xFFFFF800  }
0x51: {  	[hbm4b:s26+s2] =	stream.linear.scatter [tilespmem:s14], [sflag:$0x3], $0x800, $0x38;
	[tilespmem:$0x1A00] =	vst v63  }
0x52: {  	_ =	swait.ge [sflag:s12], $0x800  }
0x53: {  	[sflag:s12] =	ssyncset.done $0x0  }
0x54: {  	[sflag:s12] =	ssyncadd.s32 $0xFFFFF800  }
0x55: {  	_ =	swait.ge [sflag:s21], $0x400  }
0x56: {  	[sflag:s21] =	ssyncset.done $0x0  }
0x57: {  	s30 =	sadd.s32 s29, s6;
	[sflag:s21] =	ssyncadd.s32 $0xFFFFFC00  }
0x58: {  	[hbm4b:s30+s2] =	stream.linear.scatter [tilespmem:s15], [sflag:$0x3], $0x400, $0x38;
	[tilespmem:$0x1A00] =	vst v63  }
0x59: {  	_ =	swait.ge [sflag:s12], $0x400  }
0x5a: {  	[sflag:s12] =	ssyncset.done $0x0  }
0x5b: {  	[sflag:s12] =	ssyncadd.s32 $0xFFFFFC00  }
0x5c: {  	_ =	swait.ge [sflag:s20], $0x800  }
0x5d: {  	[sflag:s20] =	ssyncset.done $0x0  }
0x5e: {  	[sflag:s20] =	ssyncadd.s32 $0xFFFFF800  }
0x5f: {  	[hbm4b:s28+s2] =	stream.linear.scatter [tilespmem:s17], [sflag:$0x3], $0x800, $0x38;
	[tilespmem:$0x1A00] =	vst v63  }
0x60: {  	_ =	swait.ge [sflag:s12], $0x800  }
0x61: {  	[sflag:s12] =	ssyncset.done $0x0  }
0x62: {  	[sflag:s12] =	ssyncadd.s32 $0xFFFFF800  }
0x63: {  	_ =	swait.ge [sflag:s21], $0x400  }
.Ltmp0:
0x64: {  	[sflag:s21] =	ssyncset.done $0x0;
	(pc) =	sbr.rel @p0 .LBB2_2-.Ltmp0, $4  }
0x65: {  	s29 =	sadd.s32 s29, s8;
	[sflag:s21] =	ssyncadd.s32 $0xFFFFFC00  }
0x66: {  	[hbm4b:s29+s2] =	stream.linear.scatter [tilespmem:s19], [sflag:$0x3], $0x400, $0x38;
	[tilespmem:$0x1A00] =	vst v63  }
0x67: {  	_ =	swait.ge [sflag:s12], $0x400  }
0x68: {  	s25 =	sadd.s32 $0x40, s25;
	s24 =	sadd.s32 $0x40, s24;
	[sflag:s12] =	ssyncset.done $0x0  }
0x69: {  	s22 =	sadd.s32 $0x1, s22  }
0x6a: {  	p0 =	sne.s32 s22, s5  }
.Ltmp1:
0x6b: {  	_ = 	snop;
	(pc) =	sbr.rel @p0 .LBB2_1-.Ltmp1, $2  }
0x6c: {  	_ =	sdelay $0x2  }
0x6d: {  	[sflag:s12] =	ssyncadd.s32 $0xFFFFFC00  }
0x6e: {  	_ =	sfence.sel $0x180000  }
0x6f: {  	[bflag:$0x0] =	sbarrier.arrive $0xFFFF  }
0x70: {  	p0 =	sne.s32 s1, $0x0;
	_ =	strace $0x9000004A  }
0x71: {  	s0 =	sadd.s32 @!p0 $0x100000, s0;
	[bflag:$0x2] =	sbarrier.arrive $0xFFFF  }
0x72: {  	[sflag:s0] =	ssyncadd.tile.s32 @!p0 $0x1;
	_ =	shalt  }
.Lfunc_end2:
_tile_overlayer_lowered:
.L_overlay_start_2:
0x73: {  	(tag) =	ssettag $0x2  }
0x74: {  	s0 =	rddreg [dreg:$0x0];
	s2 =	stileid.u32  }
0x75: {  	s1 =	rddreg [dreg:$0x1];
	p0 =	sne.s32 s2, $0x0  }
0x76: {  	s3 =	rddreg [dreg:$0x2];
	[bflag:$0x3] =	sbarrier.arrive $0xFFFF;
	s2 =	simm.s32 @!p0 $0x1C03  }
0x77: {  	[timem:s3], [sflag:s2] =	dma.local @!p0 [hbm:s0], s1  }
0x78: {  	s0 =	simm.s32 @!p0 $0x3  }
0x79: {  	_ =	swait.ge @!p0 [sflag:s0], s1  }
0x7a: {  	s1 =	ssub.s32 @!p0 $0x0, s1;
	[sflag:s0] =	ssyncset.done @!p0 $0x0  }
0x7b: {  	[sflag:s0] =	ssyncadd.s32 @!p0 s1  }
0x7c: {  	[bflag:$0x3] =	sbarrier.arrive $0xFFFF  }
0x7d: {  	_ =	shalt  }

// kernel: kernel.17.cloned.1.call-start
scs
__scs_entry_jumppad:
0x0: {  	(pc) =	sbr.rel $0x88, $3  }
0x1: {  	(tag) =	ssettag $0x0;
	lr =	simm.s32 $0x1  }
0x2: {  	[smem:$0x3F93] =	sst lr;
	_ =	strace $0xD0000000  }
0x3: {  	_ = 	snop  }
0x4: {  	_ = 	snop  }
0x5: {  	_ = 	snop  }
0x6: {  	_ = 	snop  }
0x7: {  	_ = 	snop  }
__scs_overlays_trampoline_lowered:
0x8: {  	[smem:$0x3FA2] =	sst s0  }
0x9: {  	[smem:$0x3FA3] =	sst s1  }
0xa: {  	[smem:$0x3FA4] =	sst s2  }
0xb: {  	[smem:$0x3FA5] =	sst s3  }
0xc: {  	[smem:$0x3FA6] =	sst s4  }
0xd: {  	[smem:$0x3FA7] =	sst s5  }
0xe: {  	[smem:$0x3FA8] =	sst s6  }
0xf: {  	[smem:$0x3FA9] =	sst s7  }
0x10: {  	[smem:$0x3FAA] =	sst s8  }
0x11: {  	[smem:$0x3FAB] =	sst s9;
	s0 =	simm.s32 @!p0 $0x0  }
0x12: {  	s1 =	sld [smem:$0x3F91];
	s0 =	simm.s32 @p0 $0x1  }
0x13: {  	[smem:$0x3FAC] =	sst s0;
	s0 =	simm.s32 @!p1 $0x0  }
0x14: {  	s2 =	sld [smem:$0x3F90];
	s0 =	simm.s32 @p1 $0x1  }
0x15: {  	[smem:$0x3FAD] =	sst s0;
	s0 =	simm.s32 @!p2 $0x0  }
0x16: {  	s3 =	sld [smem:$0x3FDB];
	s0 =	simm.s32 @p2 $0x1  }
0x17: {  	s4 =	simm.s32 $0x1BF5;
	[smem:$0x3FAF] =	sst s0  }
0x18: {  	s0 =	sld [smem:$0x3F92];
	_ =	swait.ge [sflag:s4], $0x0  }
0x19: {  	s7 =	sld [smem:$0x3F93]  }
0x1a: {  	s8 =	sadd.s32 $0xFFFFE003, lr  }
0x1b: {  	s9 =	sadd.s32 $0xFFFFFEF7, lr;
	s5 =	simm.s32 $0xFFFFFFFF;
	p2 =	slt.u32 s8, $0xFFFFF086  }
0x1c: {  	p1 =	slt.u32 s9, $0xF7A;
	s5 =	simm.s32 @!p2 $0x0  }
0x1d: {  	s5 =	simm.s32 @p1 $0x1;
	p0 =	seq.s32 s7, s2  }
0x1e: {  	s7 =	smul.u32 @!p0 $0xF7A, s2;
	p2 =	seq.s32 @!p0 s5, $0x0  }
0x1f: {  	s9 =	smul.u32 $0xF7A, s1;
	s8 =	simm.s32 @!p0 $0x1BF5;
	p2 =	por !p2, p0  }
0x20: {  	[sflag:s8] =	ssyncset.s32 @!p0 $0xFFFFF086;
	s6 =	sadd.s32 @!p0 s3, s7;
	s7 =	simm.s32 @!p0 $0x108  }
0x21: {  	s3 =	sadd.s32 s3, s9;
	s6 =	sadd.s32 @!p0 $0x88, s6;
	s7 =	simm.s32 @p2 $0x1082  }
0x22: {  	[simem:s7], [sflag:s8] =	dma.local @!p0 [hbm:s6], $0xF7A  }
0x23: {  	s9 =	sor.u32 $0xD0000000, s2;
	s6 =	simm.s32 $0x108;
	_ =	swait.ge @!p0 [sflag:s8], $0x0  }
0x24: {  	s3 =	sadd.s32 $0x88, s3;
	s6 =	simm.s32 @!p1 $0x1082;
	[sflag:s4] =	ssyncset.s32 $0xFFFFF086  }
0x25: {  	[simem:s6], [sflag:s4] =	dma.local [hbm:s3], $0xF7A  }
0x26: {  	[smem:$0x3F93] =	sst s1;
	(tag) =	ssettag s2;
	_ =	strace s9  }
0x27: {  	s1 =	sld [smem:$0x3FA3]  }
0x28: {  	s2 =	sld [smem:$0x3FA4]  }
0x29: {  	s4 =	sld [smem:$0x3FA6]  }
0x2a: {  	p0 =	seq.s32 s5, $0x0;
	s5 =	sld [smem:$0x3FA7]  }
0x2b: {  	s6 =	sld [smem:$0x3FA8]  }
0x2c: {  	s7 =	sld [smem:$0x3FA9]  }
0x2d: {  	s3 =	simm.s32 $0x108;
	s8 =	sld [smem:$0x3FAA]  }
0x2e: {  	s3 =	simm.s32 @!p0 $0x1082;
	s9 =	sld [smem:$0x3FAB]  }
0x2f: {  	lr =	sadd.s32 s0, s3;
	s0 =	sld [smem:$0x3FA2]  }
0x30: {  	s3 =	sld [smem:$0x3FA5]  }
0x31: {  	[smem:$0x3FAE] =	sst s10  }
0x32: {  	s10 =	sld [smem:$0x3FAC];
	_ =	sdelay $0x3  }
0x33: {  	p0 =	seq.s32 s10, $0x1;
	s10 =	sld [smem:$0x3FAE];
	_ =	sdelay $0x3  }
0x34: {  	[smem:$0x3FAE] =	sst s10  }
0x35: {  	s10 =	sld [smem:$0x3FAD];
	_ =	sdelay $0x3  }
0x36: {  	p1 =	seq.s32 s10, $0x1;
	s10 =	sld [smem:$0x3FAE];
	_ =	sdelay $0x3  }
0x37: {  	[smem:$0x3FAE] =	sst s10  }
0x38: {  	s10 =	sld [smem:$0x3FAF]  }
0x39: {  	_ = 	snop;
	(pc) =	sbr.ind lr, $3  }
0x3a: {  	_ = 	snop  }
0x3b: {  	_ = 	snop  }
0x3c: {  	p2 =	seq.s32 s10, $0x1;
	s10 =	sld [smem:$0x3FAE]  }
0x3d: {  	_ =	shalt  }
0x3e: {  	_ =	shalt  }
0x3f: {  	_ =	shalt  }
0x40: {  	_ =	shalt  }
0x41: {  	_ =	shalt  }
0x42: {  	_ =	shalt  }
0x43: {  	_ =	shalt  }
0x44: {  	_ =	shalt  }
0x45: {  	_ =	shalt  }
0x46: {  	_ =	shalt  }
0x47: {  	_ =	shalt  }
0x48: {  	_ =	shalt  }
0x49: {  	_ =	shalt  }
0x4a: {  	_ =	shalt  }
0x4b: {  	_ =	shalt  }
0x4c: {  	_ =	shalt  }
0x4d: {  	_ =	shalt  }
0x4e: {  	_ =	shalt  }
0x4f: {  	_ =	shalt  }
0x50: {  	_ =	shalt  }
0x51: {  	_ =	shalt  }
0x52: {  	_ =	shalt  }
0x53: {  	_ =	shalt  }
0x54: {  	_ =	shalt  }
0x55: {  	_ =	shalt  }
0x56: {  	_ =	shalt  }
0x57: {  	_ =	shalt  }
0x58: {  	_ =	shalt  }
0x59: {  	_ =	shalt  }
0x5a: {  	_ =	shalt  }
0x5b: {  	_ =	shalt  }
0x5c: {  	_ =	shalt  }
0x5d: {  	_ =	shalt  }
0x5e: {  	_ =	shalt  }
0x5f: {  	_ =	shalt  }
0x60: {  	_ =	shalt  }
0x61: {  	_ =	shalt  }
0x62: {  	_ =	shalt  }
0x63: {  	_ =	shalt  }
0x64: {  	_ =	shalt  }
0x65: {  	_ =	shalt  }
0x66: {  	_ =	shalt  }
0x67: {  	_ =	shalt  }
0x68: {  	_ =	shalt  }
0x69: {  	_ =	shalt  }
0x6a: {  	_ =	shalt  }
0x6b: {  	_ =	shalt  }
0x6c: {  	_ =	shalt  }
0x6d: {  	_ =	shalt  }
0x6e: {  	_ =	shalt  }
0x6f: {  	_ =	shalt  }
0x70: {  	_ =	shalt  }
0x71: {  	_ =	shalt  }
0x72: {  	_ =	shalt  }
0x73: {  	_ =	shalt  }
0x74: {  	_ =	shalt  }
0x75: {  	_ =	shalt  }
0x76: {  	_ =	shalt  }
0x77: {  	_ =	shalt  }
0x78: {  	_ =	shalt  }
0x79: {  	_ =	shalt  }
0x7a: {  	_ =	shalt  }
0x7b: {  	_ =	shalt  }
0x7c: {  	_ =	shalt  }
0x7d: {  	_ =	shalt  }
0x7e: {  	_ =	shalt  }
0x7f: {  	_ =	shalt  }
0x80: {  	_ =	shalt  }
0x81: {  	_ =	shalt  }
0x82: {  	_ =	shalt  }
0x83: {  	_ =	shalt  }
0x84: {  	_ =	shalt  }
0x85: {  	_ =	shalt  }
0x86: {  	_ =	shalt  }
0x87: {  	_ =	shalt  }
.Lfunc_end0:
.L_simem_size_0:
called_computation.2_lowered:
.L_overlay_start_0:
0x88: {  	s2 =	sld [smem:$0x3FD9]  }
0x89: {  	s3 =	sld [smem:$0x3FFE];
	_ =	sdelay $0x1  }
0x8a: {  	s1 =	srdreg.scid  }
0x8b: {  	s0 =	sand.u32 $0x1, s1  }
0x8c: {  	s17 =	sshll.u32 s0, $0xA;
	s2 =	sadd.s32 s3, s2  }
0x8d: {  	s2 =	sadd.s32 s2, s17  }
0x8e: {  	[smem:$0x3FBA] =	sst s2  }
0x8f: {  	_ = 	snop  }
0x90: {  	(tm) =	ssettm $0x1  }
0x91: {  	s18 =	sld [smem:$0x3FFB];
	_ =	sdelay $0x3  }
0x92: {  	_ =	strace s18  }
0x93: {  	s2 =	sld [smem:$0x3FFC];
	_ =	sdelay $0x3  }
0x94: {  	_ =	strace s2  }
0x95: {  	s2 =	sld [smem:$0x3FFD];
	_ =	sdelay $0x3  }
0x96: {  	_ =	strace s2  }
0x97: {  	_ =	strace $0x8FFFFFFF  }
0x98: {  	s19 =	sld [smem:$0x3FDB];
	_ =	sdelay $0x1  }
0x99: {  	s20 =	simm.s32 $_scs_section_size  }
0x9a: {  	s4 =	simm.s32 $_size__tile_overlayer_lowered;
	s5 =	simm.s32 $_tile_overlayer_lowered  }
0x9b: {  	s6 =	simm.s32 $0x1BFF;
	s21 =	sshll.u32 s5, $0x1;
	s3 =	sadd.s32 s20, s19  }
0x9c: {  	s22 =	simm.s32 $0x0;
	s4 =	sshll.u32 s4, $0x1;
	s5 =	sadd.s32 s21, s3  }
0x9d: {  	[timem:s22], [sflag:s6] =	dma.local [hbm:s5], s4  }
0x9e: {  	_ =	swait.ge [sflag:s6], s4  }
0x9f: {  	s4 =	ssub.s32 $0x0, s4;
	[sflag:s6] =	ssyncset.done $0x0  }
0xa0: {  	[sflag:s6] =	ssyncadd.s32 s4;
	_ =	sdelay $0x1  }
0xa1: {  	s23 =	simm.s32 $0x1B8B  }
0xa2: {  	_ =	swait.ge [sflag:s23], $0x1  }
0xa3: {  	[sflag:s23] =	ssyncset.done $0x0  }
0xa4: {  	[sflag:s23] =	ssyncadd.s32 $0xFFFFFFFF  }
0xa5: {  	s4 =	sld [smem:$0x0]  }
0xa6: {  	s5 =	sand.u32 $0xFFFFFFFE, s1  }
0xa7: {  	p0 =	sne.s32 s1, s5  }
0xa8: {  	s5 =	sshll.u32 @p0 s5, $0xE  }
0xa9: {  	s5 =	sadd.s32 @p0 $0x11B8D, s5;
	s6 =	sshll.u32 @p0 s4, $0x11  }
0xaa: {  	s5 =	sor.u32 @p0 s6, s5  }
0xab: {  	[sflag:s5] =	ssyncadd.remote.s32 @p0 $0x1;
	_ =	sdelay $0x1  }
0xac: {  	s5 =	simm.s32 @p0 $0x1B8D  }
0xad: {  	_ =	swait.eq @p0 [sflag:s5], $0x1  }
0xae: {  	[sflag:s5] =	ssyncadd.s32 @p0 $0xFFFFFFFF  }
0xaf: {  	s6 =	sshll.u32 @!p0 s1, $0xE  }
0xb0: {  	s6 =	sor.u32 @!p0 $0x4000, s6;
	s5 =	simm.s32 @!p0 $0x1B8D  }
0xb1: {  	s4 =	sshll.u32 @!p0 s4, $0x11;
	s6 =	sadd.s32 @!p0 $0x11B8D, s6;
	_ =	swait.eq @!p0 [sflag:s5], $0x1  }
0xb2: {  	s4 =	sor.u32 @!p0 s4, s6;
	[sflag:s5] =	ssyncadd.s32 @!p0 $0xFFFFFFFF  }
0xb3: {  	s25 =	simm.s32 $0x1B8E;
	s24 =	sld [smem:$0x3FFE];
	[sflag:s4] =	ssyncadd.remote.s32 @!p0 $0x1  }
0xb4: {  	s26 =	simm.s32 $execute0_lowered;
	[smem:$0x3FD2] =	sst s25  }
0xb5: {  	s5 =	sshll.u32 s26, $0x1;
	_ =	strace $0x8000004C;
	[dreg:$0x1] =	wrdreg $0xFFFFFFFF  }
0xb6: {  	s28 =	simm.s32 $_size_execute0_lowered;
	s3 =	sadd.s32 s3, s5;
	[dreg:$0x0] =	wrdreg $0x0  }
0xb7: {  	s5 =	sshll.u32 s28, $0x1;
	[dreg:$0x2] =	wrdreg s3  }
0xb8: {  	[dreg:$0x3] =	wrdreg s5  }
0xb9: {  	[dreg:$0x4] =	wrdreg $0xC0  }
0xba: {  	_ =	task [dreg:s22], $0x5FFFF  }
0xbb: {  	[dreg:$0x1] =	wrdreg $0xFFFFFFFF  }
0xbc: {  	[dreg:$0x0] =	wrdreg $0x60  }
0xbd: {  	[dreg:$0x2] =	wrdreg s24  }
0xbe: {  	[dreg:$0x3] =	wrdreg $0xB  }
0xbf: {  	_ =	task.clear_ibuf [dreg:s22], $0x4FFFF;
	_ =	strace $0x9000004C  }
0xc0: {  	s29 =	simm.s32 $0xB;
	_ =	strace $0x8000004E  }
0xc1: {  	_ =	swait.ge [sflag:s29], $0x1  }
0xc2: {  	[sflag:s29] =	ssyncadd.s32 $0xFFFFFFFF  }
0xc3: {  	_ =	strace $0x9000004E  }
0xc4: {  	_ =	sfence  }
0xc5: {  	s30 =	sld [smem:$0x0];
	_ =	sdelay $0x2  }
0xc6: {  	s31 =	sshll.u32 s1, $0xD;
	s1 =	sshrl.u32 s1, $0x2  }
0xc7: {  	s4 =	sand.u32 $0x4000, s31;
	s1 =	sadd.s32 s1, s30  }
0xc8: {  	s0 =	sor.u32 s4, s0;
	s1 =	sshll.u32 s1, $0x11  }
0xc9: {  	s0 =	sor.u32 s1, s0  }
0xca: {  	s0 =	sadd.s32 $0x8F2B, s0  }
0xcb: {  	[sflag:s0] =	ssyncadd.remote.s32 $0x1  }
0xcc: {  	_ =	sfence.sel $0xFFFF  }
0xcd: {  	[dreg:$0x0] =	wrdreg $0xFFFFFFFF;
	(pc) =	sbr.abs _section_cstart, $3  }
0xce: {  	[dreg:$0x1] =	wrdreg $0xFFFFFFFF  }
0xcf: {  	_ =	task.clear_ibuf [dreg:s22], $0x2FFFF;
	_ =	strace $0x9FFFFFFF  }
0xd0: {  	(tm) =	ssettm $0x7FFFFFFF  }
0xd1: {  	_ =	shalt  }
tec
execute0_lowered:
.L_overlay_start_1:
0x0: {  	(tag) =	ssettag $0x1  }
0x1: {  	s5 =	rddreg [dreg:$0x0]  }
0x2: {  	s0 =	rddreg [dreg:$0x1];
	s2 =	simm.s32 $0x0;
	s1 =	stileid.u32  }
0x3: {  	s6 =	srdreg.scid;
	s16 =	simm.s32 $0x100;
	s17 =	simm.s32 $0xA00  }
0x4: {  	s18 =	simm.s32 $0x180;
	s19 =	simm.s32 $0x1600;
	s7 =	smul.u32 $0xA00, s1  }
0x5: {  	s20 =	simm.s32 $0x1;
	s21 =	simm.s32 $0x2;
	s25 =	smul.u32 $0x14, s1  }
0x6: {  	s22 =	simm.s32 $0x0;
	[smem:$0x7FF] =	sst s2;
	s28 =	smul.u32 $0x1400, s1  }
0x7: {  	s3 =	sadd.s32 $0x2D400, s5;
	s9 =	sand.u32 $0x1, s6;
	s30 =	smul.u32 $0x280, s1  }
0x8: {  	s4 =	sadd.s32 $0x32400, s5;
	s11 =	sadd.s32 $0x75C00, s5;
	s12 =	smul.u32 $0xA, s9  }
0x9: {  	s10 =	sadd.s32 $0x78400, s5;
	s13 =	sadd.s32 $0x8C400, s5;
	s14 =	smul.u32 $0x500, s9  }
0xa: {  	_ =	strace $0x8000004D;
	s8 =	ssub.s32 $0x2, s9;
	s15 =	smul.u32 $0xA00, s9  }
0xb: {  	s31 =	smul.u32 $0x140, s9;
	s26 =	sshrl.u32 s8, $0x1;
	s7 =	sadd.s32 s7, s13  }
0xc: {  	s5 =	ssub.s32 s8, s26;
	s12 =	sadd.s32 s12, s25;
	s8 =	sadd.s32 s28, s10  }
0xd: {  	s5 =	smax.u32 s5, $0x1;
	s6 =	sshll.u32 s12, $0x7;
	s29 =	sshll.u32 s12, $0x8  }
0xe: {  	s12 =	sshll.u32 s12, $0x5;
	s13 =	sadd.s32 s6, s13;
	s6 =	sadd.s32 s14, s7  }
0xf: {  	s7 =	sadd.s32 s15, s8;
	s10 =	sadd.s32 s29, s10;
	s12 =	sadd.s32 s12, s11  }
0x10: {  	s11 =	sadd.s32 s30, s11;
	s14 =	simm.s32 $0x200;
	s15 =	simm.s32 $0x1200  }
0x11: {  	s8 =	sadd.s32 $0x80, s13;
	s9 =	sadd.s32 $0x100, s10;
	s10 =	sadd.s32 $0x20, s12  }
0x12: {  	s11 =	sadd.s32 s31, s11;
	s12 =	simm.s32 $0x3;
	s13 =	simm.s32 $0x80  }
.LBB2_1:
0x13: {  	[tilespmem:s2], [sflag:$0x3] =	stream.linear.gather [hbm4b:s11+s2], $0x100, $0x38;
	[tilespmem:$0x1A00] =	vst v63  }
0x14: {  	_ =	swait.ge [sflag:s12], $0x100  }
0x15: {  	[sflag:s12] =	ssyncset.done $0x0  }
0x16: {  	[sflag:s12] =	ssyncadd.s32 $0xFFFFFF00  }
0x17: {  	[tilespmem:s14], [sflag:$0x1] =	stream.indirect.gather [hbm4b:s3+s13], $0x10, s2, s13, $0xb8;
	[tilespmem:$0x1A00] =	vst v63  }
0x18: {  	_ = 	snop  }
0x19: {  	[tilespmem:s15], [sflag:$0x2] =	stream.indirect.gather [hbm4b:s4+s13], $0x8, s13, s13, $0xb8;
	[tilespmem:$0x1A00] =	vst v63  }
0x1a: {  	_ = 	snop  }
0x1b: {  	[tilespmem:s16], [sflag:$0x3] =	stream.linear.gather [hbm4b:s10+s2], $0x100, $0x38;
	[tilespmem:$0x1A00] =	vst v63  }
0x1c: {  	_ =	swait.ge [sflag:s12], $0x100  }
0x1d: {  	[sflag:s12] =	ssyncset.done $0x0  }
0x1e: {  	[sflag:s12] =	ssyncadd.s32 $0xFFFFFF00  }
0x1f: {  	[tilespmem:s17], [sflag:$0x1] =	stream.indirect.gather [hbm4b:s3+s13], $0x10, s16, s13, $0xb8;
	[tilespmem:$0x1A00] =	vst v63  }
0x20: {  	_ = 	snop  }
0x21: {  	[tilespmem:s19], [sflag:$0x2] =	stream.indirect.gather [hbm4b:s4+s13], $0x8, s18, s13, $0xb8;
	[tilespmem:$0x1A00] =	vst v63  }
0x22: {  	_ =	swait.ge [sflag:s20], $0x800  }
0x23: {  	[sflag:s20] =	ssyncset.done $0x0  }
0x24: {  	[sflag:s20] =	ssyncadd.s32 $0xFFFFF800  }
0x25: {  	[hbm4b:s7+s2] =	stream.linear.scatter [tilespmem:s14], [sflag:$0x3], $0x800, $0x38;
	[tilespmem:$0x1A00] =	vst v63  }
0x26: {  	_ =	swait.ge [sflag:s12], $0x800  }
0x27: {  	[sflag:s12] =	ssyncset.done $0x0  }
0x28: {  	[sflag:s12] =	ssyncadd.s32 $0xFFFFF800  }
0x29: {  	_ =	swait.ge [sflag:s21], $0x400  }
0x2a: {  	[sflag:s21] =	ssyncset.done $0x0  }
0x2b: {  	s23 =	sadd.s32 $0x0, s6;
	[sflag:s21] =	ssyncadd.s32 $0xFFFFFC00  }
0x2c: {  	[hbm4b:s23+s2] =	stream.linear.scatter [tilespmem:s15], [sflag:$0x3], $0x400, $0x38;
	[tilespmem:$0x1A00] =	vst v63  }
0x2d: {  	_ =	swait.ge [sflag:s12], $0x400  }
0x2e: {  	[sflag:s12] =	ssyncset.done $0x0  }
0x2f: {  	[sflag:s12] =	ssyncadd.s32 $0xFFFFFC00  }
0x30: {  	_ =	swait.ge [sflag:s20], $0x800  }
0x31: {  	[sflag:s20] =	ssyncset.done $0x0  }
0x32: {  	[sflag:s20] =	ssyncadd.s32 $0xFFFFF800  }
0x33: {  	[hbm4b:s9+s2] =	stream.linear.scatter [tilespmem:s17], [sflag:$0x3], $0x800, $0x38;
	[tilespmem:$0x1A00] =	vst v63  }
0x34: {  	_ =	swait.ge [sflag:s12], $0x800  }
0x35: {  	[sflag:s12] =	ssyncset.done $0x0  }
0x36: {  	[sflag:s12] =	ssyncadd.s32 $0xFFFFF800  }
0x37: {  	_ =	swait.ge [sflag:s21], $0x400  }
0x38: {  	[sflag:s21] =	ssyncset.done $0x0  }
0x39: {  	s31 =	sadd.s32 $0x0, s8;
	s24 =	sadd.s32 $0x40, s10;
	[sflag:s21] =	ssyncadd.s32 $0xFFFFFC00  }
0x3a: {  	[hbm4b:s31+s2] =	stream.linear.scatter [tilespmem:s19], [sflag:$0x3], $0x400, $0x38;
	[tilespmem:$0x1A00] =	vst v63  }
0x3b: {  	s25 =	sadd.s32 $0x40, s11;
	s26 =	smov.u32 s7;
	_ =	swait.ge [sflag:s12], $0x400  }
0x3c: {  	s28 =	smov.u32 s9;
	s23 =	simm.s32 $0x100;
	[sflag:s12] =	ssyncset.done $0x0  }
.LBB2_2:
0x3d: {  	[sflag:s12] =	ssyncadd.s32 $0xFFFFFC00  }
0x3e: {  	s26 =	sadd.s32 $0x200, s26;
	s28 =	sadd.s32 $0x200, s28;
	s29 =	smov.u32 s23  }
0x3f: {  	[tilespmem:s2], [sflag:$0x3] =	stream.linear.gather [hbm4b:s25+s2], $0x100, $0x38;
	[tilespmem:$0x1A00] =	vst v63  }
0x40: {  	p0 =	sne.s32 s23, $0x400;
	s23 =	sadd.s32 $0x100, s23;
	_ =	swait.ge [sflag:s12], $0x100  }
0x41: {  	[sflag:s12] =	ssyncset.done $0x0  }
0x42: {  	[sflag:s12] =	ssyncadd.s32 $0xFFFFFF00  }
0x43: {  	[tilespmem:s14], [sflag:$0x1] =	stream.indirect.gather [hbm4b:s3+s13], $0x10, s2, s13, $0xb8;
	[tilespmem:$0x1A00] =	vst v63  }
0x44: {  	_ = 	snop  }
0x45: {  	[tilespmem:s15], [sflag:$0x2] =	stream.indirect.gather [hbm4b:s4+s13], $0x8, s13, s13, $0xb8;
	[tilespmem:$0x1A00] =	vst v63  }
0x46: {  	_ = 	snop  }
0x47: {  	[tilespmem:s16], [sflag:$0x3] =	stream.linear.gather [hbm4b:s24+s2], $0x100, $0x38;
	[tilespmem:$0x1A00] =	vst v63  }
0x48: {  	_ =	swait.ge [sflag:s12], $0x100  }
0x49: {  	[sflag:s12] =	ssyncset.done $0x0  }
0x4a: {  	[sflag:s12] =	ssyncadd.s32 $0xFFFFFF00  }
0x4b: {  	[tilespmem:s17], [sflag:$0x1] =	stream.indirect.gather [hbm4b:s3+s13], $0x10, s16, s13, $0xb8;
	[tilespmem:$0x1A00] =	vst v63  }
0x4c: {  	_ = 	snop  }
0x4d: {  	[tilespmem:s19], [sflag:$0x2] =	stream.indirect.gather [hbm4b:s4+s13], $0x8, s18, s13, $0xb8;
	[tilespmem:$0x1A00] =	vst v63  }
0x4e: {  	_ =	swait.ge [sflag:s20], $0x800  }
0x4f: {  	[sflag:s20] =	ssyncset.done $0x0  }
0x50: {  	[sflag:s20] =	ssyncadd.s32 $0xFFFFF800  }
0x51: {  	[hbm4b:s26+s2] =	stream.linear.scatter [tilespmem:s14], [sflag:$0x3], $0x800, $0x38;
	[tilespmem:$0x1A00] =	vst v63  }
0x52: {  	_ =	swait.ge [sflag:s12], $0x800  }
0x53: {  	[sflag:s12] =	ssyncset.done $0x0  }
0x54: {  	[sflag:s12] =	ssyncadd.s32 $0xFFFFF800  }
0x55: {  	_ =	swait.ge [sflag:s21], $0x400  }
0x56: {  	[sflag:s21] =	ssyncset.done $0x0  }
0x57: {  	s30 =	sadd.s32 s29, s6;
	[sflag:s21] =	ssyncadd.s32 $0xFFFFFC00  }
0x58: {  	[hbm4b:s30+s2] =	stream.linear.scatter [tilespmem:s15], [sflag:$0x3], $0x400, $0x38;
	[tilespmem:$0x1A00] =	vst v63  }
0x59: {  	_ =	swait.ge [sflag:s12], $0x400  }
0x5a: {  	[sflag:s12] =	ssyncset.done $0x0  }
0x5b: {  	[sflag:s12] =	ssyncadd.s32 $0xFFFFFC00  }
0x5c: {  	_ =	swait.ge [sflag:s20], $0x800  }
0x5d: {  	[sflag:s20] =	ssyncset.done $0x0  }
0x5e: {  	[sflag:s20] =	ssyncadd.s32 $0xFFFFF800  }
0x5f: {  	[hbm4b:s28+s2] =	stream.linear.scatter [tilespmem:s17], [sflag:$0x3], $0x800, $0x38;
	[tilespmem:$0x1A00] =	vst v63  }
0x60: {  	_ =	swait.ge [sflag:s12], $0x800  }
0x61: {  	[sflag:s12] =	ssyncset.done $0x0  }
0x62: {  	[sflag:s12] =	ssyncadd.s32 $0xFFFFF800  }
0x63: {  	_ =	swait.ge [sflag:s21], $0x400  }
.Ltmp0:
0x64: {  	[sflag:s21] =	ssyncset.done $0x0;
	(pc) =	sbr.rel @p0 .LBB2_2-.Ltmp0, $4  }
0x65: {  	s29 =	sadd.s32 s29, s8;
	[sflag:s21] =	ssyncadd.s32 $0xFFFFFC00  }
0x66: {  	[hbm4b:s29+s2] =	stream.linear.scatter [tilespmem:s19], [sflag:$0x3], $0x400, $0x38;
	[tilespmem:$0x1A00] =	vst v63  }
0x67: {  	_ =	swait.ge [sflag:s12], $0x400  }
0x68: {  	s25 =	sadd.s32 $0x40, s25;
	s24 =	sadd.s32 $0x40, s24;
	[sflag:s12] =	ssyncset.done $0x0  }
0x69: {  	s22 =	sadd.s32 $0x1, s22  }
0x6a: {  	p0 =	sne.s32 s22, s5  }
.Ltmp1:
0x6b: {  	_ = 	snop;
	(pc) =	sbr.rel @p0 .LBB2_1-.Ltmp1, $2  }
0x6c: {  	_ =	sdelay $0x2  }
0x6d: {  	[sflag:s12] =	ssyncadd.s32 $0xFFFFFC00  }
0x6e: {  	_ =	sfence.sel $0x180000  }
0x6f: {  	[bflag:$0x0] =	sbarrier.arrive $0xFFFF  }
0x70: {  	p0 =	sne.s32 s1, $0x0;
	_ =	strace $0x9000004D  }
0x71: {  	s0 =	sadd.s32 @!p0 $0x100000, s0;
	[bflag:$0x2] =	sbarrier.arrive $0xFFFF  }
0x72: {  	[sflag:s0] =	ssyncadd.tile.s32 @!p0 $0x1;
	_ =	shalt  }
.Lfunc_end2:
_tile_overlayer_lowered:
.L_overlay_start_2:
0x73: {  	(tag) =	ssettag $0x2  }
0x74: {  	s0 =	rddreg [dreg:$0x0];
	s2 =	stileid.u32  }
0x75: {  	s1 =	rddreg [dreg:$0x1];
	p0 =	sne.s32 s2, $0x0  }
0x76: {  	s3 =	rddreg [dreg:$0x2];
	[bflag:$0x3] =	sbarrier.arrive $0xFFFF;
	s2 =	simm.s32 @!p0 $0x1C03  }
0x77: {  	[timem:s3], [sflag:s2] =	dma.local @!p0 [hbm:s0], s1  }
0x78: {  	s0 =	simm.s32 @!p0 $0x3  }
0x79: {  	_ =	swait.ge @!p0 [sflag:s0], s1  }
0x7a: {  	s1 =	ssub.s32 @!p0 $0x0, s1;
	[sflag:s0] =	ssyncset.done @!p0 $0x0  }
0x7b: {  	[sflag:s0] =	ssyncadd.s32 @!p0 s1  }
0x7c: {  	[bflag:$0x3] =	sbarrier.arrive $0xFFFF  }
0x7d: {  	_ =	shalt  }

// kernel: kernel.20.cloned.1.call-start
scs
__scs_entry_jumppad:
0x0: {  	(pc) =	sbr.rel $0x88, $3  }
0x1: {  	(tag) =	ssettag $0x0;
	lr =	simm.s32 $0x1  }
0x2: {  	[smem:$0x3F93] =	sst lr;
	_ =	strace $0xD0000000  }
0x3: {  	_ = 	snop  }
0x4: {  	_ = 	snop  }
0x5: {  	_ = 	snop  }
0x6: {  	_ = 	snop  }
0x7: {  	_ = 	snop  }
__scs_overlays_trampoline_lowered:
0x8: {  	[smem:$0x3FA2] =	sst s0  }
0x9: {  	[smem:$0x3FA3] =	sst s1  }
0xa: {  	[smem:$0x3FA4] =	sst s2  }
0xb: {  	[smem:$0x3FA5] =	sst s3  }
0xc: {  	[smem:$0x3FA6] =	sst s4  }
0xd: {  	[smem:$0x3FA7] =	sst s5  }
0xe: {  	[smem:$0x3FA8] =	sst s6  }
0xf: {  	[smem:$0x3FA9] =	sst s7  }
0x10: {  	[smem:$0x3FAA] =	sst s8  }
0x11: {  	[smem:$0x3FAB] =	sst s9;
	s0 =	simm.s32 @!p0 $0x0  }
0x12: {  	s1 =	sld [smem:$0x3F91];
	s0 =	simm.s32 @p0 $0x1  }
0x13: {  	[smem:$0x3FAC] =	sst s0;
	s0 =	simm.s32 @!p1 $0x0  }
0x14: {  	s2 =	sld [smem:$0x3F90];
	s0 =	simm.s32 @p1 $0x1  }
0x15: {  	[smem:$0x3FAD] =	sst s0;
	s0 =	simm.s32 @!p2 $0x0  }
0x16: {  	s3 =	sld [smem:$0x3FDB];
	s0 =	simm.s32 @p2 $0x1  }
0x17: {  	s4 =	simm.s32 $0x1BF5;
	[smem:$0x3FAF] =	sst s0  }
0x18: {  	s0 =	sld [smem:$0x3F92];
	_ =	swait.ge [sflag:s4], $0x0  }
0x19: {  	s7 =	sld [smem:$0x3F93]  }
0x1a: {  	s8 =	sadd.s32 $0xFFFFE003, lr  }
0x1b: {  	s9 =	sadd.s32 $0xFFFFFEF7, lr;
	s5 =	simm.s32 $0xFFFFFFFF;
	p2 =	slt.u32 s8, $0xFFFFF086  }
0x1c: {  	p1 =	slt.u32 s9, $0xF7A;
	s5 =	simm.s32 @!p2 $0x0  }
0x1d: {  	s5 =	simm.s32 @p1 $0x1;
	p0 =	seq.s32 s7, s2  }
0x1e: {  	s7 =	smul.u32 @!p0 $0xF7A, s2;
	p2 =	seq.s32 @!p0 s5, $0x0  }
0x1f: {  	s9 =	smul.u32 $0xF7A, s1;
	s8 =	simm.s32 @!p0 $0x1BF5;
	p2 =	por !p2, p0  }
0x20: {  	[sflag:s8] =	ssyncset.s32 @!p0 $0xFFFFF086;
	s6 =	sadd.s32 @!p0 s3, s7;
	s7 =	simm.s32 @!p0 $0x108  }
0x21: {  	s3 =	sadd.s32 s3, s9;
	s6 =	sadd.s32 @!p0 $0x88, s6;
	s7 =	simm.s32 @p2 $0x1082  }
0x22: {  	[simem:s7], [sflag:s8] =	dma.local @!p0 [hbm:s6], $0xF7A  }
0x23: {  	s9 =	sor.u32 $0xD0000000, s2;
	s6 =	simm.s32 $0x108;
	_ =	swait.ge @!p0 [sflag:s8], $0x0  }
0x24: {  	s3 =	sadd.s32 $0x88, s3;
	s6 =	simm.s32 @!p1 $0x1082;
	[sflag:s4] =	ssyncset.s32 $0xFFFFF086  }
0x25: {  	[simem:s6], [sflag:s4] =	dma.local [hbm:s3], $0xF7A  }
0x26: {  	[smem:$0x3F93] =	sst s1;
	(tag) =	ssettag s2;
	_ =	strace s9  }
0x27: {  	s1 =	sld [smem:$0x3FA3]  }
0x28: {  	s2 =	sld [smem:$0x3FA4]  }
0x29: {  	s4 =	sld [smem:$0x3FA6]  }
0x2a: {  	p0 =	seq.s32 s5, $0x0;
	s5 =	sld [smem:$0x3FA7]  }
0x2b: {  	s6 =	sld [smem:$0x3FA8]  }
0x2c: {  	s7 =	sld [smem:$0x3FA9]  }
0x2d: {  	s3 =	simm.s32 $0x108;
	s8 =	sld [smem:$0x3FAA]  }
0x2e: {  	s3 =	simm.s32 @!p0 $0x1082;
	s9 =	sld [smem:$0x3FAB]  }
0x2f: {  	lr =	sadd.s32 s0, s3;
	s0 =	sld [smem:$0x3FA2]  }
0x30: {  	s3 =	sld [smem:$0x3FA5]  }
0x31: {  	[smem:$0x3FAE] =	sst s10  }
0x32: {  	s10 =	sld [smem:$0x3FAC];
	_ =	sdelay $0x3  }
0x33: {  	p0 =	seq.s32 s10, $0x1;
	s10 =	sld [smem:$0x3FAE];
	_ =	sdelay $0x3  }
0x34: {  	[smem:$0x3FAE] =	sst s10  }
0x35: {  	s10 =	sld [smem:$0x3FAD];
	_ =	sdelay $0x3  }
0x36: {  	p1 =	seq.s32 s10, $0x1;
	s10 =	sld [smem:$0x3FAE];
	_ =	sdelay $0x3  }
0x37: {  	[smem:$0x3FAE] =	sst s10  }
0x38: {  	s10 =	sld [smem:$0x3FAF]  }
0x39: {  	_ = 	snop;
	(pc) =	sbr.ind lr, $3  }
0x3a: {  	_ = 	snop  }
0x3b: {  	_ = 	snop  }
0x3c: {  	p2 =	seq.s32 s10, $0x1;
	s10 =	sld [smem:$0x3FAE]  }
0x3d: {  	_ =	shalt  }
0x3e: {  	_ =	shalt  }
0x3f: {  	_ =	shalt  }
0x40: {  	_ =	shalt  }
0x41: {  	_ =	shalt  }
0x42: {  	_ =	shalt  }
0x43: {  	_ =	shalt  }
0x44: {  	_ =	shalt  }
0x45: {  	_ =	shalt  }
0x46: {  	_ =	shalt  }
0x47: {  	_ =	shalt  }
0x48: {  	_ =	shalt  }
0x49: {  	_ =	shalt  }
0x4a: {  	_ =	shalt  }
0x4b: {  	_ =	shalt  }
0x4c: {  	_ =	shalt  }
0x4d: {  	_ =	shalt  }
0x4e: {  	_ =	shalt  }
0x4f: {  	_ =	shalt  }
0x50: {  	_ =	shalt  }
0x51: {  	_ =	shalt  }
0x52: {  	_ =	shalt  }
0x53: {  	_ =	shalt  }
0x54: {  	_ =	shalt  }
0x55: {  	_ =	shalt  }
0x56: {  	_ =	shalt  }
0x57: {  	_ =	shalt  }
0x58: {  	_ =	shalt  }
0x59: {  	_ =	shalt  }
0x5a: {  	_ =	shalt  }
0x5b: {  	_ =	shalt  }
0x5c: {  	_ =	shalt  }
0x5d: {  	_ =	shalt  }
0x5e: {  	_ =	shalt  }
0x5f: {  	_ =	shalt  }
0x60: {  	_ =	shalt  }
0x61: {  	_ =	shalt  }
0x62: {  	_ =	shalt  }
0x63: {  	_ =	shalt  }
0x64: {  	_ =	shalt  }
0x65: {  	_ =	shalt  }
0x66: {  	_ =	shalt  }
0x67: {  	_ =	shalt  }
0x68: {  	_ =	shalt  }
0x69: {  	_ =	shalt  }
0x6a: {  	_ =	shalt  }
0x6b: {  	_ =	shalt  }
0x6c: {  	_ =	shalt  }
0x6d: {  	_ =	shalt  }
0x6e: {  	_ =	shalt  }
0x6f: {  	_ =	shalt  }
0x70: {  	_ =	shalt  }
0x71: {  	_ =	shalt  }
0x72: {  	_ =	shalt  }
0x73: {  	_ =	shalt  }
0x74: {  	_ =	shalt  }
0x75: {  	_ =	shalt  }
0x76: {  	_ =	shalt  }
0x77: {  	_ =	shalt  }
0x78: {  	_ =	shalt  }
0x79: {  	_ =	shalt  }
0x7a: {  	_ =	shalt  }
0x7b: {  	_ =	shalt  }
0x7c: {  	_ =	shalt  }
0x7d: {  	_ =	shalt  }
0x7e: {  	_ =	shalt  }
0x7f: {  	_ =	shalt  }
0x80: {  	_ =	shalt  }
0x81: {  	_ =	shalt  }
0x82: {  	_ =	shalt  }
0x83: {  	_ =	shalt  }
0x84: {  	_ =	shalt  }
0x85: {  	_ =	shalt  }
0x86: {  	_ =	shalt  }
0x87: {  	_ =	shalt  }
.Lfunc_end0:
.L_simem_size_0:
called_computation.3_lowered:
.L_overlay_start_0:
0x88: {  	s2 =	sld [smem:$0x3FD9]  }
0x89: {  	s3 =	sld [smem:$0x3FFE];
	_ =	sdelay $0x1  }
0x8a: {  	s1 =	srdreg.scid  }
0x8b: {  	s0 =	sand.u32 $0x1, s1  }
0x8c: {  	s17 =	sshll.u32 s0, $0xA;
	s2 =	sadd.s32 s3, s2  }
0x8d: {  	s2 =	sadd.s32 s2, s17  }
0x8e: {  	[smem:$0x3FBA] =	sst s2  }
0x8f: {  	_ = 	snop  }
0x90: {  	(tm) =	ssettm $0x1  }
0x91: {  	s18 =	sld [smem:$0x3FFB];
	_ =	sdelay $0x3  }
0x92: {  	_ =	strace s18  }
0x93: {  	s2 =	sld [smem:$0x3FFC];
	_ =	sdelay $0x3  }
0x94: {  	_ =	strace s2  }
0x95: {  	s2 =	sld [smem:$0x3FFD];
	_ =	sdelay $0x3  }
0x96: {  	_ =	strace s2  }
0x97: {  	_ =	strace $0x8FFFFFFF  }
0x98: {  	s19 =	sld [smem:$0x3FDB];
	_ =	sdelay $0x1  }
0x99: {  	s20 =	simm.s32 $_scs_section_size  }
0x9a: {  	s4 =	simm.s32 $_size__tile_overlayer_lowered;
	s5 =	simm.s32 $_tile_overlayer_lowered  }
0x9b: {  	s6 =	simm.s32 $0x1BFF;
	s21 =	sshll.u32 s5, $0x1;
	s3 =	sadd.s32 s20, s19  }
0x9c: {  	s22 =	simm.s32 $0x0;
	s4 =	sshll.u32 s4, $0x1;
	s5 =	sadd.s32 s21, s3  }
0x9d: {  	[timem:s22], [sflag:s6] =	dma.local [hbm:s5], s4  }
0x9e: {  	_ =	swait.ge [sflag:s6], s4  }
0x9f: {  	s4 =	ssub.s32 $0x0, s4;
	[sflag:s6] =	ssyncset.done $0x0  }
0xa0: {  	[sflag:s6] =	ssyncadd.s32 s4;
	_ =	sdelay $0x1  }
0xa1: {  	s23 =	simm.s32 $0x1B8B  }
0xa2: {  	_ =	swait.ge [sflag:s23], $0x1  }
0xa3: {  	[sflag:s23] =	ssyncset.done $0x0  }
0xa4: {  	[sflag:s23] =	ssyncadd.s32 $0xFFFFFFFF  }
0xa5: {  	s4 =	sld [smem:$0x0]  }
0xa6: {  	s5 =	sand.u32 $0xFFFFFFFE, s1  }
0xa7: {  	p0 =	sne.s32 s1, s5  }
0xa8: {  	s5 =	sshll.u32 @p0 s5, $0xE  }
0xa9: {  	s5 =	sadd.s32 @p0 $0x11B8D, s5;
	s6 =	sshll.u32 @p0 s4, $0x11  }
0xaa: {  	s5 =	sor.u32 @p0 s6, s5  }
0xab: {  	[sflag:s5] =	ssyncadd.remote.s32 @p0 $0x1;
	_ =	sdelay $0x1  }
0xac: {  	s5 =	simm.s32 @p0 $0x1B8D  }
0xad: {  	_ =	swait.eq @p0 [sflag:s5], $0x1  }
0xae: {  	[sflag:s5] =	ssyncadd.s32 @p0 $0xFFFFFFFF  }
0xaf: {  	s6 =	sshll.u32 @!p0 s1, $0xE  }
0xb0: {  	s6 =	sor.u32 @!p0 $0x4000, s6;
	s5 =	simm.s32 @!p0 $0x1B8D  }
0xb1: {  	s4 =	sshll.u32 @!p0 s4, $0x11;
	s6 =	sadd.s32 @!p0 $0x11B8D, s6;
	_ =	swait.eq @!p0 [sflag:s5], $0x1  }
0xb2: {  	s4 =	sor.u32 @!p0 s4, s6;
	[sflag:s5] =	ssyncadd.s32 @!p0 $0xFFFFFFFF  }
0xb3: {  	s25 =	simm.s32 $0x1B8E;
	s24 =	sld [smem:$0x3FFE];
	[sflag:s4] =	ssyncadd.remote.s32 @!p0 $0x1  }
0xb4: {  	s26 =	simm.s32 $execute0_lowered;
	[smem:$0x3FD2] =	sst s25  }
0xb5: {  	s5 =	sshll.u32 s26, $0x1;
	_ =	strace $0x8000004F;
	[dreg:$0x1] =	wrdreg $0xFFFFFFFF  }
0xb6: {  	s28 =	simm.s32 $_size_execute0_lowered;
	s3 =	sadd.s32 s3, s5;
	[dreg:$0x0] =	wrdreg $0x0  }
0xb7: {  	s5 =	sshll.u32 s28, $0x1;
	[dreg:$0x2] =	wrdreg s3  }
0xb8: {  	[dreg:$0x3] =	wrdreg s5  }
0xb9: {  	[dreg:$0x4] =	wrdreg $0xC0  }
0xba: {  	_ =	task [dreg:s22], $0x5FFFF  }
0xbb: {  	[dreg:$0x1] =	wrdreg $0xFFFFFFFF  }
0xbc: {  	[dreg:$0x0] =	wrdreg $0x60  }
0xbd: {  	[dreg:$0x2] =	wrdreg s24  }
0xbe: {  	[dreg:$0x3] =	wrdreg $0xC  }
0xbf: {  	_ =	task.clear_ibuf [dreg:s22], $0x4FFFF;
	_ =	strace $0x9000004F  }
0xc0: {  	s29 =	simm.s32 $0xC;
	_ =	strace $0x80000051  }
0xc1: {  	_ =	swait.ge [sflag:s29], $0x1  }
0xc2: {  	[sflag:s29] =	ssyncadd.s32 $0xFFFFFFFF  }
0xc3: {  	_ =	strace $0x90000051  }
0xc4: {  	_ =	sfence  }
0xc5: {  	s30 =	sld [smem:$0x0];
	_ =	sdelay $0x2  }
0xc6: {  	s31 =	sshll.u32 s1, $0xD;
	s1 =	sshrl.u32 s1, $0x2  }
0xc7: {  	s4 =	sand.u32 $0x4000, s31;
	s1 =	sadd.s32 s1, s30  }
0xc8: {  	s0 =	sor.u32 s4, s0;
	s1 =	sshll.u32 s1, $0x11  }
0xc9: {  	s0 =	sor.u32 s1, s0  }
0xca: {  	s0 =	sadd.s32 $0x8F2B, s0  }
0xcb: {  	[sflag:s0] =	ssyncadd.remote.s32 $0x1  }
0xcc: {  	_ =	sfence.sel $0xFFFF  }
0xcd: {  	[dreg:$0x0] =	wrdreg $0xFFFFFFFF;
	(pc) =	sbr.abs _section_cstart, $3  }
0xce: {  	[dreg:$0x1] =	wrdreg $0xFFFFFFFF  }
0xcf: {  	_ =	task.clear_ibuf [dreg:s22], $0x2FFFF;
	_ =	strace $0x9FFFFFFF  }
0xd0: {  	(tm) =	ssettm $0x7FFFFFFF  }
0xd1: {  	_ =	shalt  }
tec
execute0_lowered:
.L_overlay_start_1:
0x0: {  	(tag) =	ssettag $0x1  }
0x1: {  	s5 =	rddreg [dreg:$0x0]  }
0x2: {  	s0 =	rddreg [dreg:$0x1];
	s2 =	simm.s32 $0x0;
	s1 =	stileid.u32  }
0x3: {  	s6 =	srdreg.scid;
	s16 =	simm.s32 $0x100;
	s17 =	simm.s32 $0xA00  }
0x4: {  	s18 =	simm.s32 $0x180;
	s19 =	simm.s32 $0x1600;
	s7 =	smul.u32 $0xA00, s1  }
0x5: {  	s20 =	simm.s32 $0x1;
	s21 =	simm.s32 $0x2;
	s25 =	smul.u32 $0x14, s1  }
0x6: {  	s22 =	simm.s32 $0x0;
	[smem:$0x7FF] =	sst s2;
	s28 =	smul.u32 $0x1400, s1  }
0x7: {  	s3 =	sadd.s32 $0x2D400, s5;
	s9 =	sand.u32 $0x1, s6;
	s30 =	smul.u32 $0x280, s1  }
0x8: {  	s4 =	sadd.s32 $0x32400, s5;
	s11 =	sadd.s32 $0x96400, s5;
	s12 =	smul.u32 $0xA, s9  }
0x9: {  	s10 =	sadd.s32 $0x98C00, s5;
	s13 =	sadd.s32 $0xACC00, s5;
	s14 =	smul.u32 $0x500, s9  }
0xa: {  	_ =	strace $0x80000050;
	s8 =	ssub.s32 $0x2, s9;
	s15 =	smul.u32 $0xA00, s9  }
0xb: {  	s31 =	smul.u32 $0x140, s9;
	s26 =	sshrl.u32 s8, $0x1;
	s7 =	sadd.s32 s7, s13  }
0xc: {  	s5 =	ssub.s32 s8, s26;
	s12 =	sadd.s32 s12, s25;
	s8 =	sadd.s32 s28, s10  }
0xd: {  	s5 =	smax.u32 s5, $0x1;
	s6 =	sshll.u32 s12, $0x7;
	s29 =	sshll.u32 s12, $0x8  }
0xe: {  	s12 =	sshll.u32 s12, $0x5;
	s13 =	sadd.s32 s6, s13;
	s6 =	sadd.s32 s14, s7  }
0xf: {  	s7 =	sadd.s32 s15, s8;
	s10 =	sadd.s32 s29, s10;
	s12 =	sadd.s32 s12, s11  }
0x10: {  	s11 =	sadd.s32 s30, s11;
	s14 =	simm.s32 $0x200;
	s15 =	simm.s32 $0x1200  }
0x11: {  	s8 =	sadd.s32 $0x80, s13;
	s9 =	sadd.s32 $0x100, s10;
	s10 =	sadd.s32 $0x20, s12  }
0x12: {  	s11 =	sadd.s32 s31, s11;
	s12 =	simm.s32 $0x3;
	s13 =	simm.s32 $0x80  }
.LBB2_1:
0x13: {  	[tilespmem:s2], [sflag:$0x3] =	stream.linear.gather [hbm4b:s11+s2], $0x100, $0x38;
	[tilespmem:$0x1A00] =	vst v63  }
0x14: {  	_ =	swait.ge [sflag:s12], $0x100  }
0x15: {  	[sflag:s12] =	ssyncset.done $0x0  }
0x16: {  	[sflag:s12] =	ssyncadd.s32 $0xFFFFFF00  }
0x17: {  	[tilespmem:s14], [sflag:$0x1] =	stream.indirect.gather [hbm4b:s3+s13], $0x10, s2, s13, $0xb8;
	[tilespmem:$0x1A00] =	vst v63  }
0x18: {  	_ = 	snop  }
0x19: {  	[tilespmem:s15], [sflag:$0x2] =	stream.indirect.gather [hbm4b:s4+s13], $0x8, s13, s13, $0xb8;
	[tilespmem:$0x1A00] =	vst v63  }
0x1a: {  	_ = 	snop  }
0x1b: {  	[tilespmem:s16], [sflag:$0x3] =	stream.linear.gather [hbm4b:s10+s2], $0x100, $0x38;
	[tilespmem:$0x1A00] =	vst v63  }
0x1c: {  	_ =	swait.ge [sflag:s12], $0x100  }
0x1d: {  	[sflag:s12] =	ssyncset.done $0x0  }
0x1e: {  	[sflag:s12] =	ssyncadd.s32 $0xFFFFFF00  }
0x1f: {  	[tilespmem:s17], [sflag:$0x1] =	stream.indirect.gather [hbm4b:s3+s13], $0x10, s16, s13, $0xb8;
	[tilespmem:$0x1A00] =	vst v63  }
0x20: {  	_ = 	snop  }
0x21: {  	[tilespmem:s19], [sflag:$0x2] =	stream.indirect.gather [hbm4b:s4+s13], $0x8, s18, s13, $0xb8;
	[tilespmem:$0x1A00] =	vst v63  }
0x22: {  	_ =	swait.ge [sflag:s20], $0x800  }
0x23: {  	[sflag:s20] =	ssyncset.done $0x0  }
0x24: {  	[sflag:s20] =	ssyncadd.s32 $0xFFFFF800  }
0x25: {  	[hbm4b:s7+s2] =	stream.linear.scatter [tilespmem:s14], [sflag:$0x3], $0x800, $0x38;
	[tilespmem:$0x1A00] =	vst v63  }
0x26: {  	_ =	swait.ge [sflag:s12], $0x800  }
0x27: {  	[sflag:s12] =	ssyncset.done $0x0  }
0x28: {  	[sflag:s12] =	ssyncadd.s32 $0xFFFFF800  }
0x29: {  	_ =	swait.ge [sflag:s21], $0x400  }
0x2a: {  	[sflag:s21] =	ssyncset.done $0x0  }
0x2b: {  	s23 =	sadd.s32 $0x0, s6;
	[sflag:s21] =	ssyncadd.s32 $0xFFFFFC00  }
0x2c: {  	[hbm4b:s23+s2] =	stream.linear.scatter [tilespmem:s15], [sflag:$0x3], $0x400, $0x38;
	[tilespmem:$0x1A00] =	vst v63  }
0x2d: {  	_ =	swait.ge [sflag:s12], $0x400  }
0x2e: {  	[sflag:s12] =	ssyncset.done $0x0  }
0x2f: {  	[sflag:s12] =	ssyncadd.s32 $0xFFFFFC00  }
0x30: {  	_ =	swait.ge [sflag:s20], $0x800  }
0x31: {  	[sflag:s20] =	ssyncset.done $0x0  }
0x32: {  	[sflag:s20] =	ssyncadd.s32 $0xFFFFF800  }
0x33: {  	[hbm4b:s9+s2] =	stream.linear.scatter [tilespmem:s17], [sflag:$0x3], $0x800, $0x38;
	[tilespmem:$0x1A00] =	vst v63  }
0x34: {  	_ =	swait.ge [sflag:s12], $0x800  }
0x35: {  	[sflag:s12] =	ssyncset.done $0x0  }
0x36: {  	[sflag:s12] =	ssyncadd.s32 $0xFFFFF800  }
0x37: {  	_ =	swait.ge [sflag:s21], $0x400  }
0x38: {  	[sflag:s21] =	ssyncset.done $0x0  }
0x39: {  	s31 =	sadd.s32 $0x0, s8;
	s24 =	sadd.s32 $0x40, s10;
	[sflag:s21] =	ssyncadd.s32 $0xFFFFFC00  }
0x3a: {  	[hbm4b:s31+s2] =	stream.linear.scatter [tilespmem:s19], [sflag:$0x3], $0x400, $0x38;
	[tilespmem:$0x1A00] =	vst v63  }
0x3b: {  	s25 =	sadd.s32 $0x40, s11;
	s26 =	smov.u32 s7;
	_ =	swait.ge [sflag:s12], $0x400  }
0x3c: {  	s28 =	smov.u32 s9;
	s23 =	simm.s32 $0x100;
	[sflag:s12] =	ssyncset.done $0x0  }
.LBB2_2:
0x3d: {  	[sflag:s12] =	ssyncadd.s32 $0xFFFFFC00  }
0x3e: {  	s26 =	sadd.s32 $0x200, s26;
	s28 =	sadd.s32 $0x200, s28;
	s29 =	smov.u32 s23  }
0x3f: {  	[tilespmem:s2], [sflag:$0x3] =	stream.linear.gather [hbm4b:s25+s2], $0x100, $0x38;
	[tilespmem:$0x1A00] =	vst v63  }
0x40: {  	p0 =	sne.s32 s23, $0x400;
	s23 =	sadd.s32 $0x100, s23;
	_ =	swait.ge [sflag:s12], $0x100  }
0x41: {  	[sflag:s12] =	ssyncset.done $0x0  }
0x42: {  	[sflag:s12] =	ssyncadd.s32 $0xFFFFFF00  }
0x43: {  	[tilespmem:s14], [sflag:$0x1] =	stream.indirect.gather [hbm4b:s3+s13], $0x10, s2, s13, $0xb8;
	[tilespmem:$0x1A00] =	vst v63  }
0x44: {  	_ = 	snop  }
0x45: {  	[tilespmem:s15], [sflag:$0x2] =	stream.indirect.gather [hbm4b:s4+s13], $0x8, s13, s13, $0xb8;
	[tilespmem:$0x1A00] =	vst v63  }
0x46: {  	_ = 	snop  }
0x47: {  	[tilespmem:s16], [sflag:$0x3] =	stream.linear.gather [hbm4b:s24+s2], $0x100, $0x38;
	[tilespmem:$0x1A00] =	vst v63  }
0x48: {  	_ =	swait.ge [sflag:s12], $0x100  }
0x49: {  	[sflag:s12] =	ssyncset.done $0x0  }
0x4a: {  	[sflag:s12] =	ssyncadd.s32 $0xFFFFFF00  }
0x4b: {  	[tilespmem:s17], [sflag:$0x1] =	stream.indirect.gather [hbm4b:s3+s13], $0x10, s16, s13, $0xb8;
	[tilespmem:$0x1A00] =	vst v63  }
0x4c: {  	_ = 	snop  }
0x4d: {  	[tilespmem:s19], [sflag:$0x2] =	stream.indirect.gather [hbm4b:s4+s13], $0x8, s18, s13, $0xb8;
	[tilespmem:$0x1A00] =	vst v63  }
0x4e: {  	_ =	swait.ge [sflag:s20], $0x800  }
0x4f: {  	[sflag:s20] =	ssyncset.done $0x0  }
0x50: {  	[sflag:s20] =	ssyncadd.s32 $0xFFFFF800  }
0x51: {  	[hbm4b:s26+s2] =	stream.linear.scatter [tilespmem:s14], [sflag:$0x3], $0x800, $0x38;
	[tilespmem:$0x1A00] =	vst v63  }
0x52: {  	_ =	swait.ge [sflag:s12], $0x800  }
0x53: {  	[sflag:s12] =	ssyncset.done $0x0  }
0x54: {  	[sflag:s12] =	ssyncadd.s32 $0xFFFFF800  }
0x55: {  	_ =	swait.ge [sflag:s21], $0x400  }
0x56: {  	[sflag:s21] =	ssyncset.done $0x0  }
0x57: {  	s30 =	sadd.s32 s29, s6;
	[sflag:s21] =	ssyncadd.s32 $0xFFFFFC00  }
0x58: {  	[hbm4b:s30+s2] =	stream.linear.scatter [tilespmem:s15], [sflag:$0x3], $0x400, $0x38;
	[tilespmem:$0x1A00] =	vst v63  }
0x59: {  	_ =	swait.ge [sflag:s12], $0x400  }
0x5a: {  	[sflag:s12] =	ssyncset.done $0x0  }
0x5b: {  	[sflag:s12] =	ssyncadd.s32 $0xFFFFFC00  }
0x5c: {  	_ =	swait.ge [sflag:s20], $0x800  }
0x5d: {  	[sflag:s20] =	ssyncset.done $0x0  }
0x5e: {  	[sflag:s20] =	ssyncadd.s32 $0xFFFFF800  }
0x5f: {  	[hbm4b:s28+s2] =	stream.linear.scatter [tilespmem:s17], [sflag:$0x3], $0x800, $0x38;
	[tilespmem:$0x1A00] =	vst v63  }
0x60: {  	_ =	swait.ge [sflag:s12], $0x800  }
0x61: {  	[sflag:s12] =	ssyncset.done $0x0  }
0x62: {  	[sflag:s12] =	ssyncadd.s32 $0xFFFFF800  }
0x63: {  	_ =	swait.ge [sflag:s21], $0x400  }
.Ltmp0:
0x64: {  	[sflag:s21] =	ssyncset.done $0x0;
	(pc) =	sbr.rel @p0 .LBB2_2-.Ltmp0, $4  }
0x65: {  	s29 =	sadd.s32 s29, s8;
	[sflag:s21] =	ssyncadd.s32 $0xFFFFFC00  }
0x66: {  	[hbm4b:s29+s2] =	stream.linear.scatter [tilespmem:s19], [sflag:$0x3], $0x400, $0x38;
	[tilespmem:$0x1A00] =	vst v63  }
0x67: {  	_ =	swait.ge [sflag:s12], $0x400  }
0x68: {  	s25 =	sadd.s32 $0x40, s25;
	s24 =	sadd.s32 $0x40, s24;
	[sflag:s12] =	ssyncset.done $0x0  }
0x69: {  	s22 =	sadd.s32 $0x1, s22  }
0x6a: {  	p0 =	sne.s32 s22, s5  }
.Ltmp1:
0x6b: {  	_ = 	snop;
	(pc) =	sbr.rel @p0 .LBB2_1-.Ltmp1, $2  }
0x6c: {  	_ =	sdelay $0x2  }
0x6d: {  	[sflag:s12] =	ssyncadd.s32 $0xFFFFFC00  }
0x6e: {  	_ =	sfence.sel $0x180000  }
0x6f: {  	[bflag:$0x0] =	sbarrier.arrive $0xFFFF  }
0x70: {  	p0 =	sne.s32 s1, $0x0;
	_ =	strace $0x90000050  }
0x71: {  	s0 =	sadd.s32 @!p0 $0x100000, s0;
	[bflag:$0x2] =	sbarrier.arrive $0xFFFF  }
0x72: {  	[sflag:s0] =	ssyncadd.tile.s32 @!p0 $0x1;
	_ =	shalt  }
.Lfunc_end2:
_tile_overlayer_lowered:
.L_overlay_start_2:
0x73: {  	(tag) =	ssettag $0x2  }
0x74: {  	s0 =	rddreg [dreg:$0x0];
	s2 =	stileid.u32  }
0x75: {  	s1 =	rddreg [dreg:$0x1];
	p0 =	sne.s32 s2, $0x0  }
0x76: {  	s3 =	rddreg [dreg:$0x2];
	[bflag:$0x3] =	sbarrier.arrive $0xFFFF;
	s2 =	simm.s32 @!p0 $0x1C03  }
0x77: {  	[timem:s3], [sflag:s2] =	dma.local @!p0 [hbm:s0], s1  }
0x78: {  	s0 =	simm.s32 @!p0 $0x3  }
0x79: {  	_ =	swait.ge @!p0 [sflag:s0], s1  }
0x7a: {  	s1 =	ssub.s32 @!p0 $0x0, s1;
	[sflag:s0] =	ssyncset.done @!p0 $0x0  }
0x7b: {  	[sflag:s0] =	ssyncadd.s32 @!p0 s1  }
0x7c: {  	[bflag:$0x3] =	sbarrier.arrive $0xFFFF  }
0x7d: {  	_ =	shalt  }

</sc_bundles>
